<compile_context>
chip_gen: v7x
topology: tpu7x:2x2x1
jax: 0.10.2.dev20260603
libtpu: 0.0.44.dev20260713+nightly
codegen_flags: <defaults>
</compile_context>

<pallas_src>
import functools

import jax
import jax.numpy as jnp
import jax.lax as lax
from jax.experimental import pallas as pl
from jax.experimental.pallas import tpu as pltpu
from jax.experimental.pallas import tpu_sc as plsc

_PRE_NMS_THRESH = 0.05
_NMS_THRESH = 0.6
_NUM_CLASSES = 80
_HWA = 128 * 128
_IMG = 1024.0
_STD = (0.1, 0.1, 0.2, 0.2)

_NCAND = 4096
_NSORT = 1024
_NOUT = 128

_HIGHEST = jax.lax.Precision.HIGHEST


def _dotg(a, b, contract):
    return lax.dot_general(a, b, (contract, ((), ())),
                           precision=_HIGHEST,
                           preferred_element_type=jnp.float32)



def _score_body(cls_ref, ctr_ref, scls_ref, out_ref):
    cls = jax.nn.sigmoid(cls_ref[...])
    ctr = jax.nn.sigmoid(ctr_ref[...])
    scls = jax.nn.sigmoid(scls_ref[...])
    prob = jnp.sqrt(cls * ctr)
    keep = prob > _PRE_NMS_THRESH
    out_ref[...] = jnp.where(keep, prob * scls, -1.0)


def _scores_native(box_cls, box_center, stft_box_cls):
    cls2 = box_cls.reshape(_NUM_CLASSES, _HWA)
    ctr2 = box_center.reshape(1, _HWA)
    scls2 = stft_box_cls.reshape(_NUM_CLASSES, _HWA)
    return pl.pallas_call(
        _score_body,
        out_shape=jax.ShapeDtypeStruct((_NUM_CLASSES, _HWA), jnp.float32),
    )(cls2, ctr2, scls2)



_NC, _NS, _L = 2, 16, 16
_NFLAT = _NUM_CLASSES * _HWA
_EPW = _NFLAT // (_NC * _NS)
_NBIN = 2048
_SLOTS = _NCAND // (_NC * _NS)
_QUOTA = 1000


def _sc_topk_body(flat_hbm, zeros_hbm, ovals_hbm, oidx_hbm,
                  buf, histflat, hist, outv, outi, shist):
    i32 = jnp.int32
    core = lax.axis_index("c")
    sub = lax.axis_index("s")
    wid = core * _NS + sub
    gbase = wid * _EPW
    lane = lax.broadcasted_iota(i32, (_L,), 0)
    laneoff = lane * (_NBIN + 1)
    ones_i = jnp.ones((_L,), i32)

    pltpu.sync_copy(flat_hbm.at[pl.ds(gbase, _EPW)], buf)

    def histogram(level_mask_fn, bin_fn):
        pltpu.sync_copy(zeros_hbm, histflat)

        def hbody(i, _):
            for u in range(4):
                v = buf[pl.ds((i * 4 + u) * _L, _L)]
                vm = jnp.maximum(v, 0.0)
                plsc.addupdate_scatter(histflat, [laneoff + bin_fn(vm)],
                                       ones_i, mask=level_mask_fn(vm))
            return 0

        lax.fori_loop(0, _EPW // _L // 4, hbody, 0)

        def make_rbody(stride):
            def rbody(c, _):
                acc = jnp.zeros((_L,), i32)
                for l in range(_L):
                    acc = acc + histflat[pl.ds(l * stride + c * _L, _L)]
                hist[pl.ds(c * _L, _L)] = acc
                return 0
            return rbody

        lax.fori_loop(0, _NBIN // _L, make_rbody(_NBIN + 1), 0)

        pltpu.sync_copy(hist, shist.at[pl.ds(sub * _NBIN, _NBIN)])
        plsc.subcore_barrier()
        pltpu.sync_copy(shist, histflat.at[pl.ds(0, _NS * _NBIN)])
        lax.fori_loop(0, _NBIN // _L, make_rbody(_NBIN), 0)
        plsc.subcore_barrier()

    def search(r):
        def sbody(i, carry):
            cnt_bins, running, prefix_sel, total = carry
            c = (_NBIN // _L - 1) - i
            chunk = hist[pl.ds(c * _L, _L)]
            suff = lax.rev(plsc.cumsum(lax.rev(chunk, (0,))), (0,))
            s_inc = running + suff
            ge = s_inc >= r
            cnt_bins = cnt_bins + jnp.max(plsc.all_reduce_population_count(ge))
            csum = jnp.sum(chunk)
            prefix_sel = prefix_sel + jnp.sum(jnp.where(ge, chunk, 0))
            return (cnt_bins, running + csum, prefix_sel, total + csum)

        cnt_bins, _, prefix_sel, total = lax.fori_loop(
            0, _NBIN // _L, sbody,
            (jnp.int32(0), jnp.int32(0), jnp.int32(0), jnp.int32(0)))
        tau = cnt_bins - 1
        count_above = total - prefix_sel
        return tau, count_above

    nb = jnp.float32(_NBIN)
    top = jnp.int32(_NBIN - 1)

    def bin1(vm):
        return jnp.minimum((vm * nb).astype(i32), top)

    def bin2(vm):
        b1 = bin1(vm)
        u = vm * nb - b1.astype(jnp.float32)
        return jnp.clip((u * nb).astype(i32), 0, top)

    histogram(lambda vm: vm >= 0.0, bin1)
    tau1, above1 = search(jnp.int32(_QUOTA))
    r2 = jnp.maximum(_QUOTA - above1, 1)

    histogram(lambda vm: bin1(vm) == tau1, bin2)
    tau2, _ = search(r2)

    for j in range(_SLOTS // _L):
        outv[pl.ds(j * _L, _L)] = jnp.full((_L,), -1.0, jnp.float32)
        outi[pl.ds(j * _L, _L)] = jnp.zeros((_L,), i32)

    def cbody(i, off):
        for u in range(4):
            j = i * 4 + u
            v = buf[pl.ds(j * _L, _L)]
            vm = jnp.maximum(v, 0.0)
            b1 = bin1(vm)
            m = ((b1 > tau1) | ((b1 == tau1) & (bin2(vm) >= tau2))) & (v > 0.0)
            slot = jnp.minimum(off, _SLOTS)
            plsc.store_compressed(outv.at[pl.ds(slot, _L)], v, mask=m)
            gi = gbase + j * _L + lane
            plsc.store_compressed(outi.at[pl.ds(slot, _L)], gi, mask=m)
            off = off + jnp.max(plsc.all_reduce_population_count(m))
        return off

    lax.fori_loop(0, _EPW // _L // 4, cbody, jnp.int32(0))

    obase = wid * _SLOTS
    pltpu.sync_copy(outv.at[pl.ds(0, _SLOTS)], ovals_hbm.at[pl.ds(obase, _SLOTS)])
    pltpu.sync_copy(outi.at[pl.ds(0, _SLOTS)], oidx_hbm.at[pl.ds(obase, _SLOTS)])


def _sc_topk(flat):
    zeros = jnp.zeros((_L * (_NBIN + 1),), jnp.int32)
    mesh = plsc.VectorSubcoreMesh(core_axis_name="c", subcore_axis_name="s",
                                  num_cores=_NC, num_subcores=_NS)
    run = pl.kernel(
        _sc_topk_body,
        out_type=[
            jax.ShapeDtypeStruct((_NCAND,), jnp.float32),
            jax.ShapeDtypeStruct((_NCAND,), jnp.int32),
        ],
        mesh=mesh,
        compiler_params=pltpu.CompilerParams(needs_layout_passes=False),
        scratch_types=[
            pltpu.VMEM((_EPW,), jnp.float32),
            pltpu.VMEM((_L * (_NBIN + 1),), jnp.int32),
            pltpu.VMEM((_NBIN,), jnp.int32),
            pltpu.VMEM((_SLOTS + _L,), jnp.float32),
            pltpu.VMEM((_SLOTS + _L,), jnp.int32),
            pltpu.VMEM_SHARED((_NS * _NBIN,), jnp.int32),
        ],
    )
    return run(flat, zeros)



def _post_body(vr_ref, tr_ref, xt_ref, x4_ref, tm_ref,
               obox_ref, oscore_ref, ocls_ref, iou_ref, cols_ref):
    N, S, O = _NCAND, _NSORT, _NOUT
    f32 = jnp.float32

    ri_c = lax.broadcasted_iota(jnp.int32, (S, 1), 0)
    ri_r = lax.broadcasted_iota(jnp.int32, (1, S), 1)
    identS = (ri_c == ri_r).astype(f32)
    r_row = ri_r.astype(f32)

    def sel_blk(ib, carry):
        sc, sr = carry
        vc_b = x4_ref[pl.ds(ib * S, S), 0:1]
        tc_b = x4_ref[pl.ds(ib * S, S), 1:2]

        def rank_in(jb, acc):
            vr_j = vr_ref[:, pl.ds(jb * S, S)]
            tr_j = tr_ref[:, pl.ds(jb * S, S)]
            beats = ((vr_j > vc_b) |
                     ((vr_j == vc_b) & (tr_j < tc_b))).astype(f32)
            return acc + jnp.sum(beats, axis=1, keepdims=True)

        rank_b = lax.fori_loop(0, N // S, rank_in, jnp.zeros((S, 1), f32))
        P_blk = (rank_b == r_row).astype(f32)
        X_bT = xt_ref[:, pl.ds(ib * S, S)]
        sc = sc + _dotg(P_blk, X_bT, ((0,), (1,)))
        sr = sr + _dotg(X_bT, P_blk, ((1,), (0,)))
        return sc, sr

    sorted_cols, sorted_rows = lax.fori_loop(
        0, N // S, sel_blk,
        (jnp.zeros((S, 2), f32), jnp.zeros((2, S), f32)))

    svals_c = sorted_cols[:, 0:1]
    svals_r = sorted_rows[0:1, :]
    si_c = sorted_cols[:, 1:2].astype(jnp.int32)
    si_r = sorted_rows[1:2, :].astype(jnp.int32)
    pos_c = si_c & (_HWA - 1)
    cls_c = ((si_c >> 14) + 1).astype(f32)
    cls_r = ((si_r >> 14) + 1).astype(f32)

    lo_c = (pos_c & 1023).astype(f32)
    hi_c = pos_c >> 10
    G_lo = (lo_c == r_row).astype(f32)
    D = _dotg(G_lo, tm_ref[...], ((1,), (0,)))
    lane128 = lax.broadcasted_iota(jnp.int32, (1, 128), 1)
    Dm = D * (hi_c == (lane128 >> 3)).astype(f32)
    l_col = lax.broadcasted_iota(jnp.int32, (128, 1), 0)
    c_row8 = lax.broadcasted_iota(jnp.int32, (1, 8), 1)
    R = ((l_col & 7) == c_row8).astype(f32)
    gath = _dotg(Dm, R, ((1,), (0,)))
    gathT = _dotg(R, Dm, ((0,), (1,)))

    base_c = gath[:, 0:4]
    reg_c = gath[:, 4:8]
    wh_c = base_c[:, 2:4] - base_c[:, 0:2]
    detwh_c = jnp.concatenate([wh_c, wh_c], axis=1)
    std_r = jnp.where(lax.broadcasted_iota(jnp.int32, (1, 4), 1) < 2,
                      0.1, 0.2).astype(f32)
    boxes_c = base_c + reg_c * std_r * detwh_c

    base_T = gathT[0:4, :]
    reg_T = gathT[4:8, :]
    wh_T = base_T[2:4, :] - base_T[0:2, :]
    detwh_T = jnp.concatenate([wh_T, wh_T], axis=0)
    std_c = jnp.where(lax.broadcasted_iota(jnp.int32, (4, 1), 0) < 2,
                      0.1, 0.2).astype(f32)
    boxes_T = base_T + reg_T * std_c * detwh_T

    valid_c = (svals_c > 0.0) & (ri_c < 1000)
    valid_r = (svals_r > 0.0) & (ri_r < 1000)
    scr_c = jnp.sqrt(jnp.maximum(svals_c, 1e-12)) * valid_c.astype(f32)
    scr_r = jnp.sqrt(jnp.maximum(svals_r, 1e-12)) * valid_r.astype(f32)

    off_c = cls_c * (2.0 * _IMG)
    off_r = cls_r * (2.0 * _IMG)
    x1c, y1c = boxes_c[:, 0:1] + off_c, boxes_c[:, 1:2] + off_c
    x2c, y2c = boxes_c[:, 2:3] + off_c, boxes_c[:, 3:4] + off_c
    x1r, y1r = boxes_T[0:1, :] + off_r, boxes_T[1:2, :] + off_r
    x2r, y2r = boxes_T[2:3, :] + off_r, boxes_T[3:4, :] + off_r

    area_c = jnp.maximum(x2c - x1c, 0.0) * jnp.maximum(y2c - y1c, 0.0)
    area_r = jnp.maximum(x2r - x1r, 0.0) * jnp.maximum(y2r - y1r, 0.0)

    cols_ref[...] = jnp.concatenate(
        [x1c, y1c, x2c, y2c, area_c, area_c, area_c, area_c], axis=1)

    RB = 128

    def iou_blk(rb, _):
        cb = cols_ref[pl.ds(rb * RB, RB), :]
        ltx = jnp.maximum(cb[:, 0:1], x1r)
        lty = jnp.maximum(cb[:, 1:2], y1r)
        rbx = jnp.minimum(cb[:, 2:3], x2r)
        rby = jnp.minimum(cb[:, 3:4], y2r)
        inter = jnp.maximum(rbx - ltx, 0.0) * jnp.maximum(rby - lty, 0.0)
        union = cb[:, 4:5] + area_r - inter
        iou_ref[pl.ds(rb * RB, RB), :] = inter / jnp.maximum(union, 1e-9)
        return 0

    lax.fori_loop(0, S // RB, iou_blk, 0)

    NB_ = 128
    ci_b = lax.broadcasted_iota(jnp.int32, (1, NB_), 1)
    keep_r = valid_r.astype(f32)
    parts = []
    for b in range(S // NB_):
        keep_blk = keep_r[:, b * NB_:(b + 1) * NB_]

        def inner(i, kb, b=b):
            row = iou_ref[pl.ds(b * NB_ + i, 1), :]
            row_b = row[:, b * NB_:(b + 1) * NB_]
            ki = jnp.max(jnp.where(ci_b == i, kb, 0.0))
            sup = (row_b > _NMS_THRESH) & (ci_b > i) & (ki > 0.5)
            return jnp.where(sup, 0.0, kb)

        keep_blk = lax.fori_loop(0, NB_, inner, keep_blk)
        if b < S // NB_ - 1:
            rest_n = S - (b + 1) * NB_
            gt = (iou_ref[pl.ds(b * NB_, NB_), pl.ds((b + 1) * NB_, rest_n)]
                  > _NMS_THRESH).astype(f32)
            cnt = lax.dot_general(keep_blk, gt, (((1,), (0,)), ((), ())),
                                  preferred_element_type=f32)
            rest = jnp.where(cnt > 0.5, 0.0, keep_r[:, (b + 1) * NB_:])
            keep_r = jnp.concatenate(parts + [keep_blk, rest], axis=1)
        else:
            keep_r = jnp.concatenate(parts + [keep_blk], axis=1)
        parts.append(keep_blk)

    sel_r = jnp.where(keep_r > 0.5, scr_r, -1.0)
    sel_c = _dotg(identS, sel_r, ((1,), (1,)))
    beats2 = ((sel_r > sel_c) | ((sel_r == sel_c) & (ri_r < ri_c))).astype(f32)
    rank2 = jnp.sum(beats2, axis=1, keepdims=True)
    o_row = lax.broadcasted_iota(jnp.int32, (1, O), 1).astype(f32)
    P2 = (rank2 == o_row).astype(f32)

    Y = jnp.concatenate([sel_c, boxes_c, cls_c], axis=1)
    F = _dotg(P2, Y, ((0,), (0,)))
    fs = F[:, 0:1]
    fb = F[:, 1:5]
    fcl = F[:, 5:6]
    fvalid = fs > 0.0
    bx1 = jnp.clip(fb[:, 0:1], 0.0, _IMG)
    by1 = jnp.clip(fb[:, 1:2], 0.0, _IMG)
    bx2 = jnp.clip(fb[:, 2:3], 0.0, _IMG)
    by2 = jnp.clip(fb[:, 3:4], 0.0, _IMG)
    big = ((bx2 - bx1) >= 0.0) & ((by2 - by1) >= 0.0)
    fvalid = fvalid & big
    fv = fvalid.astype(f32)
    oscore_ref[...] = jnp.maximum(fs, 0.0) * fv
    obox_ref[...] = jnp.concatenate([bx1, by1, bx2, by2], axis=1) * fv
    ocls_ref[...] = fcl * fv


def _post_process(cand_vals, cand_idx, tables8, interpret=False):
    pos = cand_idx & (_HWA - 1)
    cls0 = cand_idx >> 14
    tie = (pos * _NUM_CLASSES + cls0).astype(jnp.float32)
    idxf = cand_idx.astype(jnp.float32)
    vr = cand_vals.reshape(1, _NCAND)
    xt = jnp.stack([cand_vals, idxf], axis=0)
    x4 = jnp.stack([cand_vals, tie, idxf, tie], axis=1)
    obox, oscore, ocls = pl.pallas_call(
        _post_body,
        out_shape=[
            jax.ShapeDtypeStruct((_NOUT, 4), jnp.float32),
            jax.ShapeDtypeStruct((_NOUT, 1), jnp.float32),
            jax.ShapeDtypeStruct((_NOUT, 1), jnp.float32),
        ],
        scratch_shapes=[pltpu.VMEM((_NSORT, _NSORT), jnp.float32),
                        pltpu.VMEM((_NSORT, 8), jnp.float32)],
        interpret=interpret,
    )(vr, tie.reshape(1, _NCAND), xt, x4, tables8)
    fboxes = obox[:100]
    fscores = oscore[:100, 0]
    fcls = ocls[:100, 0].astype(jnp.int32)
    return fboxes, fscores, fcls


def kernel(shifts, box_cls, box_center, stft_box_cls, stft_box_delta, stft_based_box, image_sizes):
    scores = _scores_native(box_cls, box_center, stft_box_cls)
    flat = scores.reshape(-1)
    cand_vals, cand_idx = _sc_topk(flat)
    tables8 = jnp.concatenate(
        [stft_based_box[0], stft_box_delta.reshape(4, _HWA).T], axis=1)
    tm = tables8.reshape(16, 1024, 8).transpose(1, 0, 2).reshape(1024, 128)
    return _post_process(cand_vals, cand_idx, tm)

# --- scband reference (transcript-rebuilt; emitter-appended) ---
"""Pipeline reference for scband-stftfcospost-processor-21234318311580 (READ-ONLY COPY).

The authoritative reference and input builder live on the scoring server;
editing this copy changes nothing except your own understanding.
"""

import jax
import jax.numpy as jnp
import jax.lax as lax
import numpy as np

PRE_NMS_THRESH = 0.05
PRE_NMS_TOP_N = 1000
NMS_THRESH = 0.6
FPN_POST_NMS_TOP_N = 100
MIN_SIZE = 0.0
NUM_CLASSES = 80
STFT_BBOX_STD = (0.1, 0.1, 0.2, 0.2)
H = 128
W = 128
HWA = H * W
IMG = 1024.0


def setup_inputs(seed: int = 0):
    key = jax.random.key(seed)
    ks = jax.random.split(key, 8)
    box_cls = jax.random.normal(ks[0], (1, NUM_CLASSES, H, W), dtype=jnp.float32)
    box_center = jax.random.normal(ks[1], (1, 1, H, W), dtype=jnp.float32)
    stft_box_cls = jax.random.normal(ks[2], (1, NUM_CLASSES, H, W), dtype=jnp.float32)
    stft_box_delta = jax.random.normal(ks[3], (1, 4, H, W), dtype=jnp.float32)
    cxcy = jax.random.uniform(ks[4], (1, HWA, 2), dtype=jnp.float32) * IMG
    wh = 8.0 + jax.random.uniform(ks[5], (1, HWA, 2), dtype=jnp.float32) * 120.0
    stft_based_box = jnp.concatenate([cxcy - wh / 2.0, cxcy + wh / 2.0], axis=-1)
    shifts = jax.random.normal(ks[6], (1, HWA, 2), dtype=jnp.float32)
    image_sizes = jnp.full((1, 2), 1024, dtype=jnp.int32)
    return {"shifts": shifts, "box_cls": box_cls, "box_center": box_center,
            "stft_box_cls": stft_box_cls, "stft_box_delta": stft_box_delta,
            "stft_based_box": stft_based_box, "image_sizes": image_sizes}


def permute_to_N_HWA_K(t, K):
    N, _, h, w = t.shape
    t = t.reshape(N, -1, K, h, w)
    t = jnp.transpose(t, (0, 3, 4, 1, 2))
    return t.reshape(N, -1, K)


def _iou_matrix(boxes):
    x1, y1, x2, y2 = boxes[:, 0], boxes[:, 1], boxes[:, 2], boxes[:, 3]
    area = jnp.maximum(x2 - x1, 0.0) * jnp.maximum(y2 - y1, 0.0)
    lt = jnp.maximum(boxes[:, None, :2], boxes[None, :, :2])
    rb = jnp.minimum(boxes[:, None, 2:], boxes[None, :, 2:])
    whm = jnp.maximum(rb - lt, 0.0)
    inter = whm[..., 0] * whm[..., 1]
    union = area[:, None] + area[None, :] - inter
    return inter / jnp.maximum(union, 1e-9)


def _nms_keep(boxes, valid, thresh):
    n = boxes.shape[0]
    iou = _iou_matrix(lax.stop_gradient(boxes))
    idx = jnp.arange(n)

    def body(keep, i):
        row = jnp.take(iou, i, axis=0)
        ki = jnp.take(keep, i)
        sup = (row > thresh) & (idx > i) & ki
        return keep & (~sup), None

    keep, _ = lax.scan(body, valid, idx)
    return keep


def _forward(box_cls, box_center, stft_box_cls, stft_box_delta, stft_based_box):
    cls_i = jax.nn.sigmoid(permute_to_N_HWA_K(box_cls, NUM_CLASSES)[0])
    ctr_i = jax.nn.sigmoid(permute_to_N_HWA_K(box_center, 1)[0])
    s_cls_i = jax.nn.sigmoid(permute_to_N_HWA_K(stft_box_cls, NUM_CLASSES)[0])
    s_reg_i = permute_to_N_HWA_K(stft_box_delta, 4)[0]
    base_i = stft_based_box[0]
    prob = jnp.sqrt(cls_i * ctr_i)
    keep_mask = prob > PRE_NMS_THRESH
    prob = prob * s_cls_i
    flat = jnp.where(keep_mask, prob, -1.0).reshape(-1)
    vals, topk_idx = lax.top_k(flat, PRE_NMS_TOP_N)
    valid = vals > 0.0
    box_idx = topk_idx // NUM_CLASSES
    cls_idx = topk_idx % NUM_CLASSES + 1
    reg = jnp.take(s_reg_i, box_idx, axis=0)
    base = jnp.take(base_i, box_idx, axis=0)
    det_wh = base[:, 2:4] - base[:, :2]
    det_wh = jnp.concatenate([det_wh, det_wh], axis=1)
    std = jnp.array(STFT_BBOX_STD, dtype=jnp.float32)
    boxes = base + reg * std * det_wh
    scores = jnp.sqrt(jnp.maximum(vals, 1e-12)) * valid
    off_boxes = boxes + (cls_idx.astype(jnp.float32) * (2.0 * IMG))[:, None]
    keep = _nms_keep(off_boxes, valid, NMS_THRESH)
    sel_scores = jnp.where(keep, scores, -1.0)
    final_scores, sel = lax.top_k(sel_scores, FPN_POST_NMS_TOP_N)
    fvalid = final_scores > 0.0
    fboxes = jnp.take(boxes, sel, axis=0)
    fcls = jnp.take(cls_idx, sel) * fvalid
    x1 = jnp.clip(fboxes[:, 0], 0.0, IMG)
    y1 = jnp.clip(fboxes[:, 1], 0.0, IMG)
    x2 = jnp.clip(fboxes[:, 2], 0.0, IMG)
    y2 = jnp.clip(fboxes[:, 3], 0.0, IMG)
    fboxes = jnp.stack([x1, y1, x2, y2], axis=1)
    big = ((x2 - x1) >= MIN_SIZE) & ((y2 - y1) >= MIN_SIZE)
    fvalid = fvalid & big
    fscores = jnp.maximum(final_scores, 0.0) * fvalid
    fboxes = fboxes * fvalid[:, None].astype(fboxes.dtype)
    return fboxes, fscores, fcls


def reference(shifts, box_cls, box_center, stft_box_cls, stft_box_delta, stft_based_box, image_sizes):
    return _forward(box_cls, box_center, stft_box_cls, stft_box_delta, stft_based_box)

if __name__ == "__main__":
    import jax
    _d = setup_inputs()
    print(jax.jit(kernel)(*tuple(_d.values())))

</pallas_src>

<mosaic_0001>
#map = affine_map<(d0, d1) -> (0)>
module attributes {stable_mosaic.version = 14 : i64} {
  func.func @_sc_topk_body(%arg0: i32, %arg1: i32, %arg2: memref<1310720xf32, #tpu.memory_space<hbm>>, %arg3: memref<32784xi32, #tpu.memory_space<hbm>>, %arg4: memref<4096xf32, #tpu.memory_space<hbm>>, %arg5: memref<4096xi32, #tpu.memory_space<hbm>>, %arg6: memref<40960xf32, #tpu.memory_space<vmem>>, %arg7: memref<32784xi32, #tpu.memory_space<vmem>>, %arg8: memref<2048xi32, #tpu.memory_space<vmem>>, %arg9: memref<144xf32, #tpu.memory_space<vmem>>, %arg10: memref<144xi32, #tpu.memory_space<vmem>>, %arg11: memref<32768xi32, #tpu.memory_space<vmem_shared>>) attributes {dimension_semantics = [#tpu.dimension_semantics<core_parallel>, #tpu.dimension_semantics<subcore_parallel>], iteration_bounds = array<i64: 2, 16>, scalar_prefetch = 0 : i64, scratch_operands = 6 : i64, tpu.core_type = #tpu.core_type<sc_vector_subcore>, window_params = [{transform_indices = #map}, {transform_indices = #map}, {transform_indices = #map}, {transform_indices = #map}]} {
    %mul3A = arith.constant 16 : i32
    %mul3A_0 = arith.muli %arg0, %mul3A : i32
    %add3A = arith.addi %mul3A_0, %arg1 : i32
    %mul3A_1 = arith.constant 40960 : i32
    %mul3A_2 = arith.muli %add3A, %mul3A_1 : i32
    %iota3A = tpu.iota {dimensions = array<i32: 0>} : vector<16xi32>
    %mul3A_3 = arith.constant 2049 : i32
    %mul3A_4 = vector.broadcast %mul3A_3 : i32 to vector<16xi32>
    %mul3A_5 = arith.muli %iota3A, %mul3A_4 : vector<16xi32>
    %broadcast_in_dim3A = arith.constant 1 : i32
    %broadcast_in_dim3A_6 = vector.broadcast %broadcast_in_dim3A : i32 to vector<16xi32>
    "tpu.region"() ({
      %run_scoped3A = tpu.sem_alloc : memref<!tpu.dma_semaphore, #tpu.memory_space<semaphore_mem>>
      %dma_start3A = tpu.memref_slice %arg2[%mul3A_2] : memref<1310720xf32, #tpu.memory_space<hbm>> -> memref<40960xf32, #tpu.memory_space<hbm>>
      %dma_start3A_162 = tpu.memref_slice %arg2[%mul3A_2] : memref<1310720xf32, #tpu.memory_space<hbm>> -> memref<40960xf32, #tpu.memory_space<hbm>>
      tpu.enqueue_dma source(%dma_start3A_162 : memref<40960xf32, #tpu.memory_space<hbm>>) target(%arg6 : memref<40960xf32, #tpu.memory_space<vmem>>) target_semaphore(%run_scoped3A : memref<!tpu.dma_semaphore, #tpu.memory_space<semaphore_mem>>)
      %dma_wait3A = tpu.memref_slice %arg2[%mul3A_2] : memref<1310720xf32, #tpu.memory_space<hbm>> -> memref<40960xf32, #tpu.memory_space<hbm>>
      %dma_wait3A_163 = tpu.memref_slice %arg2[%mul3A_2] : memref<1310720xf32, #tpu.memory_space<hbm>> -> memref<40960xf32, #tpu.memory_space<hbm>>
      tpu.wait_dma2 semaphore(%run_scoped3A : memref<!tpu.dma_semaphore, #tpu.memory_space<semaphore_mem>>) src(%dma_wait3A_163 : memref<40960xf32, #tpu.memory_space<hbm>>) dst(%arg6 : memref<40960xf32, #tpu.memory_space<vmem>>)
      tpu.yield
    }) : () -> ()
    "tpu.region"() ({
      %run_scoped3A = tpu.sem_alloc : memref<!tpu.dma_semaphore, #tpu.memory_space<semaphore_mem>>
      tpu.enqueue_dma source(%arg3 : memref<32784xi32, #tpu.memory_space<hbm>>) target(%arg7 : memref<32784xi32, #tpu.memory_space<vmem>>) target_semaphore(%run_scoped3A : memref<!tpu.dma_semaphore, #tpu.memory_space<semaphore_mem>>)
      tpu.wait_dma2 semaphore(%run_scoped3A : memref<!tpu.dma_semaphore, #tpu.memory_space<semaphore_mem>>) src(%arg3 : memref<32784xi32, #tpu.memory_space<hbm>>) dst(%arg7 : memref<32784xi32, #tpu.memory_space<vmem>>)
      tpu.yield
    }) : () -> ()
    %scan3A = arith.constant 2.048000e+03 : f32
    %scan3A_7 = arith.constant 2047 : i32
    %scan3A_8 = arith.constant 0 : i32
    %scan3A_9 = arith.constant 0 : i32
    %scan3A_10 = arith.constant 640 : i32
    %scan3A_11 = arith.addi %scan3A_9, %scan3A_10 : i32
    %scan3A_12 = arith.constant 1 : i32
    %scan3A_13 = scf.for %scan3A_162 = %scan3A_9 to %scan3A_11 step %scan3A_12 iter_args(%scan3A_163 = %scan3A_8) -> (i32)  : i32 {
      %mul3A_164 = arith.constant 4 : i32
      %mul3A_165 = arith.muli %scan3A_162, %mul3A_164 : i32
      %add3A_166 = arith.constant 0 : i32
      %add3A_167 = arith.addi %mul3A_165, %add3A_166 : i32
      %mul3A_168 = arith.constant 16 : i32
      %mul3A_169 = arith.muli %add3A_167, %mul3A_168 : i32
      %get3A = arith.index_cast %mul3A_169 : i32 to index
      %get3A_170 = tpu.vector_load %arg6[%get3A] {strides = array<i32>} : memref<40960xf32, #tpu.memory_space<vmem>>, vector<16xf32>,
      %max3A_171 = arith.constant 0.000000e+00 : f32
      %max3A_172 = vector.broadcast %max3A_171 : f32 to vector<16xf32>
      %max3A_173 = arith.maximumf %get3A_170, %max3A_172 : vector<16xf32>
      %mul3A_174 = vector.broadcast %scan3A : f32 to vector<16xf32>
      %mul3A_175 = arith.mulf %max3A_173, %mul3A_174 : vector<16xf32>
      %convert_element_type3A = arith.fptosi %mul3A_175 : vector<16xf32> to vector<16xi32>
      %min3A = vector.broadcast %scan3A_7 : i32 to vector<16xi32>
      %min3A_176 = arith.minsi %convert_element_type3A, %min3A : vector<16xi32>
      %add3A_177 = arith.addi %mul3A_5, %min3A_176 : vector<16xi32>
      %ge3A = arith.constant 0.000000e+00 : f32
      %ge3A_178 = vector.broadcast %ge3A : f32 to vector<16xf32>
      %ge3A_179 = arith.cmpf oge, %max3A_173, %ge3A_178 : vector<16xf32>
      tpu.vector_store_idx %arg7[%add3A_177], %broadcast_in_dim3A_6 masked %ge3A_179 {add = true} : memref<32784xi32, #tpu.memory_space<vmem>>[vector<16xi32>], vector<16xi32>, vector<16xi1>
      %mul3A_180 = arith.constant 4 : i32
      %mul3A_181 = arith.muli %scan3A_162, %mul3A_180 : i32
      %add3A_182 = arith.constant 1 : i32
      %add3A_183 = arith.addi %mul3A_181, %add3A_182 : i32
      %mul3A_184 = arith.constant 16 : i32
      %mul3A_185 = arith.muli %add3A_183, %mul3A_184 : i32
      %get3A_186 = arith.index_cast %mul3A_185 : i32 to index
      %get3A_187 = tpu.vector_load %arg6[%get3A_186] {strides = array<i32>} : memref<40960xf32, #tpu.memory_space<vmem>>, vector<16xf32>,
      %max3A_188 = arith.constant 0.000000e+00 : f32
      %max3A_189 = vector.broadcast %max3A_188 : f32 to vector<16xf32>
      %max3A_190 = arith.maximumf %get3A_187, %max3A_189 : vector<16xf32>
      %mul3A_191 = vector.broadcast %scan3A : f32 to vector<16xf32>
      %mul3A_192 = arith.mulf %max3A_190, %mul3A_191 : vector<16xf32>
      %convert_element_type3A_193 = arith.fptosi %mul3A_192 : vector<16xf32> to vector<16xi32>
      %min3A_194 = vector.broadcast %scan3A_7 : i32 to vector<16xi32>
      %min3A_195 = arith.minsi %convert_element_type3A_193, %min3A_194 : vector<16xi32>
      %add3A_196 = arith.addi %mul3A_5, %min3A_195 : vector<16xi32>
      %ge3A_197 = arith.constant 0.000000e+00 : f32
      %ge3A_198 = vector.broadcast %ge3A_197 : f32 to vector<16xf32>
      %ge3A_199 = arith.cmpf oge, %max3A_190, %ge3A_198 : vector<16xf32>
      tpu.vector_store_idx %arg7[%add3A_196], %broadcast_in_dim3A_6 masked %ge3A_199 {add = true} : memref<32784xi32, #tpu.memory_space<vmem>>[vector<16xi32>], vector<16xi32>, vector<16xi1>
      %mul3A_200 = arith.constant 4 : i32
      %mul3A_201 = arith.muli %scan3A_162, %mul3A_200 : i32
      %add3A_202 = arith.constant 2 : i32
      %add3A_203 = arith.addi %mul3A_201, %add3A_202 : i32
      %mul3A_204 = arith.constant 16 : i32
      %mul3A_205 = arith.muli %add3A_203, %mul3A_204 : i32
      %get3A_206 = arith.index_cast %mul3A_205 : i32 to index
      %get3A_207 = tpu.vector_load %arg6[%get3A_206] {strides = array<i32>} : memref<40960xf32, #tpu.memory_space<vmem>>, vector<16xf32>,
      %max3A_208 = arith.constant 0.000000e+00 : f32
      %max3A_209 = vector.broadcast %max3A_208 : f32 to vector<16xf32>
      %max3A_210 = arith.maximumf %get3A_207, %max3A_209 : vector<16xf32>
      %mul3A_211 = vector.broadcast %scan3A : f32 to vector<16xf32>
      %mul3A_212 = arith.mulf %max3A_210, %mul3A_211 : vector<16xf32>
      %convert_element_type3A_213 = arith.fptosi %mul3A_212 : vector<16xf32> to vector<16xi32>
      %min3A_214 = vector.broadcast %scan3A_7 : i32 to vector<16xi32>
      %min3A_215 = arith.minsi %convert_element_type3A_213, %min3A_214 : vector<16xi32>
      %add3A_216 = arith.addi %mul3A_5, %min3A_215 : vector<16xi32>
      %ge3A_217 = arith.constant 0.000000e+00 : f32
      %ge3A_218 = vector.broadcast %ge3A_217 : f32 to vector<16xf32>
      %ge3A_219 = arith.cmpf oge, %max3A_210, %ge3A_218 : vector<16xf32>
      tpu.vector_store_idx %arg7[%add3A_216], %broadcast_in_dim3A_6 masked %ge3A_219 {add = true} : memref<32784xi32, #tpu.memory_space<vmem>>[vector<16xi32>], vector<16xi32>, vector<16xi1>
      %mul3A_220 = arith.constant 4 : i32
      %mul3A_221 = arith.muli %scan3A_162, %mul3A_220 : i32
      %add3A_222 = arith.constant 3 : i32
      %add3A_223 = arith.addi %mul3A_221, %add3A_222 : i32
      %mul3A_224 = arith.constant 16 : i32
      %mul3A_225 = arith.muli %add3A_223, %mul3A_224 : i32
      %get3A_226 = arith.index_cast %mul3A_225 : i32 to index
      %get3A_227 = tpu.vector_load %arg6[%get3A_226] {strides = array<i32>} : memref<40960xf32, #tpu.memory_space<vmem>>, vector<16xf32>,
      %max3A_228 = arith.constant 0.000000e+00 : f32
      %max3A_229 = vector.broadcast %max3A_228 : f32 to vector<16xf32>
      %max3A_230 = arith.maximumf %get3A_227, %max3A_229 : vector<16xf32>
      %mul3A_231 = vector.broadcast %scan3A : f32 to vector<16xf32>
      %mul3A_232 = arith.mulf %max3A_230, %mul3A_231 : vector<16xf32>
      %convert_element_type3A_233 = arith.fptosi %mul3A_232 : vector<16xf32> to vector<16xi32>
      %min3A_234 = vector.broadcast %scan3A_7 : i32 to vector<16xi32>
      %min3A_235 = arith.minsi %convert_element_type3A_233, %min3A_234 : vector<16xi32>
      %add3A_236 = arith.addi %mul3A_5, %min3A_235 : vector<16xi32>
      %ge3A_237 = arith.constant 0.000000e+00 : f32
      %ge3A_238 = vector.broadcast %ge3A_237 : f32 to vector<16xf32>
      %ge3A_239 = arith.cmpf oge, %max3A_230, %ge3A_238 : vector<16xf32>
      tpu.vector_store_idx %arg7[%add3A_236], %broadcast_in_dim3A_6 masked %ge3A_239 {add = true} : memref<32784xi32, #tpu.memory_space<vmem>>[vector<16xi32>], vector<16xi32>, vector<16xi1>
      %scan3A_240 = arith.constant 0 : i32
      scf.yield %scan3A_240 : i32
    }
    %scan3A_14 = arith.constant 640 : i32
    %scan3A_15 = arith.constant 0 : i32
    %scan3A_16 = arith.constant 0 : i32
    %scan3A_17 = arith.constant 128 : i32
    %scan3A_18 = arith.addi %scan3A_16, %scan3A_17 : i32
    %scan3A_19 = arith.constant 1 : i32
    %scan3A_20 = scf.for %scan3A_162 = %scan3A_16 to %scan3A_18 step %scan3A_19 iter_args(%scan3A_163 = %scan3A_15) -> (i32)  : i32 {
      %broadcast_in_dim3A_164 = arith.constant 0 : i32
      %broadcast_in_dim3A_165 = vector.broadcast %broadcast_in_dim3A_164 : i32 to vector<16xi32>
      %mul3A_166 = arith.constant 16 : i32
      %mul3A_167 = arith.muli %scan3A_162, %mul3A_166 : i32
      %add3A_168 = arith.constant 0 : i32
      %add3A_169 = arith.addi %add3A_168, %mul3A_167 : i32
      %get3A = arith.index_cast %add3A_169 : i32 to index
      %get3A_170 = tpu.vector_load %arg7[%get3A] {strides = array<i32>} : memref<32784xi32, #tpu.memory_space<vmem>>, vector<16xi32>,
      %add3A_171 = arith.addi %broadcast_in_dim3A_165, %get3A_170 : vector<16xi32>
      %mul3A_172 = arith.constant 16 : i32
      %mul3A_173 = arith.muli %scan3A_162, %mul3A_172 : i32
      %add3A_174 = arith.constant 2049 : i32
      %add3A_175 = arith.addi %add3A_174, %mul3A_173 : i32
      %get3A_176 = arith.index_cast %add3A_175 : i32 to index
      %get3A_177 = tpu.vector_load %arg7[%get3A_176] {strides = array<i32>} : memref<32784xi32, #tpu.memory_space<vmem>>, vector<16xi32>,
      %add3A_178 = arith.addi %add3A_171, %get3A_177 : vector<16xi32>
      %mul3A_179 = arith.constant 16 : i32
      %mul3A_180 = arith.muli %scan3A_162, %mul3A_179 : i32
      %add3A_181 = arith.constant 4098 : i32
      %add3A_182 = arith.addi %add3A_181, %mul3A_180 : i32
      %get3A_183 = arith.index_cast %add3A_182 : i32 to index
      %get3A_184 = tpu.vector_load %arg7[%get3A_183] {strides = array<i32>} : memref<32784xi32, #tpu.memory_space<vmem>>, vector<16xi32>,
      %add3A_185 = arith.addi %add3A_178, %get3A_184 : vector<16xi32>
      %mul3A_186 = arith.constant 16 : i32
      %mul3A_187 = arith.muli %scan3A_162, %mul3A_186 : i32
      %add3A_188 = arith.constant 6147 : i32
      %add3A_189 = arith.addi %add3A_188, %mul3A_187 : i32
      %get3A_190 = arith.index_cast %add3A_189 : i32 to index
      %get3A_191 = tpu.vector_load %arg7[%get3A_190] {strides = array<i32>} : memref<32784xi32, #tpu.memory_space<vmem>>, vector<16xi32>,
      %add3A_192 = arith.addi %add3A_185, %get3A_191 : vector<16xi32>
      %mul3A_193 = arith.constant 16 : i32
      %mul3A_194 = arith.muli %scan3A_162, %mul3A_193 : i32
      %add3A_195 = arith.constant 8196 : i32
      %add3A_196 = arith.addi %add3A_195, %mul3A_194 : i32
      %get3A_197 = arith.index_cast %add3A_196 : i32 to index
      %get3A_198 = tpu.vector_load %arg7[%get3A_197] {strides = array<i32>} : memref<32784xi32, #tpu.memory_space<vmem>>, vector<16xi32>,
      %add3A_199 = arith.addi %add3A_192, %get3A_198 : vector<16xi32>
      %mul3A_200 = arith.constant 16 : i32
      %mul3A_201 = arith.muli %scan3A_162, %mul3A_200 : i32
      %add3A_202 = arith.constant 10245 : i32
      %add3A_203 = arith.addi %add3A_202, %mul3A_201 : i32
      %get3A_204 = arith.index_cast %add3A_203 : i32 to index
      %get3A_205 = tpu.vector_load %arg7[%get3A_204] {strides = array<i32>} : memref<32784xi32, #tpu.memory_space<vmem>>, vector<16xi32>,
      %add3A_206 = arith.addi %add3A_199, %get3A_205 : vector<16xi32>
      %mul3A_207 = arith.constant 16 : i32
      %mul3A_208 = arith.muli %scan3A_162, %mul3A_207 : i32
      %add3A_209 = arith.constant 12294 : i32
      %add3A_210 = arith.addi %add3A_209, %mul3A_208 : i32
      %get3A_211 = arith.index_cast %add3A_210 : i32 to index
      %get3A_212 = tpu.vector_load %arg7[%get3A_211] {strides = array<i32>} : memref<32784xi32, #tpu.memory_space<vmem>>, vector<16xi32>,
      %add3A_213 = arith.addi %add3A_206, %get3A_212 : vector<16xi32>
      %mul3A_214 = arith.constant 16 : i32
      %mul3A_215 = arith.muli %scan3A_162, %mul3A_214 : i32
      %add3A_216 = arith.constant 14343 : i32
      %add3A_217 = arith.addi %add3A_216, %mul3A_215 : i32
      %get3A_218 = arith.index_cast %add3A_217 : i32 to index
      %get3A_219 = tpu.vector_load %arg7[%get3A_218] {strides = array<i32>} : memref<32784xi32, #tpu.memory_space<vmem>>, vector<16xi32>,
      %add3A_220 = arith.addi %add3A_213, %get3A_219 : vector<16xi32>
      %mul3A_221 = arith.constant 16 : i32
      %mul3A_222 = arith.muli %scan3A_162, %mul3A_221 : i32
      %add3A_223 = arith.constant 16392 : i32
      %add3A_224 = arith.addi %add3A_223, %mul3A_222 : i32
      %get3A_225 = arith.index_cast %add3A_224 : i32 to index
      %get3A_226 = tpu.vector_load %arg7[%get3A_225] {strides = array<i32>} : memref<32784xi32, #tpu.memory_space<vmem>>, vector<16xi32>,
      %add3A_227 = arith.addi %add3A_220, %get3A_226 : vector<16xi32>
      %mul3A_228 = arith.constant 16 : i32
      %mul3A_229 = arith.muli %scan3A_162, %mul3A_228 : i32
      %add3A_230 = arith.constant 18441 : i32
      %add3A_231 = arith.addi %add3A_230, %mul3A_229 : i32
      %get3A_232 = arith.index_cast %add3A_231 : i32 to index
      %get3A_233 = tpu.vector_load %arg7[%get3A_232] {strides = array<i32>} : memref<32784xi32, #tpu.memory_space<vmem>>, vector<16xi32>,
      %add3A_234 = arith.addi %add3A_227, %get3A_233 : vector<16xi32>
      %mul3A_235 = arith.constant 16 : i32
      %mul3A_236 = arith.muli %scan3A_162, %mul3A_235 : i32
      %add3A_237 = arith.constant 20490 : i32
      %add3A_238 = arith.addi %add3A_237, %mul3A_236 : i32
      %get3A_239 = arith.index_cast %add3A_238 : i32 to index
      %get3A_240 = tpu.vector_load %arg7[%get3A_239] {strides = array<i32>} : memref<32784xi32, #tpu.memory_space<vmem>>, vector<16xi32>,
      %add3A_241 = arith.addi %add3A_234, %get3A_240 : vector<16xi32>
      %mul3A_242 = arith.constant 16 : i32
      %mul3A_243 = arith.muli %scan3A_162, %mul3A_242 : i32
      %add3A_244 = arith.constant 22539 : i32
      %add3A_245 = arith.addi %add3A_244, %mul3A_243 : i32
      %get3A_246 = arith.index_cast %add3A_245 : i32 to index
      %get3A_247 = tpu.vector_load %arg7[%get3A_246] {strides = array<i32>} : memref<32784xi32, #tpu.memory_space<vmem>>, vector<16xi32>,
      %add3A_248 = arith.addi %add3A_241, %get3A_247 : vector<16xi32>
      %mul3A_249 = arith.constant 16 : i32
      %mul3A_250 = arith.muli %scan3A_162, %mul3A_249 : i32
      %add3A_251 = arith.constant 24588 : i32
      %add3A_252 = arith.addi %add3A_251, %mul3A_250 : i32
      %get3A_253 = arith.index_cast %add3A_252 : i32 to index
      %get3A_254 = tpu.vector_load %arg7[%get3A_253] {strides = array<i32>} : memref<32784xi32, #tpu.memory_space<vmem>>, vector<16xi32>,
      %add3A_255 = arith.addi %add3A_248, %get3A_254 : vector<16xi32>
      %mul3A_256 = arith.constant 16 : i32
      %mul3A_257 = arith.muli %scan3A_162, %mul3A_256 : i32
      %add3A_258 = arith.constant 26637 : i32
      %add3A_259 = arith.addi %add3A_258, %mul3A_257 : i32
      %get3A_260 = arith.index_cast %add3A_259 : i32 to index
      %get3A_261 = tpu.vector_load %arg7[%get3A_260] {strides = array<i32>} : memref<32784xi32, #tpu.memory_space<vmem>>, vector<16xi32>,
      %add3A_262 = arith.addi %add3A_255, %get3A_261 : vector<16xi32>
      %mul3A_263 = arith.constant 16 : i32
      %mul3A_264 = arith.muli %scan3A_162, %mul3A_263 : i32
      %add3A_265 = arith.constant 28686 : i32
      %add3A_266 = arith.addi %add3A_265, %mul3A_264 : i32
      %get3A_267 = arith.index_cast %add3A_266 : i32 to index
      %get3A_268 = tpu.vector_load %arg7[%get3A_267] {strides = array<i32>} : memref<32784xi32, #tpu.memory_space<vmem>>, vector<16xi32>,
      %add3A_269 = arith.addi %add3A_262, %get3A_268 : vector<16xi32>
      %mul3A_270 = arith.constant 16 : i32
      %mul3A_271 = arith.muli %scan3A_162, %mul3A_270 : i32
      %add3A_272 = arith.constant 30735 : i32
      %add3A_273 = arith.addi %add3A_272, %mul3A_271 : i32
      %get3A_274 = arith.index_cast %add3A_273 : i32 to index
      %get3A_275 = tpu.vector_load %arg7[%get3A_274] {strides = array<i32>} : memref<32784xi32, #tpu.memory_space<vmem>>, vector<16xi32>,
      %add3A_276 = arith.addi %add3A_269, %get3A_275 : vector<16xi32>
      %mul3A_277 = arith.constant 16 : i32
      %mul3A_278 = arith.muli %scan3A_162, %mul3A_277 : i32
      %swap3A_279 = arith.index_cast %mul3A_278 : i32 to index
      %swap3A_280 = tpu.vector_load %arg8[%swap3A_279] {strides = array<i32>} : memref<2048xi32, #tpu.memory_space<vmem>>, vector<16xi32>,
      tpu.vector_store %arg8[%swap3A_279], %add3A_276 {strides = array<i32>} : memref<2048xi32, #tpu.memory_space<vmem>>, vector<16xi32>,
      %scan3A_281 = arith.constant 0 : i32
      scf.yield %scan3A_281 : i32
    }
    %scan3A_21 = arith.constant 128 : i32
    %mul3A_22 = arith.constant 2048 : i32
    %mul3A_23 = arith.muli %arg1, %mul3A_22 : i32
    "tpu.region"() ({
      %run_scoped3A = tpu.sem_alloc : memref<!tpu.dma_semaphore, #tpu.memory_space<semaphore_mem>>
      %dma_start3A = tpu.memref_slice %arg11[%mul3A_23] : memref<32768xi32, #tpu.memory_space<vmem_shared>> -> memref<2048xi32, #tpu.memory_space<vmem_shared>>
      %dma_start3A_162 = tpu.memref_slice %arg11[%mul3A_23] : memref<32768xi32, #tpu.memory_space<vmem_shared>> -> memref<2048xi32, #tpu.memory_space<vmem_shared>>
      tpu.enqueue_dma source(%arg8 : memref<2048xi32, #tpu.memory_space<vmem>>) target(%dma_start3A_162 : memref<2048xi32, #tpu.memory_space<vmem_shared>>) target_semaphore(%run_scoped3A : memref<!tpu.dma_semaphore, #tpu.memory_space<semaphore_mem>>)
      %dma_wait3A = tpu.memref_slice %arg11[%mul3A_23] : memref<32768xi32, #tpu.memory_space<vmem_shared>> -> memref<2048xi32, #tpu.memory_space<vmem_shared>>
      %dma_wait3A_163 = tpu.memref_slice %arg11[%mul3A_23] : memref<32768xi32, #tpu.memory_space<vmem_shared>> -> memref<2048xi32, #tpu.memory_space<vmem_shared>>
      tpu.wait_dma2 semaphore(%run_scoped3A : memref<!tpu.dma_semaphore, #tpu.memory_space<semaphore_mem>>) src(%arg8 : memref<2048xi32, #tpu.memory_space<vmem>>) dst(%dma_wait3A_163 : memref<2048xi32, #tpu.memory_space<vmem_shared>>)
      tpu.yield
    }) : () -> ()
    %barrier3A = arith.constant 0 : index
    tpu.barrier barrier_id(%barrier3A)
    "tpu.region"() ({
      %run_scoped3A = tpu.sem_alloc : memref<!tpu.dma_semaphore, #tpu.memory_space<semaphore_mem>>
      %dma_start3A = arith.constant 0 : i32
      %dma_start3A_162 = tpu.memref_slice %arg7[%dma_start3A] : memref<32784xi32, #tpu.memory_space<vmem>> -> memref<32768xi32, #tpu.memory_space<vmem>>
      %dma_start3A_163 = arith.constant 0 : i32
      %dma_start3A_164 = tpu.memref_slice %arg7[%dma_start3A_163] : memref<32784xi32, #tpu.memory_space<vmem>> -> memref<32768xi32, #tpu.memory_space<vmem>>
      tpu.enqueue_dma source(%arg11 : memref<32768xi32, #tpu.memory_space<vmem_shared>>) target(%dma_start3A_164 : memref<32768xi32, #tpu.memory_space<vmem>>) target_semaphore(%run_scoped3A : memref<!tpu.dma_semaphore, #tpu.memory_space<semaphore_mem>>)
      %dma_wait3A = arith.constant 0 : i32
      %dma_wait3A_165 = tpu.memref_slice %arg7[%dma_wait3A] : memref<32784xi32, #tpu.memory_space<vmem>> -> memref<32768xi32, #tpu.memory_space<vmem>>
      %dma_wait3A_166 = arith.constant 0 : i32
      %dma_wait3A_167 = tpu.memref_slice %arg7[%dma_wait3A_166] : memref<32784xi32, #tpu.memory_space<vmem>> -> memref<32768xi32, #tpu.memory_space<vmem>>
      tpu.wait_dma2 semaphore(%run_scoped3A : memref<!tpu.dma_semaphore, #tpu.memory_space<semaphore_mem>>) src(%arg11 : memref<32768xi32, #tpu.memory_space<vmem_shared>>) dst(%dma_wait3A_167 : memref<32768xi32, #tpu.memory_space<vmem>>)
      tpu.yield
    }) : () -> ()
    %scan3A_24 = arith.constant 0 : i32
    %scan3A_25 = arith.constant 0 : i32
    %scan3A_26 = arith.constant 128 : i32
    %scan3A_27 = arith.addi %scan3A_25, %scan3A_26 : i32
    %scan3A_28 = arith.constant 1 : i32
    %scan3A_29 = scf.for %scan3A_162 = %scan3A_25 to %scan3A_27 step %scan3A_28 iter_args(%scan3A_163 = %scan3A_24) -> (i32)  : i32 {
      %broadcast_in_dim3A_164 = arith.constant 0 : i32
      %broadcast_in_dim3A_165 = vector.broadcast %broadcast_in_dim3A_164 : i32 to vector<16xi32>
      %mul3A_166 = arith.constant 16 : i32
      %mul3A_167 = arith.muli %scan3A_162, %mul3A_166 : i32
      %add3A_168 = arith.constant 0 : i32
      %add3A_169 = arith.addi %add3A_168, %mul3A_167 : i32
      %get3A = arith.index_cast %add3A_169 : i32 to index
      %get3A_170 = tpu.vector_load %arg7[%get3A] {strides = array<i32>} : memref<32784xi32, #tpu.memory_space<vmem>>, vector<16xi32>,
      %add3A_171 = arith.addi %broadcast_in_dim3A_165, %get3A_170 : vector<16xi32>
      %mul3A_172 = arith.constant 16 : i32
      %mul3A_173 = arith.muli %scan3A_162, %mul3A_172 : i32
      %add3A_174 = arith.constant 2048 : i32
      %add3A_175 = arith.addi %add3A_174, %mul3A_173 : i32
      %get3A_176 = arith.index_cast %add3A_175 : i32 to index
      %get3A_177 = tpu.vector_load %arg7[%get3A_176] {strides = array<i32>} : memref<32784xi32, #tpu.memory_space<vmem>>, vector<16xi32>,
      %add3A_178 = arith.addi %add3A_171, %get3A_177 : vector<16xi32>
      %mul3A_179 = arith.constant 16 : i32
      %mul3A_180 = arith.muli %scan3A_162, %mul3A_179 : i32
      %add3A_181 = arith.constant 4096 : i32
      %add3A_182 = arith.addi %add3A_181, %mul3A_180 : i32
      %get3A_183 = arith.index_cast %add3A_182 : i32 to index
      %get3A_184 = tpu.vector_load %arg7[%get3A_183] {strides = array<i32>} : memref<32784xi32, #tpu.memory_space<vmem>>, vector<16xi32>,
      %add3A_185 = arith.addi %add3A_178, %get3A_184 : vector<16xi32>
      %mul3A_186 = arith.constant 16 : i32
      %mul3A_187 = arith.muli %scan3A_162, %mul3A_186 : i32
      %add3A_188 = arith.constant 6144 : i32
      %add3A_189 = arith.addi %add3A_188, %mul3A_187 : i32
      %get3A_190 = arith.index_cast %add3A_189 : i32 to index
      %get3A_191 = tpu.vector_load %arg7[%get3A_190] {strides = array<i32>} : memref<32784xi32, #tpu.memory_space<vmem>>, vector<16xi32>,
      %add3A_192 = arith.addi %add3A_185, %get3A_191 : vector<16xi32>
      %mul3A_193 = arith.constant 16 : i32
      %mul3A_194 = arith.muli %scan3A_162, %mul3A_193 : i32
      %add3A_195 = arith.constant 8192 : i32
      %add3A_196 = arith.addi %add3A_195, %mul3A_194 : i32
      %get3A_197 = arith.index_cast %add3A_196 : i32 to index
      %get3A_198 = tpu.vector_load %arg7[%get3A_197] {strides = array<i32>} : memref<32784xi32, #tpu.memory_space<vmem>>, vector<16xi32>,
      %add3A_199 = arith.addi %add3A_192, %get3A_198 : vector<16xi32>
      %mul3A_200 = arith.constant 16 : i32
      %mul3A_201 = arith.muli %scan3A_162, %mul3A_200 : i32
      %add3A_202 = arith.constant 10240 : i32
      %add3A_203 = arith.addi %add3A_202, %mul3A_201 : i32
      %get3A_204 = arith.index_cast %add3A_203 : i32 to index
      %get3A_205 = tpu.vector_load %arg7[%get3A_204] {strides = array<i32>} : memref<32784xi32, #tpu.memory_space<vmem>>, vector<16xi32>,
      %add3A_206 = arith.addi %add3A_199, %get3A_205 : vector<16xi32>
      %mul3A_207 = arith.constant 16 : i32
      %mul3A_208 = arith.muli %scan3A_162, %mul3A_207 : i32
      %add3A_209 = arith.constant 12288 : i32
      %add3A_210 = arith.addi %add3A_209, %mul3A_208 : i32
      %get3A_211 = arith.index_cast %add3A_210 : i32 to index
      %get3A_212 = tpu.vector_load %arg7[%get3A_211] {strides = array<i32>} : memref<32784xi32, #tpu.memory_space<vmem>>, vector<16xi32>,
      %add3A_213 = arith.addi %add3A_206, %get3A_212 : vector<16xi32>
      %mul3A_214 = arith.constant 16 : i32
      %mul3A_215 = arith.muli %scan3A_162, %mul3A_214 : i32
      %add3A_216 = arith.constant 14336 : i32
      %add3A_217 = arith.addi %add3A_216, %mul3A_215 : i32
      %get3A_218 = arith.index_cast %add3A_217 : i32 to index
      %get3A_219 = tpu.vector_load %arg7[%get3A_218] {strides = array<i32>} : memref<32784xi32, #tpu.memory_space<vmem>>, vector<16xi32>,
      %add3A_220 = arith.addi %add3A_213, %get3A_219 : vector<16xi32>
      %mul3A_221 = arith.constant 16 : i32
      %mul3A_222 = arith.muli %scan3A_162, %mul3A_221 : i32
      %add3A_223 = arith.constant 16384 : i32
      %add3A_224 = arith.addi %add3A_223, %mul3A_222 : i32
      %get3A_225 = arith.index_cast %add3A_224 : i32 to index
      %get3A_226 = tpu.vector_load %arg7[%get3A_225] {strides = array<i32>} : memref<32784xi32, #tpu.memory_space<vmem>>, vector<16xi32>,
      %add3A_227 = arith.addi %add3A_220, %get3A_226 : vector<16xi32>
      %mul3A_228 = arith.constant 16 : i32
      %mul3A_229 = arith.muli %scan3A_162, %mul3A_228 : i32
      %add3A_230 = arith.constant 18432 : i32
      %add3A_231 = arith.addi %add3A_230, %mul3A_229 : i32
      %get3A_232 = arith.index_cast %add3A_231 : i32 to index
      %get3A_233 = tpu.vector_load %arg7[%get3A_232] {strides = array<i32>} : memref<32784xi32, #tpu.memory_space<vmem>>, vector<16xi32>,
      %add3A_234 = arith.addi %add3A_227, %get3A_233 : vector<16xi32>
      %mul3A_235 = arith.constant 16 : i32
      %mul3A_236 = arith.muli %scan3A_162, %mul3A_235 : i32
      %add3A_237 = arith.constant 20480 : i32
      %add3A_238 = arith.addi %add3A_237, %mul3A_236 : i32
      %get3A_239 = arith.index_cast %add3A_238 : i32 to index
      %get3A_240 = tpu.vector_load %arg7[%get3A_239] {strides = array<i32>} : memref<32784xi32, #tpu.memory_space<vmem>>, vector<16xi32>,
      %add3A_241 = arith.addi %add3A_234, %get3A_240 : vector<16xi32>
      %mul3A_242 = arith.constant 16 : i32
      %mul3A_243 = arith.muli %scan3A_162, %mul3A_242 : i32
      %add3A_244 = arith.constant 22528 : i32
      %add3A_245 = arith.addi %add3A_244, %mul3A_243 : i32
      %get3A_246 = arith.index_cast %add3A_245 : i32 to index
      %get3A_247 = tpu.vector_load %arg7[%get3A_246] {strides = array<i32>} : memref<32784xi32, #tpu.memory_space<vmem>>, vector<16xi32>,
      %add3A_248 = arith.addi %add3A_241, %get3A_247 : vector<16xi32>
      %mul3A_249 = arith.constant 16 : i32
      %mul3A_250 = arith.muli %scan3A_162, %mul3A_249 : i32
      %add3A_251 = arith.constant 24576 : i32
      %add3A_252 = arith.addi %add3A_251, %mul3A_250 : i32
      %get3A_253 = arith.index_cast %add3A_252 : i32 to index
      %get3A_254 = tpu.vector_load %arg7[%get3A_253] {strides = array<i32>} : memref<32784xi32, #tpu.memory_space<vmem>>, vector<16xi32>,
      %add3A_255 = arith.addi %add3A_248, %get3A_254 : vector<16xi32>
      %mul3A_256 = arith.constant 16 : i32
      %mul3A_257 = arith.muli %scan3A_162, %mul3A_256 : i32
      %add3A_258 = arith.constant 26624 : i32
      %add3A_259 = arith.addi %add3A_258, %mul3A_257 : i32
      %get3A_260 = arith.index_cast %add3A_259 : i32 to index
      %get3A_261 = tpu.vector_load %arg7[%get3A_260] {strides = array<i32>} : memref<32784xi32, #tpu.memory_space<vmem>>, vector<16xi32>,
      %add3A_262 = arith.addi %add3A_255, %get3A_261 : vector<16xi32>
      %mul3A_263 = arith.constant 16 : i32
      %mul3A_264 = arith.muli %scan3A_162, %mul3A_263 : i32
      %add3A_265 = arith.constant 28672 : i32
      %add3A_266 = arith.addi %add3A_265, %mul3A_264 : i32
      %get3A_267 = arith.index_cast %add3A_266 : i32 to index
      %get3A_268 = tpu.vector_load %arg7[%get3A_267] {strides = array<i32>} : memref<32784xi32, #tpu.memory_space<vmem>>, vector<16xi32>,
      %add3A_269 = arith.addi %add3A_262, %get3A_268 : vector<16xi32>
      %mul3A_270 = arith.constant 16 : i32
      %mul3A_271 = arith.muli %scan3A_162, %mul3A_270 : i32
      %add3A_272 = arith.constant 30720 : i32
      %add3A_273 = arith.addi %add3A_272, %mul3A_271 : i32
      %get3A_274 = arith.index_cast %add3A_273 : i32 to index
      %get3A_275 = tpu.vector_load %arg7[%get3A_274] {strides = array<i32>} : memref<32784xi32, #tpu.memory_space<vmem>>, vector<16xi32>,
      %add3A_276 = arith.addi %add3A_269, %get3A_275 : vector<16xi32>
      %mul3A_277 = arith.constant 16 : i32
      %mul3A_278 = arith.muli %scan3A_162, %mul3A_277 : i32
      %swap3A_279 = arith.index_cast %mul3A_278 : i32 to index
      %swap3A_280 = tpu.vector_load %arg8[%swap3A_279] {strides = array<i32>} : memref<2048xi32, #tpu.memory_space<vmem>>, vector<16xi32>,
      tpu.vector_store %arg8[%swap3A_279], %add3A_276 {strides = array<i32>} : memref<2048xi32, #tpu.memory_space<vmem>>, vector<16xi32>,
      %scan3A_281 = arith.constant 0 : i32
      scf.yield %scan3A_281 : i32
    }
    %scan3A_30 = arith.constant 128 : i32
    %barrier3A_31 = arith.constant 0 : index
    tpu.barrier barrier_id(%barrier3A_31)
    %scan3A_32 = arith.constant 1000 : i32
    %scan3A_33 = arith.constant 0 : i32
    %scan3A_34 = arith.constant 0 : i32
    %scan3A_35 = arith.constant 0 : i32
    %scan3A_36 = arith.constant 0 : i32
    %scan3A_37 = arith.constant 0 : i32
    %scan3A_38 = arith.constant 128 : i32
    %scan3A_39 = arith.addi %scan3A_37, %scan3A_38 : i32
    %scan3A_40 = arith.constant 1 : i32
    %scan3A_41:4 = scf.for %scan3A_162 = %scan3A_37 to %scan3A_39 step %scan3A_40 iter_args(%scan3A_163 = %scan3A_33, %scan3A_164 = %scan3A_34, %scan3A_165 = %scan3A_35, %scan3A_166 = %scan3A_36) -> (i32, i32, i32, i32)  : i32 {
      %sub3A_167 = arith.constant 127 : i32
      %sub3A_168 = arith.subi %sub3A_167, %scan3A_162 : i32
      %mul3A_169 = arith.constant 16 : i32
      %mul3A_170 = arith.muli %sub3A_168, %mul3A_169 : i32
      %get3A = arith.index_cast %mul3A_170 : i32 to index
      %get3A_171 = tpu.vector_load %arg8[%get3A] {strides = array<i32>} : memref<2048xi32, #tpu.memory_space<vmem>>, vector<16xi32>,
      %rev3A = arith.constant 15 : i32
      %rev3A_172 = vector.broadcast %rev3A : i32 to vector<16xi32>
      %rev3A_173 = tpu.iota {dimensions = array<i32: 0>} : vector<16xi32>
      %rev3A_174 = arith.subi %rev3A_172, %rev3A_173 : vector<16xi32>
      %rev3A_175 = tpu.dynamic_gather %get3A_171[%rev3A_174] in [0] : vector<16xi32>, vector<16xi32> -> vector<16xi32>
      %broadcast_in_dim3A_176 = arith.constant true
      %broadcast_in_dim3A_177 = vector.broadcast %broadcast_in_dim3A_176 : i1 to vector<16xi1>
      %masked_cumsum3A = tpu.scan <sum>, %rev3A_175 masked %broadcast_in_dim3A_177 : vector<16xi32>, vector<16xi1> -> vector<16xi32>
      %rev3A_178 = arith.constant 15 : i32
      %rev3A_179 = vector.broadcast %rev3A_178 : i32 to vector<16xi32>
      %rev3A_180 = tpu.iota {dimensions = array<i32: 0>} : vector<16xi32>
      %rev3A_181 = arith.subi %rev3A_179, %rev3A_180 : vector<16xi32>
      %rev3A_182 = tpu.dynamic_gather %masked_cumsum3A[%rev3A_181] in [0] : vector<16xi32>, vector<16xi32> -> vector<16xi32>
      %add3A_183 = vector.broadcast %scan3A_164 : i32 to vector<16xi32>
      %add3A_184 = arith.addi %add3A_183, %rev3A_182 : vector<16xi32>
      %ge3A = vector.broadcast %scan3A_32 : i32 to vector<16xi32>
      %ge3A_185 = arith.cmpi sge, %add3A_184, %ge3A : vector<16xi32>
      %all_reduce_population_count3A = tpu.all_reduce %ge3A_185 {dim = 0 : i64, kind = #tpu.reduction_kind<sum>} : vector<16xi1> -> vector<16xi32>
      %reduce_max3A = arith.constant true
      %reduce_max3A_186 = vector.broadcast %reduce_max3A : i1 to vector<16xi1>
      %reduce_max3A_187 = arith.constant -2147483648 : i32
      %reduce_max3A_188 = vector.broadcast %reduce_max3A_187 : i32 to vector<16xi32>
      %reduce_max3A_189 = arith.xori %all_reduce_population_count3A, %reduce_max3A_188 : vector<16xi32>
      %reduce_max3A_190 = tpu.scan <max>, %reduce_max3A_189 masked %reduce_max3A_186 : vector<16xi32>, vector<16xi1> -> vector<16xi32>
      %reduce_max3A_191 = arith.xori %reduce_max3A_190, %reduce_max3A_188 : vector<16xi32>
      %reduce_max3A_192 = vector.extract %reduce_max3A_191[15] : i32 from vector<16xi32>
      %add3A_193 = arith.addi %scan3A_163, %reduce_max3A_192 : i32
      %reduce_sum3A = arith.constant true
      %reduce_sum3A_194 = vector.broadcast %reduce_sum3A : i1 to vector<16xi1>
      %reduce_sum3A_195 = tpu.scan <sum>, %get3A_171 masked %reduce_sum3A_194 : vector<16xi32>, vector<16xi1> -> vector<16xi32>
      %reduce_sum3A_196 = vector.extract %reduce_sum3A_195[15] : i32 from vector<16xi32>
      %jit3A = arith.constant 0 : i32
      %broadcast_in_dim3A_197 = vector.broadcast %jit3A : i32 to vector<16xi32>
      %select_n3A = arith.select %ge3A_185, %get3A_171, %broadcast_in_dim3A_197 : vector<16xi1>, vector<16xi32>
      %reduce_sum3A_198 = arith.constant true
      %reduce_sum3A_199 = vector.broadcast %reduce_sum3A_198 : i1 to vector<16xi1>
      %reduce_sum3A_200 = tpu.scan <sum>, %select_n3A masked %reduce_sum3A_199 : vector<16xi32>, vector<16xi1> -> vector<16xi32>
      %reduce_sum3A_201 = vector.extract %reduce_sum3A_200[15] : i32 from vector<16xi32>
      %add3A_202 = arith.addi %scan3A_165, %reduce_sum3A_201 : i32
      %add3A_203 = arith.addi %scan3A_164, %reduce_sum3A_196 : i32
      %add3A_204 = arith.addi %scan3A_166, %reduce_sum3A_196 : i32
      scf.yield %add3A_193, %add3A_203, %add3A_202, %add3A_204 : i32, i32, i32, i32
    }
    %scan3A_42 = arith.constant 128 : i32
    %sub3A = arith.constant 1 : i32
    %sub3A_43 = arith.subi %scan3A_41#0, %sub3A : i32
    %sub3A_44 = arith.subi %scan3A_41#3, %scan3A_41#2 : i32
    %sub3A_45 = arith.constant 1000 : i32
    %sub3A_46 = arith.subi %sub3A_45, %sub3A_44 : i32
    %max3A = arith.constant 1 : i32
    %max3A_47 = arith.maxsi %sub3A_46, %max3A : i32
    "tpu.region"() ({
      %run_scoped3A = tpu.sem_alloc : memref<!tpu.dma_semaphore, #tpu.memory_space<semaphore_mem>>
      tpu.enqueue_dma source(%arg3 : memref<32784xi32, #tpu.memory_space<hbm>>) target(%arg7 : memref<32784xi32, #tpu.memory_space<vmem>>) target_semaphore(%run_scoped3A : memref<!tpu.dma_semaphore, #tpu.memory_space<semaphore_mem>>)
      tpu.wait_dma2 semaphore(%run_scoped3A : memref<!tpu.dma_semaphore, #tpu.memory_space<semaphore_mem>>) src(%arg3 : memref<32784xi32, #tpu.memory_space<hbm>>) dst(%arg7 : memref<32784xi32, #tpu.memory_space<vmem>>)
      tpu.yield
    }) : () -> ()
    %scan3A_48 = arith.constant 2.048000e+03 : f32
    %scan3A_49 = arith.constant 2047 : i32
    %scan3A_50 = arith.constant 0 : i32
    %scan3A_51 = arith.constant 0 : i32
    %scan3A_52 = arith.constant 640 : i32
    %scan3A_53 = arith.addi %scan3A_51, %scan3A_52 : i32
    %scan3A_54 = arith.constant 1 : i32
    %scan3A_55 = scf.for %scan3A_162 = %scan3A_51 to %scan3A_53 step %scan3A_54 iter_args(%scan3A_163 = %scan3A_50) -> (i32)  : i32 {
      %mul3A_164 = arith.constant 4 : i32
      %mul3A_165 = arith.muli %scan3A_162, %mul3A_164 : i32
      %add3A_166 = arith.constant 0 : i32
      %add3A_167 = arith.addi %mul3A_165, %add3A_166 : i32
      %mul3A_168 = arith.constant 16 : i32
      %mul3A_169 = arith.muli %add3A_167, %mul3A_168 : i32
      %get3A = arith.index_cast %mul3A_169 : i32 to index
      %get3A_170 = tpu.vector_load %arg6[%get3A] {strides = array<i32>} : memref<40960xf32, #tpu.memory_space<vmem>>, vector<16xf32>,
      %max3A_171 = arith.constant 0.000000e+00 : f32
      %max3A_172 = vector.broadcast %max3A_171 : f32 to vector<16xf32>
      %max3A_173 = arith.maximumf %get3A_170, %max3A_172 : vector<16xf32>
      %mul3A_174 = vector.broadcast %scan3A_48 : f32 to vector<16xf32>
      %mul3A_175 = arith.mulf %max3A_173, %mul3A_174 : vector<16xf32>
      %convert_element_type3A = arith.fptosi %mul3A_175 : vector<16xf32> to vector<16xi32>
      %min3A = vector.broadcast %scan3A_49 : i32 to vector<16xi32>
      %min3A_176 = arith.minsi %convert_element_type3A, %min3A : vector<16xi32>
      %mul3A_177 = vector.broadcast %scan3A_48 : f32 to vector<16xf32>
      %mul3A_178 = arith.mulf %max3A_173, %mul3A_177 : vector<16xf32>
      %convert_element_type3A_179 = arith.sitofp %min3A_176 : vector<16xi32> to vector<16xf32>
      %sub3A_180 = arith.subf %mul3A_178, %convert_element_type3A_179 : vector<16xf32>
      %mul3A_181 = vector.broadcast %scan3A_48 : f32 to vector<16xf32>
      %mul3A_182 = arith.mulf %sub3A_180, %mul3A_181 : vector<16xf32>
      %convert_element_type3A_183 = arith.fptosi %mul3A_182 : vector<16xf32> to vector<16xi32>
      %jit3A = arith.constant 0 : i32
      %max3A_184 = vector.broadcast %jit3A : i32 to vector<16xi32>
      %max3A_185 = arith.maxsi %max3A_184, %convert_element_type3A_183 : vector<16xi32>
      %min3A_186 = vector.broadcast %scan3A_49 : i32 to vector<16xi32>
      %min3A_187 = arith.minsi %min3A_186, %max3A_185 : vector<16xi32>
      %add3A_188 = arith.addi %mul3A_5, %min3A_187 : vector<16xi32>
      %mul3A_189 = vector.broadcast %scan3A_48 : f32 to vector<16xf32>
      %mul3A_190 = arith.mulf %max3A_173, %mul3A_189 : vector<16xf32>
      %convert_element_type3A_191 = arith.fptosi %mul3A_190 : vector<16xf32> to vector<16xi32>
      %min3A_192 = vector.broadcast %scan3A_49 : i32 to vector<16xi32>
      %min3A_193 = arith.minsi %convert_element_type3A_191, %min3A_192 : vector<16xi32>
      %eq3A = vector.broadcast %sub3A_43 : i32 to vector<16xi32>
      %eq3A_194 = arith.cmpi eq, %min3A_193, %eq3A : vector<16xi32>
      tpu.vector_store_idx %arg7[%add3A_188], %broadcast_in_dim3A_6 masked %eq3A_194 {add = true} : memref<32784xi32, #tpu.memory_space<vmem>>[vector<16xi32>], vector<16xi32>, vector<16xi1>
      %mul3A_195 = arith.constant 4 : i32
      %mul3A_196 = arith.muli %scan3A_162, %mul3A_195 : i32
      %add3A_197 = arith.constant 1 : i32
      %add3A_198 = arith.addi %mul3A_196, %add3A_197 : i32
      %mul3A_199 = arith.constant 16 : i32
      %mul3A_200 = arith.muli %add3A_198, %mul3A_199 : i32
      %get3A_201 = arith.index_cast %mul3A_200 : i32 to index
      %get3A_202 = tpu.vector_load %arg6[%get3A_201] {strides = array<i32>} : memref<40960xf32, #tpu.memory_space<vmem>>, vector<16xf32>,
      %max3A_203 = arith.constant 0.000000e+00 : f32
      %max3A_204 = vector.broadcast %max3A_203 : f32 to vector<16xf32>
      %max3A_205 = arith.maximumf %get3A_202, %max3A_204 : vector<16xf32>
      %mul3A_206 = vector.broadcast %scan3A_48 : f32 to vector<16xf32>
      %mul3A_207 = arith.mulf %max3A_205, %mul3A_206 : vector<16xf32>
      %convert_element_type3A_208 = arith.fptosi %mul3A_207 : vector<16xf32> to vector<16xi32>
      %min3A_209 = vector.broadcast %scan3A_49 : i32 to vector<16xi32>
      %min3A_210 = arith.minsi %convert_element_type3A_208, %min3A_209 : vector<16xi32>
      %mul3A_211 = vector.broadcast %scan3A_48 : f32 to vector<16xf32>
      %mul3A_212 = arith.mulf %max3A_205, %mul3A_211 : vector<16xf32>
      %convert_element_type3A_213 = arith.sitofp %min3A_210 : vector<16xi32> to vector<16xf32>
      %sub3A_214 = arith.subf %mul3A_212, %convert_element_type3A_213 : vector<16xf32>
      %mul3A_215 = vector.broadcast %scan3A_48 : f32 to vector<16xf32>
      %mul3A_216 = arith.mulf %sub3A_214, %mul3A_215 : vector<16xf32>
      %convert_element_type3A_217 = arith.fptosi %mul3A_216 : vector<16xf32> to vector<16xi32>
      %jit3A_218 = arith.constant 0 : i32
      %max3A_219 = vector.broadcast %jit3A_218 : i32 to vector<16xi32>
      %max3A_220 = arith.maxsi %max3A_219, %convert_element_type3A_217 : vector<16xi32>
      %min3A_221 = vector.broadcast %scan3A_49 : i32 to vector<16xi32>
      %min3A_222 = arith.minsi %min3A_221, %max3A_220 : vector<16xi32>
      %add3A_223 = arith.addi %mul3A_5, %min3A_222 : vector<16xi32>
      %mul3A_224 = vector.broadcast %scan3A_48 : f32 to vector<16xf32>
      %mul3A_225 = arith.mulf %max3A_205, %mul3A_224 : vector<16xf32>
      %convert_element_type3A_226 = arith.fptosi %mul3A_225 : vector<16xf32> to vector<16xi32>
      %min3A_227 = vector.broadcast %scan3A_49 : i32 to vector<16xi32>
      %min3A_228 = arith.minsi %convert_element_type3A_226, %min3A_227 : vector<16xi32>
      %eq3A_229 = vector.broadcast %sub3A_43 : i32 to vector<16xi32>
      %eq3A_230 = arith.cmpi eq, %min3A_228, %eq3A_229 : vector<16xi32>
      tpu.vector_store_idx %arg7[%add3A_223], %broadcast_in_dim3A_6 masked %eq3A_230 {add = true} : memref<32784xi32, #tpu.memory_space<vmem>>[vector<16xi32>], vector<16xi32>, vector<16xi1>
      %mul3A_231 = arith.constant 4 : i32
      %mul3A_232 = arith.muli %scan3A_162, %mul3A_231 : i32
      %add3A_233 = arith.constant 2 : i32
      %add3A_234 = arith.addi %mul3A_232, %add3A_233 : i32
      %mul3A_235 = arith.constant 16 : i32
      %mul3A_236 = arith.muli %add3A_234, %mul3A_235 : i32
      %get3A_237 = arith.index_cast %mul3A_236 : i32 to index
      %get3A_238 = tpu.vector_load %arg6[%get3A_237] {strides = array<i32>} : memref<40960xf32, #tpu.memory_space<vmem>>, vector<16xf32>,
      %max3A_239 = arith.constant 0.000000e+00 : f32
      %max3A_240 = vector.broadcast %max3A_239 : f32 to vector<16xf32>
      %max3A_241 = arith.maximumf %get3A_238, %max3A_240 : vector<16xf32>
      %mul3A_242 = vector.broadcast %scan3A_48 : f32 to vector<16xf32>
      %mul3A_243 = arith.mulf %max3A_241, %mul3A_242 : vector<16xf32>
      %convert_element_type3A_244 = arith.fptosi %mul3A_243 : vector<16xf32> to vector<16xi32>
      %min3A_245 = vector.broadcast %scan3A_49 : i32 to vector<16xi32>
      %min3A_246 = arith.minsi %convert_element_type3A_244, %min3A_245 : vector<16xi32>
      %mul3A_247 = vector.broadcast %scan3A_48 : f32 to vector<16xf32>
      %mul3A_248 = arith.mulf %max3A_241, %mul3A_247 : vector<16xf32>
      %convert_element_type3A_249 = arith.sitofp %min3A_246 : vector<16xi32> to vector<16xf32>
      %sub3A_250 = arith.subf %mul3A_248, %convert_element_type3A_249 : vector<16xf32>
      %mul3A_251 = vector.broadcast %scan3A_48 : f32 to vector<16xf32>
      %mul3A_252 = arith.mulf %sub3A_250, %mul3A_251 : vector<16xf32>
      %convert_element_type3A_253 = arith.fptosi %mul3A_252 : vector<16xf32> to vector<16xi32>
      %jit3A_254 = arith.constant 0 : i32
      %max3A_255 = vector.broadcast %jit3A_254 : i32 to vector<16xi32>
      %max3A_256 = arith.maxsi %max3A_255, %convert_element_type3A_253 : vector<16xi32>
      %min3A_257 = vector.broadcast %scan3A_49 : i32 to vector<16xi32>
      %min3A_258 = arith.minsi %min3A_257, %max3A_256 : vector<16xi32>
      %add3A_259 = arith.addi %mul3A_5, %min3A_258 : vector<16xi32>
      %mul3A_260 = vector.broadcast %scan3A_48 : f32 to vector<16xf32>
      %mul3A_261 = arith.mulf %max3A_241, %mul3A_260 : vector<16xf32>
      %convert_element_type3A_262 = arith.fptosi %mul3A_261 : vector<16xf32> to vector<16xi32>
      %min3A_263 = vector.broadcast %scan3A_49 : i32 to vector<16xi32>
      %min3A_264 = arith.minsi %convert_element_type3A_262, %min3A_263 : vector<16xi32>
      %eq3A_265 = vector.broadcast %sub3A_43 : i32 to vector<16xi32>
      %eq3A_266 = arith.cmpi eq, %min3A_264, %eq3A_265 : vector<16xi32>
      tpu.vector_store_idx %arg7[%add3A_259], %broadcast_in_dim3A_6 masked %eq3A_266 {add = true} : memref<32784xi32, #tpu.memory_space<vmem>>[vector<16xi32>], vector<16xi32>, vector<16xi1>
      %mul3A_267 = arith.constant 4 : i32
      %mul3A_268 = arith.muli %scan3A_162, %mul3A_267 : i32
      %add3A_269 = arith.constant 3 : i32
      %add3A_270 = arith.addi %mul3A_268, %add3A_269 : i32
      %mul3A_271 = arith.constant 16 : i32
      %mul3A_272 = arith.muli %add3A_270, %mul3A_271 : i32
      %get3A_273 = arith.index_cast %mul3A_272 : i32 to index
      %get3A_274 = tpu.vector_load %arg6[%get3A_273] {strides = array<i32>} : memref<40960xf32, #tpu.memory_space<vmem>>, vector<16xf32>,
      %max3A_275 = arith.constant 0.000000e+00 : f32
      %max3A_276 = vector.broadcast %max3A_275 : f32 to vector<16xf32>
      %max3A_277 = arith.maximumf %get3A_274, %max3A_276 : vector<16xf32>
      %mul3A_278 = vector.broadcast %scan3A_48 : f32 to vector<16xf32>
      %mul3A_279 = arith.mulf %max3A_277, %mul3A_278 : vector<16xf32>
      %convert_element_type3A_280 = arith.fptosi %mul3A_279 : vector<16xf32> to vector<16xi32>
      %min3A_281 = vector.broadcast %scan3A_49 : i32 to vector<16xi32>
      %min3A_282 = arith.minsi %convert_element_type3A_280, %min3A_281 : vector<16xi32>
      %mul3A_283 = vector.broadcast %scan3A_48 : f32 to vector<16xf32>
      %mul3A_284 = arith.mulf %max3A_277, %mul3A_283 : vector<16xf32>
      %convert_element_type3A_285 = arith.sitofp %min3A_282 : vector<16xi32> to vector<16xf32>
      %sub3A_286 = arith.subf %mul3A_284, %convert_element_type3A_285 : vector<16xf32>
      %mul3A_287 = vector.broadcast %scan3A_48 : f32 to vector<16xf32>
      %mul3A_288 = arith.mulf %sub3A_286, %mul3A_287 : vector<16xf32>
      %convert_element_type3A_289 = arith.fptosi %mul3A_288 : vector<16xf32> to vector<16xi32>
      %jit3A_290 = arith.constant 0 : i32
      %max3A_291 = vector.broadcast %jit3A_290 : i32 to vector<16xi32>
      %max3A_292 = arith.maxsi %max3A_291, %convert_element_type3A_289 : vector<16xi32>
      %min3A_293 = vector.broadcast %scan3A_49 : i32 to vector<16xi32>
      %min3A_294 = arith.minsi %min3A_293, %max3A_292 : vector<16xi32>
      %add3A_295 = arith.addi %mul3A_5, %min3A_294 : vector<16xi32>
      %mul3A_296 = vector.broadcast %scan3A_48 : f32 to vector<16xf32>
      %mul3A_297 = arith.mulf %max3A_277, %mul3A_296 : vector<16xf32>
      %convert_element_type3A_298 = arith.fptosi %mul3A_297 : vector<16xf32> to vector<16xi32>
      %min3A_299 = vector.broadcast %scan3A_49 : i32 to vector<16xi32>
      %min3A_300 = arith.minsi %convert_element_type3A_298, %min3A_299 : vector<16xi32>
      %eq3A_301 = vector.broadcast %sub3A_43 : i32 to vector<16xi32>
      %eq3A_302 = arith.cmpi eq, %min3A_300, %eq3A_301 : vector<16xi32>
      tpu.vector_store_idx %arg7[%add3A_295], %broadcast_in_dim3A_6 masked %eq3A_302 {add = true} : memref<32784xi32, #tpu.memory_space<vmem>>[vector<16xi32>], vector<16xi32>, vector<16xi1>
      %scan3A_303 = arith.constant 0 : i32
      scf.yield %scan3A_303 : i32
    }
    %scan3A_56 = arith.constant 640 : i32
    %scan3A_57 = arith.constant 0 : i32
    %scan3A_58 = arith.constant 0 : i32
    %scan3A_59 = arith.constant 128 : i32
    %scan3A_60 = arith.addi %scan3A_58, %scan3A_59 : i32
    %scan3A_61 = arith.constant 1 : i32
    %scan3A_62 = scf.for %scan3A_162 = %scan3A_58 to %scan3A_60 step %scan3A_61 iter_args(%scan3A_163 = %scan3A_57) -> (i32)  : i32 {
      %broadcast_in_dim3A_164 = arith.constant 0 : i32
      %broadcast_in_dim3A_165 = vector.broadcast %broadcast_in_dim3A_164 : i32 to vector<16xi32>
      %mul3A_166 = arith.constant 16 : i32
      %mul3A_167 = arith.muli %scan3A_162, %mul3A_166 : i32
      %add3A_168 = arith.constant 0 : i32
      %add3A_169 = arith.addi %add3A_168, %mul3A_167 : i32
      %get3A = arith.index_cast %add3A_169 : i32 to index
      %get3A_170 = tpu.vector_load %arg7[%get3A] {strides = array<i32>} : memref<32784xi32, #tpu.memory_space<vmem>>, vector<16xi32>,
      %add3A_171 = arith.addi %broadcast_in_dim3A_165, %get3A_170 : vector<16xi32>
      %mul3A_172 = arith.constant 16 : i32
      %mul3A_173 = arith.muli %scan3A_162, %mul3A_172 : i32
      %add3A_174 = arith.constant 2049 : i32
      %add3A_175 = arith.addi %add3A_174, %mul3A_173 : i32
      %get3A_176 = arith.index_cast %add3A_175 : i32 to index
      %get3A_177 = tpu.vector_load %arg7[%get3A_176] {strides = array<i32>} : memref<32784xi32, #tpu.memory_space<vmem>>, vector<16xi32>,
      %add3A_178 = arith.addi %add3A_171, %get3A_177 : vector<16xi32>
      %mul3A_179 = arith.constant 16 : i32
      %mul3A_180 = arith.muli %scan3A_162, %mul3A_179 : i32
      %add3A_181 = arith.constant 4098 : i32
      %add3A_182 = arith.addi %add3A_181, %mul3A_180 : i32
      %get3A_183 = arith.index_cast %add3A_182 : i32 to index
      %get3A_184 = tpu.vector_load %arg7[%get3A_183] {strides = array<i32>} : memref<32784xi32, #tpu.memory_space<vmem>>, vector<16xi32>,
      %add3A_185 = arith.addi %add3A_178, %get3A_184 : vector<16xi32>
      %mul3A_186 = arith.constant 16 : i32
      %mul3A_187 = arith.muli %scan3A_162, %mul3A_186 : i32
      %add3A_188 = arith.constant 6147 : i32
      %add3A_189 = arith.addi %add3A_188, %mul3A_187 : i32
      %get3A_190 = arith.index_cast %add3A_189 : i32 to index
      %get3A_191 = tpu.vector_load %arg7[%get3A_190] {strides = array<i32>} : memref<32784xi32, #tpu.memory_space<vmem>>, vector<16xi32>,
      %add3A_192 = arith.addi %add3A_185, %get3A_191 : vector<16xi32>
      %mul3A_193 = arith.constant 16 : i32
      %mul3A_194 = arith.muli %scan3A_162, %mul3A_193 : i32
      %add3A_195 = arith.constant 8196 : i32
      %add3A_196 = arith.addi %add3A_195, %mul3A_194 : i32
      %get3A_197 = arith.index_cast %add3A_196 : i32 to index
      %get3A_198 = tpu.vector_load %arg7[%get3A_197] {strides = array<i32>} : memref<32784xi32, #tpu.memory_space<vmem>>, vector<16xi32>,
      %add3A_199 = arith.addi %add3A_192, %get3A_198 : vector<16xi32>
      %mul3A_200 = arith.constant 16 : i32
      %mul3A_201 = arith.muli %scan3A_162, %mul3A_200 : i32
      %add3A_202 = arith.constant 10245 : i32
      %add3A_203 = arith.addi %add3A_202, %mul3A_201 : i32
      %get3A_204 = arith.index_cast %add3A_203 : i32 to index
      %get3A_205 = tpu.vector_load %arg7[%get3A_204] {strides = array<i32>} : memref<32784xi32, #tpu.memory_space<vmem>>, vector<16xi32>,
      %add3A_206 = arith.addi %add3A_199, %get3A_205 : vector<16xi32>
      %mul3A_207 = arith.constant 16 : i32
      %mul3A_208 = arith.muli %scan3A_162, %mul3A_207 : i32
      %add3A_209 = arith.constant 12294 : i32
      %add3A_210 = arith.addi %add3A_209, %mul3A_208 : i32
      %get3A_211 = arith.index_cast %add3A_210 : i32 to index
      %get3A_212 = tpu.vector_load %arg7[%get3A_211] {strides = array<i32>} : memref<32784xi32, #tpu.memory_space<vmem>>, vector<16xi32>,
      %add3A_213 = arith.addi %add3A_206, %get3A_212 : vector<16xi32>
      %mul3A_214 = arith.constant 16 : i32
      %mul3A_215 = arith.muli %scan3A_162, %mul3A_214 : i32
      %add3A_216 = arith.constant 14343 : i32
      %add3A_217 = arith.addi %add3A_216, %mul3A_215 : i32
      %get3A_218 = arith.index_cast %add3A_217 : i32 to index
      %get3A_219 = tpu.vector_load %arg7[%get3A_218] {strides = array<i32>} : memref<32784xi32, #tpu.memory_space<vmem>>, vector<16xi32>,
      %add3A_220 = arith.addi %add3A_213, %get3A_219 : vector<16xi32>
      %mul3A_221 = arith.constant 16 : i32
      %mul3A_222 = arith.muli %scan3A_162, %mul3A_221 : i32
      %add3A_223 = arith.constant 16392 : i32
      %add3A_224 = arith.addi %add3A_223, %mul3A_222 : i32
      %get3A_225 = arith.index_cast %add3A_224 : i32 to index
      %get3A_226 = tpu.vector_load %arg7[%get3A_225] {strides = array<i32>} : memref<32784xi32, #tpu.memory_space<vmem>>, vector<16xi32>,
      %add3A_227 = arith.addi %add3A_220, %get3A_226 : vector<16xi32>
      %mul3A_228 = arith.constant 16 : i32
      %mul3A_229 = arith.muli %scan3A_162, %mul3A_228 : i32
      %add3A_230 = arith.constant 18441 : i32
      %add3A_231 = arith.addi %add3A_230, %mul3A_229 : i32
      %get3A_232 = arith.index_cast %add3A_231 : i32 to index
      %get3A_233 = tpu.vector_load %arg7[%get3A_232] {strides = array<i32>} : memref<32784xi32, #tpu.memory_space<vmem>>, vector<16xi32>,
      %add3A_234 = arith.addi %add3A_227, %get3A_233 : vector<16xi32>
      %mul3A_235 = arith.constant 16 : i32
      %mul3A_236 = arith.muli %scan3A_162, %mul3A_235 : i32
      %add3A_237 = arith.constant 20490 : i32
      %add3A_238 = arith.addi %add3A_237, %mul3A_236 : i32
      %get3A_239 = arith.index_cast %add3A_238 : i32 to index
      %get3A_240 = tpu.vector_load %arg7[%get3A_239] {strides = array<i32>} : memref<32784xi32, #tpu.memory_space<vmem>>, vector<16xi32>,
      %add3A_241 = arith.addi %add3A_234, %get3A_240 : vector<16xi32>
      %mul3A_242 = arith.constant 16 : i32
      %mul3A_243 = arith.muli %scan3A_162, %mul3A_242 : i32
      %add3A_244 = arith.constant 22539 : i32
      %add3A_245 = arith.addi %add3A_244, %mul3A_243 : i32
      %get3A_246 = arith.index_cast %add3A_245 : i32 to index
      %get3A_247 = tpu.vector_load %arg7[%get3A_246] {strides = array<i32>} : memref<32784xi32, #tpu.memory_space<vmem>>, vector<16xi32>,
      %add3A_248 = arith.addi %add3A_241, %get3A_247 : vector<16xi32>
      %mul3A_249 = arith.constant 16 : i32
      %mul3A_250 = arith.muli %scan3A_162, %mul3A_249 : i32
      %add3A_251 = arith.constant 24588 : i32
      %add3A_252 = arith.addi %add3A_251, %mul3A_250 : i32
      %get3A_253 = arith.index_cast %add3A_252 : i32 to index
      %get3A_254 = tpu.vector_load %arg7[%get3A_253] {strides = array<i32>} : memref<32784xi32, #tpu.memory_space<vmem>>, vector<16xi32>,
      %add3A_255 = arith.addi %add3A_248, %get3A_254 : vector<16xi32>
      %mul3A_256 = arith.constant 16 : i32
      %mul3A_257 = arith.muli %scan3A_162, %mul3A_256 : i32
      %add3A_258 = arith.constant 26637 : i32
      %add3A_259 = arith.addi %add3A_258, %mul3A_257 : i32
      %get3A_260 = arith.index_cast %add3A_259 : i32 to index
      %get3A_261 = tpu.vector_load %arg7[%get3A_260] {strides = array<i32>} : memref<32784xi32, #tpu.memory_space<vmem>>, vector<16xi32>,
      %add3A_262 = arith.addi %add3A_255, %get3A_261 : vector<16xi32>
      %mul3A_263 = arith.constant 16 : i32
      %mul3A_264 = arith.muli %scan3A_162, %mul3A_263 : i32
      %add3A_265 = arith.constant 28686 : i32
      %add3A_266 = arith.addi %add3A_265, %mul3A_264 : i32
      %get3A_267 = arith.index_cast %add3A_266 : i32 to index
      %get3A_268 = tpu.vector_load %arg7[%get3A_267] {strides = array<i32>} : memref<32784xi32, #tpu.memory_space<vmem>>, vector<16xi32>,
      %add3A_269 = arith.addi %add3A_262, %get3A_268 : vector<16xi32>
      %mul3A_270 = arith.constant 16 : i32
      %mul3A_271 = arith.muli %scan3A_162, %mul3A_270 : i32
      %add3A_272 = arith.constant 30735 : i32
      %add3A_273 = arith.addi %add3A_272, %mul3A_271 : i32
      %get3A_274 = arith.index_cast %add3A_273 : i32 to index
      %get3A_275 = tpu.vector_load %arg7[%get3A_274] {strides = array<i32>} : memref<32784xi32, #tpu.memory_space<vmem>>, vector<16xi32>,
      %add3A_276 = arith.addi %add3A_269, %get3A_275 : vector<16xi32>
      %mul3A_277 = arith.constant 16 : i32
      %mul3A_278 = arith.muli %scan3A_162, %mul3A_277 : i32
      %swap3A_279 = arith.index_cast %mul3A_278 : i32 to index
      %swap3A_280 = tpu.vector_load %arg8[%swap3A_279] {strides = array<i32>} : memref<2048xi32, #tpu.memory_space<vmem>>, vector<16xi32>,
      tpu.vector_store %arg8[%swap3A_279], %add3A_276 {strides = array<i32>} : memref<2048xi32, #tpu.memory_space<vmem>>, vector<16xi32>,
      %scan3A_281 = arith.constant 0 : i32
      scf.yield %scan3A_281 : i32
    }
    %scan3A_63 = arith.constant 128 : i32
    %mul3A_64 = arith.constant 2048 : i32
    %mul3A_65 = arith.muli %arg1, %mul3A_64 : i32
    "tpu.region"() ({
      %run_scoped3A = tpu.sem_alloc : memref<!tpu.dma_semaphore, #tpu.memory_space<semaphore_mem>>
      %dma_start3A = tpu.memref_slice %arg11[%mul3A_65] : memref<32768xi32, #tpu.memory_space<vmem_shared>> -> memref<2048xi32, #tpu.memory_space<vmem_shared>>
      %dma_start3A_162 = tpu.memref_slice %arg11[%mul3A_65] : memref<32768xi32, #tpu.memory_space<vmem_shared>> -> memref<2048xi32, #tpu.memory_space<vmem_shared>>
      tpu.enqueue_dma source(%arg8 : memref<2048xi32, #tpu.memory_space<vmem>>) target(%dma_start3A_162 : memref<2048xi32, #tpu.memory_space<vmem_shared>>) target_semaphore(%run_scoped3A : memref<!tpu.dma_semaphore, #tpu.memory_space<semaphore_mem>>)
      %dma_wait3A = tpu.memref_slice %arg11[%mul3A_65] : memref<32768xi32, #tpu.memory_space<vmem_shared>> -> memref<2048xi32, #tpu.memory_space<vmem_shared>>
      %dma_wait3A_163 = tpu.memref_slice %arg11[%mul3A_65] : memref<32768xi32, #tpu.memory_space<vmem_shared>> -> memref<2048xi32, #tpu.memory_space<vmem_shared>>
      tpu.wait_dma2 semaphore(%run_scoped3A : memref<!tpu.dma_semaphore, #tpu.memory_space<semaphore_mem>>) src(%arg8 : memref<2048xi32, #tpu.memory_space<vmem>>) dst(%dma_wait3A_163 : memref<2048xi32, #tpu.memory_space<vmem_shared>>)
      tpu.yield
    }) : () -> ()
    %barrier3A_66 = arith.constant 0 : index
    tpu.barrier barrier_id(%barrier3A_66)
    "tpu.region"() ({
      %run_scoped3A = tpu.sem_alloc : memref<!tpu.dma_semaphore, #tpu.memory_space<semaphore_mem>>
      %dma_start3A = arith.constant 0 : i32
      %dma_start3A_162 = tpu.memref_slice %arg7[%dma_start3A] : memref<32784xi32, #tpu.memory_space<vmem>> -> memref<32768xi32, #tpu.memory_space<vmem>>
      %dma_start3A_163 = arith.constant 0 : i32
      %dma_start3A_164 = tpu.memref_slice %arg7[%dma_start3A_163] : memref<32784xi32, #tpu.memory_space<vmem>> -> memref<32768xi32, #tpu.memory_space<vmem>>
      tpu.enqueue_dma source(%arg11 : memref<32768xi32, #tpu.memory_space<vmem_shared>>) target(%dma_start3A_164 : memref<32768xi32, #tpu.memory_space<vmem>>) target_semaphore(%run_scoped3A : memref<!tpu.dma_semaphore, #tpu.memory_space<semaphore_mem>>)
      %dma_wait3A = arith.constant 0 : i32
      %dma_wait3A_165 = tpu.memref_slice %arg7[%dma_wait3A] : memref<32784xi32, #tpu.memory_space<vmem>> -> memref<32768xi32, #tpu.memory_space<vmem>>
      %dma_wait3A_166 = arith.constant 0 : i32
      %dma_wait3A_167 = tpu.memref_slice %arg7[%dma_wait3A_166] : memref<32784xi32, #tpu.memory_space<vmem>> -> memref<32768xi32, #tpu.memory_space<vmem>>
      tpu.wait_dma2 semaphore(%run_scoped3A : memref<!tpu.dma_semaphore, #tpu.memory_space<semaphore_mem>>) src(%arg11 : memref<32768xi32, #tpu.memory_space<vmem_shared>>) dst(%dma_wait3A_167 : memref<32768xi32, #tpu.memory_space<vmem>>)
      tpu.yield
    }) : () -> ()
    %scan3A_67 = arith.constant 0 : i32
    %scan3A_68 = arith.constant 0 : i32
    %scan3A_69 = arith.constant 128 : i32
    %scan3A_70 = arith.addi %scan3A_68, %scan3A_69 : i32
    %scan3A_71 = arith.constant 1 : i32
    %scan3A_72 = scf.for %scan3A_162 = %scan3A_68 to %scan3A_70 step %scan3A_71 iter_args(%scan3A_163 = %scan3A_67) -> (i32)  : i32 {
      %broadcast_in_dim3A_164 = arith.constant 0 : i32
      %broadcast_in_dim3A_165 = vector.broadcast %broadcast_in_dim3A_164 : i32 to vector<16xi32>
      %mul3A_166 = arith.constant 16 : i32
      %mul3A_167 = arith.muli %scan3A_162, %mul3A_166 : i32
      %add3A_168 = arith.constant 0 : i32
      %add3A_169 = arith.addi %add3A_168, %mul3A_167 : i32
      %get3A = arith.index_cast %add3A_169 : i32 to index
      %get3A_170 = tpu.vector_load %arg7[%get3A] {strides = array<i32>} : memref<32784xi32, #tpu.memory_space<vmem>>, vector<16xi32>,
      %add3A_171 = arith.addi %broadcast_in_dim3A_165, %get3A_170 : vector<16xi32>
      %mul3A_172 = arith.constant 16 : i32
      %mul3A_173 = arith.muli %scan3A_162, %mul3A_172 : i32
      %add3A_174 = arith.constant 2048 : i32
      %add3A_175 = arith.addi %add3A_174, %mul3A_173 : i32
      %get3A_176 = arith.index_cast %add3A_175 : i32 to index
      %get3A_177 = tpu.vector_load %arg7[%get3A_176] {strides = array<i32>} : memref<32784xi32, #tpu.memory_space<vmem>>, vector<16xi32>,
      %add3A_178 = arith.addi %add3A_171, %get3A_177 : vector<16xi32>
      %mul3A_179 = arith.constant 16 : i32
      %mul3A_180 = arith.muli %scan3A_162, %mul3A_179 : i32
      %add3A_181 = arith.constant 4096 : i32
      %add3A_182 = arith.addi %add3A_181, %mul3A_180 : i32
      %get3A_183 = arith.index_cast %add3A_182 : i32 to index
      %get3A_184 = tpu.vector_load %arg7[%get3A_183] {strides = array<i32>} : memref<32784xi32, #tpu.memory_space<vmem>>, vector<16xi32>,
      %add3A_185 = arith.addi %add3A_178, %get3A_184 : vector<16xi32>
      %mul3A_186 = arith.constant 16 : i32
      %mul3A_187 = arith.muli %scan3A_162, %mul3A_186 : i32
      %add3A_188 = arith.constant 6144 : i32
      %add3A_189 = arith.addi %add3A_188, %mul3A_187 : i32
      %get3A_190 = arith.index_cast %add3A_189 : i32 to index
      %get3A_191 = tpu.vector_load %arg7[%get3A_190] {strides = array<i32>} : memref<32784xi32, #tpu.memory_space<vmem>>, vector<16xi32>,
      %add3A_192 = arith.addi %add3A_185, %get3A_191 : vector<16xi32>
      %mul3A_193 = arith.constant 16 : i32
      %mul3A_194 = arith.muli %scan3A_162, %mul3A_193 : i32
      %add3A_195 = arith.constant 8192 : i32
      %add3A_196 = arith.addi %add3A_195, %mul3A_194 : i32
      %get3A_197 = arith.index_cast %add3A_196 : i32 to index
      %get3A_198 = tpu.vector_load %arg7[%get3A_197] {strides = array<i32>} : memref<32784xi32, #tpu.memory_space<vmem>>, vector<16xi32>,
      %add3A_199 = arith.addi %add3A_192, %get3A_198 : vector<16xi32>
      %mul3A_200 = arith.constant 16 : i32
      %mul3A_201 = arith.muli %scan3A_162, %mul3A_200 : i32
      %add3A_202 = arith.constant 10240 : i32
      %add3A_203 = arith.addi %add3A_202, %mul3A_201 : i32
      %get3A_204 = arith.index_cast %add3A_203 : i32 to index
      %get3A_205 = tpu.vector_load %arg7[%get3A_204] {strides = array<i32>} : memref<32784xi32, #tpu.memory_space<vmem>>, vector<16xi32>,
      %add3A_206 = arith.addi %add3A_199, %get3A_205 : vector<16xi32>
      %mul3A_207 = arith.constant 16 : i32
      %mul3A_208 = arith.muli %scan3A_162, %mul3A_207 : i32
      %add3A_209 = arith.constant 12288 : i32
      %add3A_210 = arith.addi %add3A_209, %mul3A_208 : i32
      %get3A_211 = arith.index_cast %add3A_210 : i32 to index
      %get3A_212 = tpu.vector_load %arg7[%get3A_211] {strides = array<i32>} : memref<32784xi32, #tpu.memory_space<vmem>>, vector<16xi32>,
      %add3A_213 = arith.addi %add3A_206, %get3A_212 : vector<16xi32>
      %mul3A_214 = arith.constant 16 : i32
      %mul3A_215 = arith.muli %scan3A_162, %mul3A_214 : i32
      %add3A_216 = arith.constant 14336 : i32
      %add3A_217 = arith.addi %add3A_216, %mul3A_215 : i32
      %get3A_218 = arith.index_cast %add3A_217 : i32 to index
      %get3A_219 = tpu.vector_load %arg7[%get3A_218] {strides = array<i32>} : memref<32784xi32, #tpu.memory_space<vmem>>, vector<16xi32>,
      %add3A_220 = arith.addi %add3A_213, %get3A_219 : vector<16xi32>
      %mul3A_221 = arith.constant 16 : i32
      %mul3A_222 = arith.muli %scan3A_162, %mul3A_221 : i32
      %add3A_223 = arith.constant 16384 : i32
      %add3A_224 = arith.addi %add3A_223, %mul3A_222 : i32
      %get3A_225 = arith.index_cast %add3A_224 : i32 to index
      %get3A_226 = tpu.vector_load %arg7[%get3A_225] {strides = array<i32>} : memref<32784xi32, #tpu.memory_space<vmem>>, vector<16xi32>,
      %add3A_227 = arith.addi %add3A_220, %get3A_226 : vector<16xi32>
      %mul3A_228 = arith.constant 16 : i32
      %mul3A_229 = arith.muli %scan3A_162, %mul3A_228 : i32
      %add3A_230 = arith.constant 18432 : i32
      %add3A_231 = arith.addi %add3A_230, %mul3A_229 : i32
      %get3A_232 = arith.index_cast %add3A_231 : i32 to index
      %get3A_233 = tpu.vector_load %arg7[%get3A_232] {strides = array<i32>} : memref<32784xi32, #tpu.memory_space<vmem>>, vector<16xi32>,
      %add3A_234 = arith.addi %add3A_227, %get3A_233 : vector<16xi32>
      %mul3A_235 = arith.constant 16 : i32
      %mul3A_236 = arith.muli %scan3A_162, %mul3A_235 : i32
      %add3A_237 = arith.constant 20480 : i32
      %add3A_238 = arith.addi %add3A_237, %mul3A_236 : i32
      %get3A_239 = arith.index_cast %add3A_238 : i32 to index
      %get3A_240 = tpu.vector_load %arg7[%get3A_239] {strides = array<i32>} : memref<32784xi32, #tpu.memory_space<vmem>>, vector<16xi32>,
      %add3A_241 = arith.addi %add3A_234, %get3A_240 : vector<16xi32>
      %mul3A_242 = arith.constant 16 : i32
      %mul3A_243 = arith.muli %scan3A_162, %mul3A_242 : i32
      %add3A_244 = arith.constant 22528 : i32
      %add3A_245 = arith.addi %add3A_244, %mul3A_243 : i32
      %get3A_246 = arith.index_cast %add3A_245 : i32 to index
      %get3A_247 = tpu.vector_load %arg7[%get3A_246] {strides = array<i32>} : memref<32784xi32, #tpu.memory_space<vmem>>, vector<16xi32>,
      %add3A_248 = arith.addi %add3A_241, %get3A_247 : vector<16xi32>
      %mul3A_249 = arith.constant 16 : i32
      %mul3A_250 = arith.muli %scan3A_162, %mul3A_249 : i32
      %add3A_251 = arith.constant 24576 : i32
      %add3A_252 = arith.addi %add3A_251, %mul3A_250 : i32
      %get3A_253 = arith.index_cast %add3A_252 : i32 to index
      %get3A_254 = tpu.vector_load %arg7[%get3A_253] {strides = array<i32>} : memref<32784xi32, #tpu.memory_space<vmem>>, vector<16xi32>,
      %add3A_255 = arith.addi %add3A_248, %get3A_254 : vector<16xi32>
      %mul3A_256 = arith.constant 16 : i32
      %mul3A_257 = arith.muli %scan3A_162, %mul3A_256 : i32
      %add3A_258 = arith.constant 26624 : i32
      %add3A_259 = arith.addi %add3A_258, %mul3A_257 : i32
      %get3A_260 = arith.index_cast %add3A_259 : i32 to index
      %get3A_261 = tpu.vector_load %arg7[%get3A_260] {strides = array<i32>} : memref<32784xi32, #tpu.memory_space<vmem>>, vector<16xi32>,
      %add3A_262 = arith.addi %add3A_255, %get3A_261 : vector<16xi32>
      %mul3A_263 = arith.constant 16 : i32
      %mul3A_264 = arith.muli %scan3A_162, %mul3A_263 : i32
      %add3A_265 = arith.constant 28672 : i32
      %add3A_266 = arith.addi %add3A_265, %mul3A_264 : i32
      %get3A_267 = arith.index_cast %add3A_266 : i32 to index
      %get3A_268 = tpu.vector_load %arg7[%get3A_267] {strides = array<i32>} : memref<32784xi32, #tpu.memory_space<vmem>>, vector<16xi32>,
      %add3A_269 = arith.addi %add3A_262, %get3A_268 : vector<16xi32>
      %mul3A_270 = arith.constant 16 : i32
      %mul3A_271 = arith.muli %scan3A_162, %mul3A_270 : i32
      %add3A_272 = arith.constant 30720 : i32
      %add3A_273 = arith.addi %add3A_272, %mul3A_271 : i32
      %get3A_274 = arith.index_cast %add3A_273 : i32 to index
      %get3A_275 = tpu.vector_load %arg7[%get3A_274] {strides = array<i32>} : memref<32784xi32, #tpu.memory_space<vmem>>, vector<16xi32>,
      %add3A_276 = arith.addi %add3A_269, %get3A_275 : vector<16xi32>
      %mul3A_277 = arith.constant 16 : i32
      %mul3A_278 = arith.muli %scan3A_162, %mul3A_277 : i32
      %swap3A_279 = arith.index_cast %mul3A_278 : i32 to index
      %swap3A_280 = tpu.vector_load %arg8[%swap3A_279] {strides = array<i32>} : memref<2048xi32, #tpu.memory_space<vmem>>, vector<16xi32>,
      tpu.vector_store %arg8[%swap3A_279], %add3A_276 {strides = array<i32>} : memref<2048xi32, #tpu.memory_space<vmem>>, vector<16xi32>,
      %scan3A_281 = arith.constant 0 : i32
      scf.yield %scan3A_281 : i32
    }
    %scan3A_73 = arith.constant 128 : i32
    %barrier3A_74 = arith.constant 0 : index
    tpu.barrier barrier_id(%barrier3A_74)
    %scan3A_75 = arith.constant 0 : i32
    %scan3A_76 = arith.constant 0 : i32
    %scan3A_77 = arith.constant 0 : i32
    %scan3A_78 = arith.constant 0 : i32
    %scan3A_79 = arith.constant 0 : i32
    %scan3A_80 = arith.constant 128 : i32
    %scan3A_81 = arith.addi %scan3A_79, %scan3A_80 : i32
    %scan3A_82 = arith.constant 1 : i32
    %scan3A_83:4 = scf.for %scan3A_162 = %scan3A_79 to %scan3A_81 step %scan3A_82 iter_args(%scan3A_163 = %scan3A_75, %scan3A_164 = %scan3A_76, %scan3A_165 = %scan3A_77, %scan3A_166 = %scan3A_78) -> (i32, i32, i32, i32)  : i32 {
      %sub3A_167 = arith.constant 127 : i32
      %sub3A_168 = arith.subi %sub3A_167, %scan3A_162 : i32
      %mul3A_169 = arith.constant 16 : i32
      %mul3A_170 = arith.muli %sub3A_168, %mul3A_169 : i32
      %get3A = arith.index_cast %mul3A_170 : i32 to index
      %get3A_171 = tpu.vector_load %arg8[%get3A] {strides = array<i32>} : memref<2048xi32, #tpu.memory_space<vmem>>, vector<16xi32>,
      %rev3A = arith.constant 15 : i32
      %rev3A_172 = vector.broadcast %rev3A : i32 to vector<16xi32>
      %rev3A_173 = tpu.iota {dimensions = array<i32: 0>} : vector<16xi32>
      %rev3A_174 = arith.subi %rev3A_172, %rev3A_173 : vector<16xi32>
      %rev3A_175 = tpu.dynamic_gather %get3A_171[%rev3A_174] in [0] : vector<16xi32>, vector<16xi32> -> vector<16xi32>
      %broadcast_in_dim3A_176 = arith.constant true
      %broadcast_in_dim3A_177 = vector.broadcast %broadcast_in_dim3A_176 : i1 to vector<16xi1>
      %masked_cumsum3A = tpu.scan <sum>, %rev3A_175 masked %broadcast_in_dim3A_177 : vector<16xi32>, vector<16xi1> -> vector<16xi32>
      %rev3A_178 = arith.constant 15 : i32
      %rev3A_179 = vector.broadcast %rev3A_178 : i32 to vector<16xi32>
      %rev3A_180 = tpu.iota {dimensions = array<i32: 0>} : vector<16xi32>
      %rev3A_181 = arith.subi %rev3A_179, %rev3A_180 : vector<16xi32>
      %rev3A_182 = tpu.dynamic_gather %masked_cumsum3A[%rev3A_181] in [0] : vector<16xi32>, vector<16xi32> -> vector<16xi32>
      %add3A_183 = vector.broadcast %scan3A_164 : i32 to vector<16xi32>
      %add3A_184 = arith.addi %add3A_183, %rev3A_182 : vector<16xi32>
      %ge3A = vector.broadcast %max3A_47 : i32 to vector<16xi32>
      %ge3A_185 = arith.cmpi sge, %add3A_184, %ge3A : vector<16xi32>
      %all_reduce_population_count3A = tpu.all_reduce %ge3A_185 {dim = 0 : i64, kind = #tpu.reduction_kind<sum>} : vector<16xi1> -> vector<16xi32>
      %reduce_max3A = arith.constant true
      %reduce_max3A_186 = vector.broadcast %reduce_max3A : i1 to vector<16xi1>
      %reduce_max3A_187 = arith.constant -2147483648 : i32
      %reduce_max3A_188 = vector.broadcast %reduce_max3A_187 : i32 to vector<16xi32>
      %reduce_max3A_189 = arith.xori %all_reduce_population_count3A, %reduce_max3A_188 : vector<16xi32>
      %reduce_max3A_190 = tpu.scan <max>, %reduce_max3A_189 masked %reduce_max3A_186 : vector<16xi32>, vector<16xi1> -> vector<16xi32>
      %reduce_max3A_191 = arith.xori %reduce_max3A_190, %reduce_max3A_188 : vector<16xi32>
      %reduce_max3A_192 = vector.extract %reduce_max3A_191[15] : i32 from vector<16xi32>
      %add3A_193 = arith.addi %scan3A_163, %reduce_max3A_192 : i32
      %reduce_sum3A = arith.constant true
      %reduce_sum3A_194 = vector.broadcast %reduce_sum3A : i1 to vector<16xi1>
      %reduce_sum3A_195 = tpu.scan <sum>, %get3A_171 masked %reduce_sum3A_194 : vector<16xi32>, vector<16xi1> -> vector<16xi32>
      %reduce_sum3A_196 = vector.extract %reduce_sum3A_195[15] : i32 from vector<16xi32>
      %jit3A = arith.constant 0 : i32
      %broadcast_in_dim3A_197 = vector.broadcast %jit3A : i32 to vector<16xi32>
      %select_n3A = arith.select %ge3A_185, %get3A_171, %broadcast_in_dim3A_197 : vector<16xi1>, vector<16xi32>
      %reduce_sum3A_198 = arith.constant true
      %reduce_sum3A_199 = vector.broadcast %reduce_sum3A_198 : i1 to vector<16xi1>
      %reduce_sum3A_200 = tpu.scan <sum>, %select_n3A masked %reduce_sum3A_199 : vector<16xi32>, vector<16xi1> -> vector<16xi32>
      %reduce_sum3A_201 = vector.extract %reduce_sum3A_200[15] : i32 from vector<16xi32>
      %add3A_202 = arith.addi %scan3A_165, %reduce_sum3A_201 : i32
      %add3A_203 = arith.addi %scan3A_164, %reduce_sum3A_196 : i32
      %add3A_204 = arith.addi %scan3A_166, %reduce_sum3A_196 : i32
      scf.yield %add3A_193, %add3A_203, %add3A_202, %add3A_204 : i32, i32, i32, i32
    }
    %scan3A_84 = arith.constant 128 : i32
    %sub3A_85 = arith.constant 1 : i32
    %sub3A_86 = arith.subi %scan3A_83#0, %sub3A_85 : i32
    %sub3A_87 = arith.subi %scan3A_83#3, %scan3A_83#2 : i32
    %broadcast_in_dim3A_88 = arith.constant -1.000000e+00 : f32
    %broadcast_in_dim3A_89 = vector.broadcast %broadcast_in_dim3A_88 : f32 to vector<16xf32>
    %swap3A = arith.constant 0 : index
    %swap3A_90 = tpu.vector_load %arg9[%swap3A] {strides = array<i32>} : memref<144xf32, #tpu.memory_space<vmem>>, vector<16xf32>,
    tpu.vector_store %arg9[%swap3A], %broadcast_in_dim3A_89 {strides = array<i32>} : memref<144xf32, #tpu.memory_space<vmem>>, vector<16xf32>,
    %broadcast_in_dim3A_91 = arith.constant 0 : i32
    %broadcast_in_dim3A_92 = vector.broadcast %broadcast_in_dim3A_91 : i32 to vector<16xi32>
    %swap3A_93 = arith.constant 0 : index
    %swap3A_94 = tpu.vector_load %arg10[%swap3A_93] {strides = array<i32>} : memref<144xi32, #tpu.memory_space<vmem>>, vector<16xi32>,
    tpu.vector_store %arg10[%swap3A_93], %broadcast_in_dim3A_92 {strides = array<i32>} : memref<144xi32, #tpu.memory_space<vmem>>, vector<16xi32>,
    %broadcast_in_dim3A_95 = arith.constant -1.000000e+00 : f32
    %broadcast_in_dim3A_96 = vector.broadcast %broadcast_in_dim3A_95 : f32 to vector<16xf32>
    %swap3A_97 = arith.constant 16 : index
    %swap3A_98 = tpu.vector_load %arg9[%swap3A_97] {strides = array<i32>} : memref<144xf32, #tpu.memory_space<vmem>>, vector<16xf32>,
    tpu.vector_store %arg9[%swap3A_97], %broadcast_in_dim3A_96 {strides = array<i32>} : memref<144xf32, #tpu.memory_space<vmem>>, vector<16xf32>,
    %broadcast_in_dim3A_99 = arith.constant 0 : i32
    %broadcast_in_dim3A_100 = vector.broadcast %broadcast_in_dim3A_99 : i32 to vector<16xi32>
    %swap3A_101 = arith.constant 16 : index
    %swap3A_102 = tpu.vector_load %arg10[%swap3A_101] {strides = array<i32>} : memref<144xi32, #tpu.memory_space<vmem>>, vector<16xi32>,
    tpu.vector_store %arg10[%swap3A_101], %broadcast_in_dim3A_100 {strides = array<i32>} : memref<144xi32, #tpu.memory_space<vmem>>, vector<16xi32>,
    %broadcast_in_dim3A_103 = arith.constant -1.000000e+00 : f32
    %broadcast_in_dim3A_104 = vector.broadcast %broadcast_in_dim3A_103 : f32 to vector<16xf32>
    %swap3A_105 = arith.constant 32 : index
    %swap3A_106 = tpu.vector_load %arg9[%swap3A_105] {strides = array<i32>} : memref<144xf32, #tpu.memory_space<vmem>>, vector<16xf32>,
    tpu.vector_store %arg9[%swap3A_105], %broadcast_in_dim3A_104 {strides = array<i32>} : memref<144xf32, #tpu.memory_space<vmem>>, vector<16xf32>,
    %broadcast_in_dim3A_107 = arith.constant 0 : i32
    %broadcast_in_dim3A_108 = vector.broadcast %broadcast_in_dim3A_107 : i32 to vector<16xi32>
    %swap3A_109 = arith.constant 32 : index
    %swap3A_110 = tpu.vector_load %arg10[%swap3A_109] {strides = array<i32>} : memref<144xi32, #tpu.memory_space<vmem>>, vector<16xi32>,
    tpu.vector_store %arg10[%swap3A_109], %broadcast_in_dim3A_108 {strides = array<i32>} : memref<144xi32, #tpu.memory_space<vmem>>, vector<16xi32>,
    %broadcast_in_dim3A_111 = arith.constant -1.000000e+00 : f32
    %broadcast_in_dim3A_112 = vector.broadcast %broadcast_in_dim3A_111 : f32 to vector<16xf32>
    %swap3A_113 = arith.constant 48 : index
    %swap3A_114 = tpu.vector_load %arg9[%swap3A_113] {strides = array<i32>} : memref<144xf32, #tpu.memory_space<vmem>>, vector<16xf32>,
    tpu.vector_store %arg9[%swap3A_113], %broadcast_in_dim3A_112 {strides = array<i32>} : memref<144xf32, #tpu.memory_space<vmem>>, vector<16xf32>,
    %broadcast_in_dim3A_115 = arith.constant 0 : i32
    %broadcast_in_dim3A_116 = vector.broadcast %broadcast_in_dim3A_115 : i32 to vector<16xi32>
    %swap3A_117 = arith.constant 48 : index
    %swap3A_118 = tpu.vector_load %arg10[%swap3A_117] {strides = array<i32>} : memref<144xi32, #tpu.memory_space<vmem>>, vector<16xi32>,
    tpu.vector_store %arg10[%swap3A_117], %broadcast_in_dim3A_116 {strides = array<i32>} : memref<144xi32, #tpu.memory_space<vmem>>, vector<16xi32>,
    %broadcast_in_dim3A_119 = arith.constant -1.000000e+00 : f32
    %broadcast_in_dim3A_120 = vector.broadcast %broadcast_in_dim3A_119 : f32 to vector<16xf32>
    %swap3A_121 = arith.constant 64 : index
    %swap3A_122 = tpu.vector_load %arg9[%swap3A_121] {strides = array<i32>} : memref<144xf32, #tpu.memory_space<vmem>>, vector<16xf32>,
    tpu.vector_store %arg9[%swap3A_121], %broadcast_in_dim3A_120 {strides = array<i32>} : memref<144xf32, #tpu.memory_space<vmem>>, vector<16xf32>,
    %broadcast_in_dim3A_123 = arith.constant 0 : i32
    %broadcast_in_dim3A_124 = vector.broadcast %broadcast_in_dim3A_123 : i32 to vector<16xi32>
    %swap3A_125 = arith.constant 64 : index
    %swap3A_126 = tpu.vector_load %arg10[%swap3A_125] {strides = array<i32>} : memref<144xi32, #tpu.memory_space<vmem>>, vector<16xi32>,
    tpu.vector_store %arg10[%swap3A_125], %broadcast_in_dim3A_124 {strides = array<i32>} : memref<144xi32, #tpu.memory_space<vmem>>, vector<16xi32>,
    %broadcast_in_dim3A_127 = arith.constant -1.000000e+00 : f32
    %broadcast_in_dim3A_128 = vector.broadcast %broadcast_in_dim3A_127 : f32 to vector<16xf32>
    %swap3A_129 = arith.constant 80 : index
    %swap3A_130 = tpu.vector_load %arg9[%swap3A_129] {strides = array<i32>} : memref<144xf32, #tpu.memory_space<vmem>>, vector<16xf32>,
    tpu.vector_store %arg9[%swap3A_129], %broadcast_in_dim3A_128 {strides = array<i32>} : memref<144xf32, #tpu.memory_space<vmem>>, vector<16xf32>,
    %broadcast_in_dim3A_131 = arith.constant 0 : i32
    %broadcast_in_dim3A_132 = vector.broadcast %broadcast_in_dim3A_131 : i32 to vector<16xi32>
    %swap3A_133 = arith.constant 80 : index
    %swap3A_134 = tpu.vector_load %arg10[%swap3A_133] {strides = array<i32>} : memref<144xi32, #tpu.memory_space<vmem>>, vector<16xi32>,
    tpu.vector_store %arg10[%swap3A_133], %broadcast_in_dim3A_132 {strides = array<i32>} : memref<144xi32, #tpu.memory_space<vmem>>, vector<16xi32>,
    %broadcast_in_dim3A_135 = arith.constant -1.000000e+00 : f32
    %broadcast_in_dim3A_136 = vector.broadcast %broadcast_in_dim3A_135 : f32 to vector<16xf32>
    %swap3A_137 = arith.constant 96 : index
    %swap3A_138 = tpu.vector_load %arg9[%swap3A_137] {strides = array<i32>} : memref<144xf32, #tpu.memory_space<vmem>>, vector<16xf32>,
    tpu.vector_store %arg9[%swap3A_137], %broadcast_in_dim3A_136 {strides = array<i32>} : memref<144xf32, #tpu.memory_space<vmem>>, vector<16xf32>,
    %broadcast_in_dim3A_139 = arith.constant 0 : i32
    %broadcast_in_dim3A_140 = vector.broadcast %broadcast_in_dim3A_139 : i32 to vector<16xi32>
    %swap3A_141 = arith.constant 96 : index
    %swap3A_142 = tpu.vector_load %arg10[%swap3A_141] {strides = array<i32>} : memref<144xi32, #tpu.memory_space<vmem>>, vector<16xi32>,
    tpu.vector_store %arg10[%swap3A_141], %broadcast_in_dim3A_140 {strides = array<i32>} : memref<144xi32, #tpu.memory_space<vmem>>, vector<16xi32>,
    %broadcast_in_dim3A_143 = arith.constant -1.000000e+00 : f32
    %broadcast_in_dim3A_144 = vector.broadcast %broadcast_in_dim3A_143 : f32 to vector<16xf32>
    %swap3A_145 = arith.constant 112 : index
    %swap3A_146 = tpu.vector_load %arg9[%swap3A_145] {strides = array<i32>} : memref<144xf32, #tpu.memory_space<vmem>>, vector<16xf32>,
    tpu.vector_store %arg9[%swap3A_145], %broadcast_in_dim3A_144 {strides = array<i32>} : memref<144xf32, #tpu.memory_space<vmem>>, vector<16xf32>,
    %broadcast_in_dim3A_147 = arith.constant 0 : i32
    %broadcast_in_dim3A_148 = vector.broadcast %broadcast_in_dim3A_147 : i32 to vector<16xi32>
    %swap3A_149 = arith.constant 112 : index
    %swap3A_150 = tpu.vector_load %arg10[%swap3A_149] {strides = array<i32>} : memref<144xi32, #tpu.memory_space<vmem>>, vector<16xi32>,
    tpu.vector_store %arg10[%swap3A_149], %broadcast_in_dim3A_148 {strides = array<i32>} : memref<144xi32, #tpu.memory_space<vmem>>, vector<16xi32>,
    %scan3A_151 = arith.constant 2.048000e+03 : f32
    %scan3A_152 = arith.constant 2047 : i32
    %scan3A_153 = arith.constant 0 : i32
    %scan3A_154 = arith.constant 0 : i32
    %scan3A_155 = arith.constant 640 : i32
    %scan3A_156 = arith.addi %scan3A_154, %scan3A_155 : i32
    %scan3A_157 = arith.constant 1 : i32
    %scan3A_158 = scf.for %scan3A_162 = %scan3A_154 to %scan3A_156 step %scan3A_157 iter_args(%scan3A_163 = %scan3A_153) -> (i32)  : i32 {
      %mul3A_164 = arith.constant 4 : i32
      %mul3A_165 = arith.muli %scan3A_162, %mul3A_164 : i32
      %add3A_166 = arith.constant 0 : i32
      %add3A_167 = arith.addi %mul3A_165, %add3A_166 : i32
      %mul3A_168 = arith.constant 16 : i32
      %mul3A_169 = arith.muli %add3A_167, %mul3A_168 : i32
      %get3A = arith.index_cast %mul3A_169 : i32 to index
      %get3A_170 = tpu.vector_load %arg6[%get3A] {strides = array<i32>} : memref<40960xf32, #tpu.memory_space<vmem>>, vector<16xf32>,
      %max3A_171 = arith.constant 0.000000e+00 : f32
      %max3A_172 = vector.broadcast %max3A_171 : f32 to vector<16xf32>
      %max3A_173 = arith.maximumf %get3A_170, %max3A_172 : vector<16xf32>
      %mul3A_174 = vector.broadcast %scan3A_151 : f32 to vector<16xf32>
      %mul3A_175 = arith.mulf %max3A_173, %mul3A_174 : vector<16xf32>
      %convert_element_type3A = arith.fptosi %mul3A_175 : vector<16xf32> to vector<16xi32>
      %min3A = vector.broadcast %scan3A_152 : i32 to vector<16xi32>
      %min3A_176 = arith.minsi %convert_element_type3A, %min3A : vector<16xi32>
      %gt3A = vector.broadcast %sub3A_43 : i32 to vector<16xi32>
      %gt3A_177 = arith.cmpi sgt, %min3A_176, %gt3A : vector<16xi32>
      %eq3A = vector.broadcast %sub3A_43 : i32 to vector<16xi32>
      %eq3A_178 = arith.cmpi eq, %min3A_176, %eq3A : vector<16xi32>
      %mul3A_179 = vector.broadcast %scan3A_151 : f32 to vector<16xf32>
      %mul3A_180 = arith.mulf %max3A_173, %mul3A_179 : vector<16xf32>
      %convert_element_type3A_181 = arith.fptosi %mul3A_180 : vector<16xf32> to vector<16xi32>
      %min3A_182 = vector.broadcast %scan3A_152 : i32 to vector<16xi32>
      %min3A_183 = arith.minsi %convert_element_type3A_181, %min3A_182 : vector<16xi32>
      %mul3A_184 = vector.broadcast %scan3A_151 : f32 to vector<16xf32>
      %mul3A_185 = arith.mulf %max3A_173, %mul3A_184 : vector<16xf32>
      %convert_element_type3A_186 = arith.sitofp %min3A_183 : vector<16xi32> to vector<16xf32>
      %sub3A_187 = arith.subf %mul3A_185, %convert_element_type3A_186 : vector<16xf32>
      %mul3A_188 = vector.broadcast %scan3A_151 : f32 to vector<16xf32>
      %mul3A_189 = arith.mulf %sub3A_187, %mul3A_188 : vector<16xf32>
      %convert_element_type3A_190 = arith.fptosi %mul3A_189 : vector<16xf32> to vector<16xi32>
      %jit3A = arith.constant 0 : i32
      %max3A_191 = vector.broadcast %jit3A : i32 to vector<16xi32>
      %max3A_192 = arith.maxsi %max3A_191, %convert_element_type3A_190 : vector<16xi32>
      %min3A_193 = vector.broadcast %scan3A_152 : i32 to vector<16xi32>
      %min3A_194 = arith.minsi %min3A_193, %max3A_192 : vector<16xi32>
      %ge3A = vector.broadcast %sub3A_86 : i32 to vector<16xi32>
      %ge3A_195 = arith.cmpi sge, %min3A_194, %ge3A : vector<16xi32>
      %and3A = arith.andi %eq3A_178, %ge3A_195 : vector<16xi1>
      %or3A = arith.ori %gt3A_177, %and3A : vector<16xi1>
      %gt3A_196 = arith.constant 0.000000e+00 : f32
      %gt3A_197 = vector.broadcast %gt3A_196 : f32 to vector<16xf32>
      %gt3A_198 = arith.cmpf ogt, %get3A_170, %gt3A_197 : vector<16xf32>
      %and3A_199 = arith.andi %or3A, %gt3A_198 : vector<16xi1>
      %min3A_200 = arith.constant 128 : i32
      %min3A_201 = arith.minsi %scan3A_163, %min3A_200 : i32
      %swap3A_202 = arith.index_cast %min3A_201 : i32 to index
      %swap3A_203 = tpu.vector_load %arg9[%swap3A_202] masked %and3A_199 {strides = array<i32>} : memref<144xf32, #tpu.memory_space<vmem>>, vector<16xf32>, vector<16xi1>
      tpu.vector_store %arg9[%swap3A_202], %get3A_170 masked %and3A_199 {strides = array<i32>} : memref<144xf32, #tpu.memory_space<vmem>>, vector<16xf32>, vector<16xi1>
      %mul3A_204 = arith.constant 16 : i32
      %mul3A_205 = arith.muli %add3A_167, %mul3A_204 : i32
      %add3A_206 = arith.addi %mul3A_2, %mul3A_205 : i32
      %add3A_207 = vector.broadcast %add3A_206 : i32 to vector<16xi32>
      %add3A_208 = arith.addi %add3A_207, %iota3A : vector<16xi32>
      %swap3A_209 = arith.index_cast %min3A_201 : i32 to index
      %swap3A_210 = tpu.vector_load %arg10[%swap3A_209] masked %and3A_199 {strides = array<i32>} : memref<144xi32, #tpu.memory_space<vmem>>, vector<16xi32>, vector<16xi1>
      tpu.vector_store %arg10[%swap3A_209], %add3A_208 masked %and3A_199 {strides = array<i32>} : memref<144xi32, #tpu.memory_space<vmem>>, vector<16xi32>, vector<16xi1>
      %all_reduce_population_count3A = tpu.all_reduce %and3A_199 {dim = 0 : i64, kind = #tpu.reduction_kind<sum>} : vector<16xi1> -> vector<16xi32>
      %reduce_max3A = arith.constant true
      %reduce_max3A_211 = vector.broadcast %reduce_max3A : i1 to vector<16xi1>
      %reduce_max3A_212 = arith.constant -2147483648 : i32
      %reduce_max3A_213 = vector.broadcast %reduce_max3A_212 : i32 to vector<16xi32>
      %reduce_max3A_214 = arith.xori %all_reduce_population_count3A, %reduce_max3A_213 : vector<16xi32>
      %reduce_max3A_215 = tpu.scan <max>, %reduce_max3A_214 masked %reduce_max3A_211 : vector<16xi32>, vector<16xi1> -> vector<16xi32>
      %reduce_max3A_216 = arith.xori %reduce_max3A_215, %reduce_max3A_213 : vector<16xi32>
      %reduce_max3A_217 = vector.extract %reduce_max3A_216[15] : i32 from vector<16xi32>
      %add3A_218 = arith.addi %scan3A_163, %reduce_max3A_217 : i32
      %mul3A_219 = arith.constant 4 : i32
      %mul3A_220 = arith.muli %scan3A_162, %mul3A_219 : i32
      %add3A_221 = arith.constant 1 : i32
      %add3A_222 = arith.addi %mul3A_220, %add3A_221 : i32
      %mul3A_223 = arith.constant 16 : i32
      %mul3A_224 = arith.muli %add3A_222, %mul3A_223 : i32
      %get3A_225 = arith.index_cast %mul3A_224 : i32 to index
      %get3A_226 = tpu.vector_load %arg6[%get3A_225] {strides = array<i32>} : memref<40960xf32, #tpu.memory_space<vmem>>, vector<16xf32>,
      %max3A_227 = arith.constant 0.000000e+00 : f32
      %max3A_228 = vector.broadcast %max3A_227 : f32 to vector<16xf32>
      %max3A_229 = arith.maximumf %get3A_226, %max3A_228 : vector<16xf32>
      %mul3A_230 = vector.broadcast %scan3A_151 : f32 to vector<16xf32>
      %mul3A_231 = arith.mulf %max3A_229, %mul3A_230 : vector<16xf32>
      %convert_element_type3A_232 = arith.fptosi %mul3A_231 : vector<16xf32> to vector<16xi32>
      %min3A_233 = vector.broadcast %scan3A_152 : i32 to vector<16xi32>
      %min3A_234 = arith.minsi %convert_element_type3A_232, %min3A_233 : vector<16xi32>
      %gt3A_235 = vector.broadcast %sub3A_43 : i32 to vector<16xi32>
      %gt3A_236 = arith.cmpi sgt, %min3A_234, %gt3A_235 : vector<16xi32>
      %eq3A_237 = vector.broadcast %sub3A_43 : i32 to vector<16xi32>
      %eq3A_238 = arith.cmpi eq, %min3A_234, %eq3A_237 : vector<16xi32>
      %mul3A_239 = vector.broadcast %scan3A_151 : f32 to vector<16xf32>
      %mul3A_240 = arith.mulf %max3A_229, %mul3A_239 : vector<16xf32>
      %convert_element_type3A_241 = arith.fptosi %mul3A_240 : vector<16xf32> to vector<16xi32>
      %min3A_242 = vector.broadcast %scan3A_152 : i32 to vector<16xi32>
      %min3A_243 = arith.minsi %convert_element_type3A_241, %min3A_242 : vector<16xi32>
      %mul3A_244 = vector.broadcast %scan3A_151 : f32 to vector<16xf32>
      %mul3A_245 = arith.mulf %max3A_229, %mul3A_244 : vector<16xf32>
      %convert_element_type3A_246 = arith.sitofp %min3A_243 : vector<16xi32> to vector<16xf32>
      %sub3A_247 = arith.subf %mul3A_245, %convert_element_type3A_246 : vector<16xf32>
      %mul3A_248 = vector.broadcast %scan3A_151 : f32 to vector<16xf32>
      %mul3A_249 = arith.mulf %sub3A_247, %mul3A_248 : vector<16xf32>
      %convert_element_type3A_250 = arith.fptosi %mul3A_249 : vector<16xf32> to vector<16xi32>
      %jit3A_251 = arith.constant 0 : i32
      %max3A_252 = vector.broadcast %jit3A_251 : i32 to vector<16xi32>
      %max3A_253 = arith.maxsi %max3A_252, %convert_element_type3A_250 : vector<16xi32>
      %min3A_254 = vector.broadcast %scan3A_152 : i32 to vector<16xi32>
      %min3A_255 = arith.minsi %min3A_254, %max3A_253 : vector<16xi32>
      %ge3A_256 = vector.broadcast %sub3A_86 : i32 to vector<16xi32>
      %ge3A_257 = arith.cmpi sge, %min3A_255, %ge3A_256 : vector<16xi32>
      %and3A_258 = arith.andi %eq3A_238, %ge3A_257 : vector<16xi1>
      %or3A_259 = arith.ori %gt3A_236, %and3A_258 : vector<16xi1>
      %gt3A_260 = arith.constant 0.000000e+00 : f32
      %gt3A_261 = vector.broadcast %gt3A_260 : f32 to vector<16xf32>
      %gt3A_262 = arith.cmpf ogt, %get3A_226, %gt3A_261 : vector<16xf32>
      %and3A_263 = arith.andi %or3A_259, %gt3A_262 : vector<16xi1>
      %min3A_264 = arith.constant 128 : i32
      %min3A_265 = arith.minsi %add3A_218, %min3A_264 : i32
      %swap3A_266 = arith.index_cast %min3A_265 : i32 to index
      %swap3A_267 = tpu.vector_load %arg9[%swap3A_266] masked %and3A_263 {strides = array<i32>} : memref<144xf32, #tpu.memory_space<vmem>>, vector<16xf32>, vector<16xi1>
      tpu.vector_store %arg9[%swap3A_266], %get3A_226 masked %and3A_263 {strides = array<i32>} : memref<144xf32, #tpu.memory_space<vmem>>, vector<16xf32>, vector<16xi1>
      %mul3A_268 = arith.constant 16 : i32
      %mul3A_269 = arith.muli %add3A_222, %mul3A_268 : i32
      %add3A_270 = arith.addi %mul3A_2, %mul3A_269 : i32
      %add3A_271 = vector.broadcast %add3A_270 : i32 to vector<16xi32>
      %add3A_272 = arith.addi %add3A_271, %iota3A : vector<16xi32>
      %swap3A_273 = arith.index_cast %min3A_265 : i32 to index
      %swap3A_274 = tpu.vector_load %arg10[%swap3A_273] masked %and3A_263 {strides = array<i32>} : memref<144xi32, #tpu.memory_space<vmem>>, vector<16xi32>, vector<16xi1>
      tpu.vector_store %arg10[%swap3A_273], %add3A_272 masked %and3A_263 {strides = array<i32>} : memref<144xi32, #tpu.memory_space<vmem>>, vector<16xi32>, vector<16xi1>
      %all_reduce_population_count3A_275 = tpu.all_reduce %and3A_263 {dim = 0 : i64, kind = #tpu.reduction_kind<sum>} : vector<16xi1> -> vector<16xi32>
      %reduce_max3A_276 = arith.constant true
      %reduce_max3A_277 = vector.broadcast %reduce_max3A_276 : i1 to vector<16xi1>
      %reduce_max3A_278 = arith.constant -2147483648 : i32
      %reduce_max3A_279 = vector.broadcast %reduce_max3A_278 : i32 to vector<16xi32>
      %reduce_max3A_280 = arith.xori %all_reduce_population_count3A_275, %reduce_max3A_279 : vector<16xi32>
      %reduce_max3A_281 = tpu.scan <max>, %reduce_max3A_280 masked %reduce_max3A_277 : vector<16xi32>, vector<16xi1> -> vector<16xi32>
      %reduce_max3A_282 = arith.xori %reduce_max3A_281, %reduce_max3A_279 : vector<16xi32>
      %reduce_max3A_283 = vector.extract %reduce_max3A_282[15] : i32 from vector<16xi32>
      %add3A_284 = arith.addi %add3A_218, %reduce_max3A_283 : i32
      %mul3A_285 = arith.constant 4 : i32
      %mul3A_286 = arith.muli %scan3A_162, %mul3A_285 : i32
      %add3A_287 = arith.constant 2 : i32
      %add3A_288 = arith.addi %mul3A_286, %add3A_287 : i32
      %mul3A_289 = arith.constant 16 : i32
      %mul3A_290 = arith.muli %add3A_288, %mul3A_289 : i32
      %get3A_291 = arith.index_cast %mul3A_290 : i32 to index
      %get3A_292 = tpu.vector_load %arg6[%get3A_291] {strides = array<i32>} : memref<40960xf32, #tpu.memory_space<vmem>>, vector<16xf32>,
      %max3A_293 = arith.constant 0.000000e+00 : f32
      %max3A_294 = vector.broadcast %max3A_293 : f32 to vector<16xf32>
      %max3A_295 = arith.maximumf %get3A_292, %max3A_294 : vector<16xf32>
      %mul3A_296 = vector.broadcast %scan3A_151 : f32 to vector<16xf32>
      %mul3A_297 = arith.mulf %max3A_295, %mul3A_296 : vector<16xf32>
      %convert_element_type3A_298 = arith.fptosi %mul3A_297 : vector<16xf32> to vector<16xi32>
      %min3A_299 = vector.broadcast %scan3A_152 : i32 to vector<16xi32>
      %min3A_300 = arith.minsi %convert_element_type3A_298, %min3A_299 : vector<16xi32>
      %gt3A_301 = vector.broadcast %sub3A_43 : i32 to vector<16xi32>
      %gt3A_302 = arith.cmpi sgt, %min3A_300, %gt3A_301 : vector<16xi32>
      %eq3A_303 = vector.broadcast %sub3A_43 : i32 to vector<16xi32>
      %eq3A_304 = arith.cmpi eq, %min3A_300, %eq3A_303 : vector<16xi32>
      %mul3A_305 = vector.broadcast %scan3A_151 : f32 to vector<16xf32>
      %mul3A_306 = arith.mulf %max3A_295, %mul3A_305 : vector<16xf32>
      %convert_element_type3A_307 = arith.fptosi %mul3A_306 : vector<16xf32> to vector<16xi32>
      %min3A_308 = vector.broadcast %scan3A_152 : i32 to vector<16xi32>
      %min3A_309 = arith.minsi %convert_element_type3A_307, %min3A_308 : vector<16xi32>
      %mul3A_310 = vector.broadcast %scan3A_151 : f32 to vector<16xf32>
      %mul3A_311 = arith.mulf %max3A_295, %mul3A_310 : vector<16xf32>
      %convert_element_type3A_312 = arith.sitofp %min3A_309 : vector<16xi32> to vector<16xf32>
      %sub3A_313 = arith.subf %mul3A_311, %convert_element_type3A_312 : vector<16xf32>
      %mul3A_314 = vector.broadcast %scan3A_151 : f32 to vector<16xf32>
      %mul3A_315 = arith.mulf %sub3A_313, %mul3A_314 : vector<16xf32>
      %convert_element_type3A_316 = arith.fptosi %mul3A_315 : vector<16xf32> to vector<16xi32>
      %jit3A_317 = arith.constant 0 : i32
      %max3A_318 = vector.broadcast %jit3A_317 : i32 to vector<16xi32>
      %max3A_319 = arith.maxsi %max3A_318, %convert_element_type3A_316 : vector<16xi32>
      %min3A_320 = vector.broadcast %scan3A_152 : i32 to vector<16xi32>
      %min3A_321 = arith.minsi %min3A_320, %max3A_319 : vector<16xi32>
      %ge3A_322 = vector.broadcast %sub3A_86 : i32 to vector<16xi32>
      %ge3A_323 = arith.cmpi sge, %min3A_321, %ge3A_322 : vector<16xi32>
      %and3A_324 = arith.andi %eq3A_304, %ge3A_323 : vector<16xi1>
      %or3A_325 = arith.ori %gt3A_302, %and3A_324 : vector<16xi1>
      %gt3A_326 = arith.constant 0.000000e+00 : f32
      %gt3A_327 = vector.broadcast %gt3A_326 : f32 to vector<16xf32>
      %gt3A_328 = arith.cmpf ogt, %get3A_292, %gt3A_327 : vector<16xf32>
      %and3A_329 = arith.andi %or3A_325, %gt3A_328 : vector<16xi1>
      %min3A_330 = arith.constant 128 : i32
      %min3A_331 = arith.minsi %add3A_284, %min3A_330 : i32
      %swap3A_332 = arith.index_cast %min3A_331 : i32 to index
      %swap3A_333 = tpu.vector_load %arg9[%swap3A_332] masked %and3A_329 {strides = array<i32>} : memref<144xf32, #tpu.memory_space<vmem>>, vector<16xf32>, vector<16xi1>
      tpu.vector_store %arg9[%swap3A_332], %get3A_292 masked %and3A_329 {strides = array<i32>} : memref<144xf32, #tpu.memory_space<vmem>>, vector<16xf32>, vector<16xi1>
      %mul3A_334 = arith.constant 16 : i32
      %mul3A_335 = arith.muli %add3A_288, %mul3A_334 : i32
      %add3A_336 = arith.addi %mul3A_2, %mul3A_335 : i32
      %add3A_337 = vector.broadcast %add3A_336 : i32 to vector<16xi32>
      %add3A_338 = arith.addi %add3A_337, %iota3A : vector<16xi32>
      %swap3A_339 = arith.index_cast %min3A_331 : i32 to index
      %swap3A_340 = tpu.vector_load %arg10[%swap3A_339] masked %and3A_329 {strides = array<i32>} : memref<144xi32, #tpu.memory_space<vmem>>, vector<16xi32>, vector<16xi1>
      tpu.vector_store %arg10[%swap3A_339], %add3A_338 masked %and3A_329 {strides = array<i32>} : memref<144xi32, #tpu.memory_space<vmem>>, vector<16xi32>, vector<16xi1>
      %all_reduce_population_count3A_341 = tpu.all_reduce %and3A_329 {dim = 0 : i64, kind = #tpu.reduction_kind<sum>} : vector<16xi1> -> vector<16xi32>
      %reduce_max3A_342 = arith.constant true
      %reduce_max3A_343 = vector.broadcast %reduce_max3A_342 : i1 to vector<16xi1>
      %reduce_max3A_344 = arith.constant -2147483648 : i32
      %reduce_max3A_345 = vector.broadcast %reduce_max3A_344 : i32 to vector<16xi32>
      %reduce_max3A_346 = arith.xori %all_reduce_population_count3A_341, %reduce_max3A_345 : vector<16xi32>
      %reduce_max3A_347 = tpu.scan <max>, %reduce_max3A_346 masked %reduce_max3A_343 : vector<16xi32>, vector<16xi1> -> vector<16xi32>
      %reduce_max3A_348 = arith.xori %reduce_max3A_347, %reduce_max3A_345 : vector<16xi32>
      %reduce_max3A_349 = vector.extract %reduce_max3A_348[15] : i32 from vector<16xi32>
      %add3A_350 = arith.addi %add3A_284, %reduce_max3A_349 : i32
      %mul3A_351 = arith.constant 4 : i32
      %mul3A_352 = arith.muli %scan3A_162, %mul3A_351 : i32
      %add3A_353 = arith.constant 3 : i32
      %add3A_354 = arith.addi %mul3A_352, %add3A_353 : i32
      %mul3A_355 = arith.constant 16 : i32
      %mul3A_356 = arith.muli %add3A_354, %mul3A_355 : i32
      %get3A_357 = arith.index_cast %mul3A_356 : i32 to index
      %get3A_358 = tpu.vector_load %arg6[%get3A_357] {strides = array<i32>} : memref<40960xf32, #tpu.memory_space<vmem>>, vector<16xf32>,
      %max3A_359 = arith.constant 0.000000e+00 : f32
      %max3A_360 = vector.broadcast %max3A_359 : f32 to vector<16xf32>
      %max3A_361 = arith.maximumf %get3A_358, %max3A_360 : vector<16xf32>
      %mul3A_362 = vector.broadcast %scan3A_151 : f32 to vector<16xf32>
      %mul3A_363 = arith.mulf %max3A_361, %mul3A_362 : vector<16xf32>
      %convert_element_type3A_364 = arith.fptosi %mul3A_363 : vector<16xf32> to vector<16xi32>
      %min3A_365 = vector.broadcast %scan3A_152 : i32 to vector<16xi32>
      %min3A_366 = arith.minsi %convert_element_type3A_364, %min3A_365 : vector<16xi32>
      %gt3A_367 = vector.broadcast %sub3A_43 : i32 to vector<16xi32>
      %gt3A_368 = arith.cmpi sgt, %min3A_366, %gt3A_367 : vector<16xi32>
      %eq3A_369 = vector.broadcast %sub3A_43 : i32 to vector<16xi32>
      %eq3A_370 = arith.cmpi eq, %min3A_366, %eq3A_369 : vector<16xi32>
      %mul3A_371 = vector.broadcast %scan3A_151 : f32 to vector<16xf32>
      %mul3A_372 = arith.mulf %max3A_361, %mul3A_371 : vector<16xf32>
      %convert_element_type3A_373 = arith.fptosi %mul3A_372 : vector<16xf32> to vector<16xi32>
      %min3A_374 = vector.broadcast %scan3A_152 : i32 to vector<16xi32>
      %min3A_375 = arith.minsi %convert_element_type3A_373, %min3A_374 : vector<16xi32>
      %mul3A_376 = vector.broadcast %scan3A_151 : f32 to vector<16xf32>
      %mul3A_377 = arith.mulf %max3A_361, %mul3A_376 : vector<16xf32>
      %convert_element_type3A_378 = arith.sitofp %min3A_375 : vector<16xi32> to vector<16xf32>
      %sub3A_379 = arith.subf %mul3A_377, %convert_element_type3A_378 : vector<16xf32>
      %mul3A_380 = vector.broadcast %scan3A_151 : f32 to vector<16xf32>
      %mul3A_381 = arith.mulf %sub3A_379, %mul3A_380 : vector<16xf32>
      %convert_element_type3A_382 = arith.fptosi %mul3A_381 : vector<16xf32> to vector<16xi32>
      %jit3A_383 = arith.constant 0 : i32
      %max3A_384 = vector.broadcast %jit3A_383 : i32 to vector<16xi32>
      %max3A_385 = arith.maxsi %max3A_384, %convert_element_type3A_382 : vector<16xi32>
      %min3A_386 = vector.broadcast %scan3A_152 : i32 to vector<16xi32>
      %min3A_387 = arith.minsi %min3A_386, %max3A_385 : vector<16xi32>
      %ge3A_388 = vector.broadcast %sub3A_86 : i32 to vector<16xi32>
      %ge3A_389 = arith.cmpi sge, %min3A_387, %ge3A_388 : vector<16xi32>
      %and3A_390 = arith.andi %eq3A_370, %ge3A_389 : vector<16xi1>
      %or3A_391 = arith.ori %gt3A_368, %and3A_390 : vector<16xi1>
      %gt3A_392 = arith.constant 0.000000e+00 : f32
      %gt3A_393 = vector.broadcast %gt3A_392 : f32 to vector<16xf32>
      %gt3A_394 = arith.cmpf ogt, %get3A_358, %gt3A_393 : vector<16xf32>
      %and3A_395 = arith.andi %or3A_391, %gt3A_394 : vector<16xi1>
      %min3A_396 = arith.constant 128 : i32
      %min3A_397 = arith.minsi %add3A_350, %min3A_396 : i32
      %swap3A_398 = arith.index_cast %min3A_397 : i32 to index
      %swap3A_399 = tpu.vector_load %arg9[%swap3A_398] masked %and3A_395 {strides = array<i32>} : memref<144xf32, #tpu.memory_space<vmem>>, vector<16xf32>, vector<16xi1>
      tpu.vector_store %arg9[%swap3A_398], %get3A_358 masked %and3A_395 {strides = array<i32>} : memref<144xf32, #tpu.memory_space<vmem>>, vector<16xf32>, vector<16xi1>
      %mul3A_400 = arith.constant 16 : i32
      %mul3A_401 = arith.muli %add3A_354, %mul3A_400 : i32
      %add3A_402 = arith.addi %mul3A_2, %mul3A_401 : i32
      %add3A_403 = vector.broadcast %add3A_402 : i32 to vector<16xi32>
      %add3A_404 = arith.addi %add3A_403, %iota3A : vector<16xi32>
      %swap3A_405 = arith.index_cast %min3A_397 : i32 to index
      %swap3A_406 = tpu.vector_load %arg10[%swap3A_405] masked %and3A_395 {strides = array<i32>} : memref<144xi32, #tpu.memory_space<vmem>>, vector<16xi32>, vector<16xi1>
      tpu.vector_store %arg10[%swap3A_405], %add3A_404 masked %and3A_395 {strides = array<i32>} : memref<144xi32, #tpu.memory_space<vmem>>, vector<16xi32>, vector<16xi1>
      %all_reduce_population_count3A_407 = tpu.all_reduce %and3A_395 {dim = 0 : i64, kind = #tpu.reduction_kind<sum>} : vector<16xi1> -> vector<16xi32>
      %reduce_max3A_408 = arith.constant true
      %reduce_max3A_409 = vector.broadcast %reduce_max3A_408 : i1 to vector<16xi1>
      %reduce_max3A_410 = arith.constant -2147483648 : i32
      %reduce_max3A_411 = vector.broadcast %reduce_max3A_410 : i32 to vector<16xi32>
      %reduce_max3A_412 = arith.xori %all_reduce_population_count3A_407, %reduce_max3A_411 : vector<16xi32>
      %reduce_max3A_413 = tpu.scan <max>, %reduce_max3A_412 masked %reduce_max3A_409 : vector<16xi32>, vector<16xi1> -> vector<16xi32>
      %reduce_max3A_414 = arith.xori %reduce_max3A_413, %reduce_max3A_411 : vector<16xi32>
      %reduce_max3A_415 = vector.extract %reduce_max3A_414[15] : i32 from vector<16xi32>
      %add3A_416 = arith.addi %add3A_350, %reduce_max3A_415 : i32
      scf.yield %add3A_416 : i32
    }
    %scan3A_159 = arith.constant 640 : i32
    %mul3A_160 = arith.constant 128 : i32
    %mul3A_161 = arith.muli %add3A, %mul3A_160 : i32
    "tpu.region"() ({
      %run_scoped3A = tpu.sem_alloc : memref<!tpu.dma_semaphore, #tpu.memory_space<semaphore_mem>>
      %dma_start3A = arith.constant 0 : i32
      %dma_start3A_162 = tpu.memref_slice %arg9[%dma_start3A] : memref<144xf32, #tpu.memory_space<vmem>> -> memref<128xf32, #tpu.memory_space<vmem>>
      %dma_start3A_163 = tpu.memref_slice %arg4[%mul3A_161] : memref<4096xf32, #tpu.memory_space<hbm>> -> memref<128xf32, #tpu.memory_space<hbm>>
      %dma_start3A_164 = tpu.memref_slice %arg4[%mul3A_161] : memref<4096xf32, #tpu.memory_space<hbm>> -> memref<128xf32, #tpu.memory_space<hbm>>
      %dma_start3A_165 = arith.constant 0 : i32
      %dma_start3A_166 = tpu.memref_slice %arg9[%dma_start3A_165] : memref<144xf32, #tpu.memory_space<vmem>> -> memref<128xf32, #tpu.memory_space<vmem>>
      tpu.enqueue_dma source(%dma_start3A_166 : memref<128xf32, #tpu.memory_space<vmem>>) target(%dma_start3A_164 : memref<128xf32, #tpu.memory_space<hbm>>) target_semaphore(%run_scoped3A : memref<!tpu.dma_semaphore, #tpu.memory_space<semaphore_mem>>)
      %dma_wait3A = arith.constant 0 : i32
      %dma_wait3A_167 = tpu.memref_slice %arg9[%dma_wait3A] : memref<144xf32, #tpu.memory_space<vmem>> -> memref<128xf32, #tpu.memory_space<vmem>>
      %dma_wait3A_168 = tpu.memref_slice %arg4[%mul3A_161] : memref<4096xf32, #tpu.memory_space<hbm>> -> memref<128xf32, #tpu.memory_space<hbm>>
      %dma_wait3A_169 = tpu.memref_slice %arg4[%mul3A_161] : memref<4096xf32, #tpu.memory_space<hbm>> -> memref<128xf32, #tpu.memory_space<hbm>>
      %dma_wait3A_170 = arith.constant 0 : i32
      %dma_wait3A_171 = tpu.memref_slice %arg9[%dma_wait3A_170] : memref<144xf32, #tpu.memory_space<vmem>> -> memref<128xf32, #tpu.memory_space<vmem>>
      tpu.wait_dma2 semaphore(%run_scoped3A : memref<!tpu.dma_semaphore, #tpu.memory_space<semaphore_mem>>) src(%dma_wait3A_171 : memref<128xf32, #tpu.memory_space<vmem>>) dst(%dma_wait3A_169 : memref<128xf32, #tpu.memory_space<hbm>>)
      tpu.yield
    }) : () -> ()
    "tpu.region"() ({
      %run_scoped3A = tpu.sem_alloc : memref<!tpu.dma_semaphore, #tpu.memory_space<semaphore_mem>>
      %dma_start3A = arith.constant 0 : i32
      %dma_start3A_162 = tpu.memref_slice %arg10[%dma_start3A] : memref<144xi32, #tpu.memory_space<vmem>> -> memref<128xi32, #tpu.memory_space<vmem>>
      %dma_start3A_163 = tpu.memref_slice %arg5[%mul3A_161] : memref<4096xi32, #tpu.memory_space<hbm>> -> memref<128xi32, #tpu.memory_space<hbm>>
      %dma_start3A_164 = tpu.memref_slice %arg5[%mul3A_161] : memref<4096xi32, #tpu.memory_space<hbm>> -> memref<128xi32, #tpu.memory_space<hbm>>
      %dma_start3A_165 = arith.constant 0 : i32
      %dma_start3A_166 = tpu.memref_slice %arg10[%dma_start3A_165] : memref<144xi32, #tpu.memory_space<vmem>> -> memref<128xi32, #tpu.memory_space<vmem>>
      tpu.enqueue_dma source(%dma_start3A_166 : memref<128xi32, #tpu.memory_space<vmem>>) target(%dma_start3A_164 : memref<128xi32, #tpu.memory_space<hbm>>) target_semaphore(%run_scoped3A : memref<!tpu.dma_semaphore, #tpu.memory_space<semaphore_mem>>)
      %dma_wait3A = arith.constant 0 : i32
      %dma_wait3A_167 = tpu.memref_slice %arg10[%dma_wait3A] : memref<144xi32, #tpu.memory_space<vmem>> -> memref<128xi32, #tpu.memory_space<vmem>>
      %dma_wait3A_168 = tpu.memref_slice %arg5[%mul3A_161] : memref<4096xi32, #tpu.memory_space<hbm>> -> memref<128xi32, #tpu.memory_space<hbm>>
      %dma_wait3A_169 = tpu.memref_slice %arg5[%mul3A_161] : memref<4096xi32, #tpu.memory_space<hbm>> -> memref<128xi32, #tpu.memory_space<hbm>>
      %dma_wait3A_170 = arith.constant 0 : i32
      %dma_wait3A_171 = tpu.memref_slice %arg10[%dma_wait3A_170] : memref<144xi32, #tpu.memory_space<vmem>> -> memref<128xi32, #tpu.memory_space<vmem>>
      tpu.wait_dma2 semaphore(%run_scoped3A : memref<!tpu.dma_semaphore, #tpu.memory_space<semaphore_mem>>) src(%dma_wait3A_171 : memref<128xi32, #tpu.memory_space<vmem>>) dst(%dma_wait3A_169 : memref<128xi32, #tpu.memory_space<hbm>>)
      tpu.yield
    }) : () -> ()
    return
  }
}

module attributes {stable_mosaic.version = 14 : i64} {
  func.func @_score_body(%arg0: memref<80x16384xf32, #tpu.memory_space<vmem>>, %arg1: memref<1x16384xf32, #tpu.memory_space<vmem>>, %arg2: memref<80x16384xf32, #tpu.memory_space<vmem>>, %arg3: memref<80x16384xf32, #tpu.memory_space<vmem>>) attributes {dimension_semantics = [], scalar_prefetch = 0 : i64, scratch_operands = 0 : i64, tpu.core_type = #tpu.core_type<tc>} {
    %get3A = arith.constant 0 : index
    %get3A_0 = arith.constant 0 : index
    %get3A_1 = vector.load %arg0[%get3A, %get3A_0] : memref<80x16384xf32, #tpu.memory_space<vmem>>, vector<80x16384xf32>
    %logistic3A = arith.negf %get3A_1 : vector<80x16384xf32>
    %logistic3A_2 = math.exp %logistic3A : vector<80x16384xf32>
    %logistic3A_3 = arith.constant 1.000000e+00 : f32
    %logistic3A_4 = vector.broadcast %logistic3A_3 : f32 to vector<80x16384xf32>
    %logistic3A_5 = arith.addf %logistic3A_4, %logistic3A_2 : vector<80x16384xf32>
    %logistic3A_6 = arith.divf %logistic3A_4, %logistic3A_5 : vector<80x16384xf32>
    %get3A_7 = arith.constant 0 : index
    %get3A_8 = arith.constant 0 : index
    %get3A_9 = vector.load %arg1[%get3A_7, %get3A_8] : memref<1x16384xf32, #tpu.memory_space<vmem>>, vector<1x16384xf32>
    %logistic3A_10 = arith.negf %get3A_9 : vector<1x16384xf32>
    %logistic3A_11 = math.exp %logistic3A_10 : vector<1x16384xf32>
    %logistic3A_12 = arith.constant 1.000000e+00 : f32
    %logistic3A_13 = vector.broadcast %logistic3A_12 : f32 to vector<1x16384xf32>
    %logistic3A_14 = arith.addf %logistic3A_13, %logistic3A_11 : vector<1x16384xf32>
    %logistic3A_15 = arith.divf %logistic3A_13, %logistic3A_14 : vector<1x16384xf32>
    %get3A_16 = arith.constant 0 : index
    %get3A_17 = arith.constant 0 : index
    %get3A_18 = vector.load %arg2[%get3A_16, %get3A_17] : memref<80x16384xf32, #tpu.memory_space<vmem>>, vector<80x16384xf32>
    %logistic3A_19 = arith.negf %get3A_18 : vector<80x16384xf32>
    %logistic3A_20 = math.exp %logistic3A_19 : vector<80x16384xf32>
    %logistic3A_21 = arith.constant 1.000000e+00 : f32
    %logistic3A_22 = vector.broadcast %logistic3A_21 : f32 to vector<80x16384xf32>
    %logistic3A_23 = arith.addf %logistic3A_22, %logistic3A_20 : vector<80x16384xf32>
    %logistic3A_24 = arith.divf %logistic3A_22, %logistic3A_23 : vector<80x16384xf32>
    %mul3A = vector.broadcast %logistic3A_15 : vector<1x16384xf32> to vector<80x16384xf32>
    %mul3A_25 = arith.mulf %logistic3A_6, %mul3A : vector<80x16384xf32>
    %sqrt3A = math.sqrt %mul3A_25 : vector<80x16384xf32>
    %gt3A = arith.constant 5.000000e-02 : f32
    %gt3A_26 = vector.broadcast %gt3A : f32 to vector<80x16384xf32>
    %gt3A_27 = arith.cmpf ogt, %sqrt3A, %gt3A_26 : vector<80x16384xf32>
    %mul3A_28 = arith.mulf %sqrt3A, %logistic3A_24 : vector<80x16384xf32>
    %jit3A = arith.constant -1.000000e+00 : f32
    %broadcast_in_dim3A = vector.broadcast %jit3A : f32 to vector<80x16384xf32>
    %select_n3A = arith.select %gt3A_27, %mul3A_28, %broadcast_in_dim3A : vector<80x16384xi1>, vector<80x16384xf32>
    %swap3A = arith.constant 0 : index
    %swap3A_29 = arith.constant 0 : index
    %swap3A_30 = vector.load %arg3[%swap3A, %swap3A_29] : memref<80x16384xf32, #tpu.memory_space<vmem>>, vector<80x16384xf32>
    tpu.vector_store %arg3[%swap3A, %swap3A_29], %select_n3A {strides = array<i32>} : memref<80x16384xf32, #tpu.memory_space<vmem>>, vector<80x16384xf32>,
    return
  }
}

module attributes {stable_mosaic.version = 14 : i64} {
  func.func @_post_body(%arg0: memref<1x4096xf32, #tpu.memory_space<vmem>>, %arg1: memref<1x4096xf32, #tpu.memory_space<vmem>>, %arg2: memref<2x4096xf32, #tpu.memory_space<vmem>>, %arg3: memref<4096x4xf32, #tpu.memory_space<vmem>>, %arg4: memref<1024x128xf32, #tpu.memory_space<vmem>>, %arg5: memref<128x4xf32, #tpu.memory_space<vmem>>, %arg6: memref<128x1xf32, #tpu.memory_space<vmem>>, %arg7: memref<128x1xf32, #tpu.memory_space<vmem>>, %arg8: memref<1024x1024xf32, #tpu.memory_space<vmem>>, %arg9: memref<1024x8xf32, #tpu.memory_space<vmem>>) attributes {dimension_semantics = [], scalar_prefetch = 0 : i64, scratch_operands = 2 : i64, tpu.core_type = #tpu.core_type<tc>} {
    %iota3A = tpu.iota {dimensions = array<i32: 0>} : vector<1024x1xi32>
    %iota3A_0 = tpu.iota {dimensions = array<i32: 1>} : vector<1x1024xi32>
    %eq3A = vector.broadcast %iota3A : vector<1024x1xi32> to vector<1024x1024xi32>
    %eq3A_1 = vector.broadcast %iota3A_0 : vector<1x1024xi32> to vector<1024x1024xi32>
    %eq3A_2 = arith.cmpi eq, %eq3A, %eq3A_1 : vector<1024x1024xi32>
    %convert_element_type3A = arith.extui %eq3A_2 : vector<1024x1024xi1> to vector<1024x1024xi32>
    %convert_element_type3A_3 = arith.sitofp %convert_element_type3A : vector<1024x1024xi32> to vector<1024x1024xf32>
    %convert_element_type3A_4 = arith.sitofp %iota3A_0 : vector<1x1024xi32> to vector<1x1024xf32>
    %broadcast_in_dim3A = arith.constant 0.000000e+00 : f32
    %broadcast_in_dim3A_5 = vector.broadcast %broadcast_in_dim3A : f32 to vector<1024x2xf32>
    %broadcast_in_dim3A_6 = arith.constant 0.000000e+00 : f32
    %broadcast_in_dim3A_7 = vector.broadcast %broadcast_in_dim3A_6 : f32 to vector<2x1024xf32>
    %scan3A = arith.constant 0 : i32
    %scan3A_8 = arith.constant 4 : i32
    %scan3A_9 = arith.addi %scan3A, %scan3A_8 : i32
    %scan3A_10 = arith.constant 1 : i32
    %scan3A_11:2 = scf.for %scan3A_440 = %scan3A to %scan3A_9 step %scan3A_10 iter_args(%scan3A_441 = %broadcast_in_dim3A_5, %scan3A_442 = %broadcast_in_dim3A_7) -> (vector<1024x2xf32>, vector<2x1024xf32>)  : i32 {
      %mul3A_443 = arith.constant 1024 : i32
      %mul3A_444 = arith.muli %scan3A_440, %mul3A_443 : i32
      %get3A_445 = arith.index_cast %mul3A_444 : i32 to index
      %get3A_446 = arith.constant 0 : index
      %get3A_447 = vector.load %arg3[%get3A_445, %get3A_446] : memref<4096x4xf32, #tpu.memory_space<vmem>>, vector<1024x1xf32>
      %mul3A_448 = arith.constant 1024 : i32
      %mul3A_449 = arith.muli %scan3A_440, %mul3A_448 : i32
      %get3A_450 = arith.index_cast %mul3A_449 : i32 to index
      %get3A_451 = arith.constant 1 : index
      %get3A_452 = vector.load %arg3[%get3A_450, %get3A_451] : memref<4096x4xf32, #tpu.memory_space<vmem>>, vector<1024x1xf32>
      %broadcast_in_dim3A_453 = arith.constant 0.000000e+00 : f32
      %broadcast_in_dim3A_454 = vector.broadcast %broadcast_in_dim3A_453 : f32 to vector<1024x1xf32>
      %scan3A_455 = arith.constant 0 : i32
      %scan3A_456 = arith.constant 4 : i32
      %scan3A_457 = arith.addi %scan3A_455, %scan3A_456 : i32
      %scan3A_458 = arith.constant 1 : i32
      %scan3A_459 = scf.for %scan3A_477 = %scan3A_455 to %scan3A_457 step %scan3A_458 iter_args(%scan3A_478 = %broadcast_in_dim3A_454) -> (vector<1024x1xf32>)  : i32 {
        %mul3A_479 = arith.constant 1024 : i32
        %mul3A_480 = arith.muli %scan3A_477, %mul3A_479 : i32
        %get3A_481 = arith.constant 0 : index
        %get3A_482 = arith.index_cast %mul3A_480 : i32 to index
        %get3A_483 = vector.load %arg0[%get3A_481, %get3A_482] : memref<1x4096xf32, #tpu.memory_space<vmem>>, vector<1x1024xf32>
        %mul3A_484 = arith.constant 1024 : i32
        %mul3A_485 = arith.muli %scan3A_477, %mul3A_484 : i32
        %get3A_486 = arith.constant 0 : index
        %get3A_487 = arith.index_cast %mul3A_485 : i32 to index
        %get3A_488 = vector.load %arg1[%get3A_486, %get3A_487] : memref<1x4096xf32, #tpu.memory_space<vmem>>, vector<1x1024xf32>
        %gt3A_489 = vector.broadcast %get3A_483 : vector<1x1024xf32> to vector<1024x1024xf32>
        %gt3A_490 = vector.broadcast %get3A_447 : vector<1024x1xf32> to vector<1024x1024xf32>
        %gt3A_491 = arith.cmpf ogt, %gt3A_489, %gt3A_490 : vector<1024x1024xf32>
        %eq3A_492 = vector.broadcast %get3A_483 : vector<1x1024xf32> to vector<1024x1024xf32>
        %eq3A_493 = vector.broadcast %get3A_447 : vector<1024x1xf32> to vector<1024x1024xf32>
        %eq3A_494 = arith.cmpf oeq, %eq3A_492, %eq3A_493 : vector<1024x1024xf32>
        %lt3A_495 = vector.broadcast %get3A_488 : vector<1x1024xf32> to vector<1024x1024xf32>
        %lt3A_496 = vector.broadcast %get3A_452 : vector<1024x1xf32> to vector<1024x1024xf32>
        %lt3A_497 = arith.cmpf olt, %lt3A_495, %lt3A_496 : vector<1024x1024xf32>
        %and3A_498 = arith.andi %eq3A_494, %lt3A_497 : vector<1024x1024xi1>
        %or3A_499 = arith.ori %gt3A_491, %and3A_498 : vector<1024x1024xi1>
        %convert_element_type3A_500 = arith.extui %or3A_499 : vector<1024x1024xi1> to vector<1024x1024xi32>
        %convert_element_type3A_501 = arith.sitofp %convert_element_type3A_500 : vector<1024x1024xi32> to vector<1024x1024xf32>
        %reduce_sum3A_502 = arith.constant dense<0.000000e+00> : vector<1024xf32>
        %reduce_sum3A_503 = vector.multi_reduction <add>, %convert_element_type3A_501, %reduce_sum3A_502 [1] : vector<1024x1024xf32> to vector<1024xf32>
        %broadcast_in_dim3A_504 = vector.shape_cast %reduce_sum3A_503 : vector<1024xf32> to vector<1024x1xf32>
        %add3A_505 = arith.addf %scan3A_478, %broadcast_in_dim3A_504 : vector<1024x1xf32>
        scf.yield %add3A_505 : vector<1024x1xf32>
      }
      %scan3A_460 = arith.constant 4 : i32
      %eq3A_461 = vector.broadcast %scan3A_459 : vector<1024x1xf32> to vector<1024x1024xf32>
      %eq3A_462 = vector.broadcast %convert_element_type3A_4 : vector<1x1024xf32> to vector<1024x1024xf32>
      %eq3A_463 = arith.cmpf oeq, %eq3A_461, %eq3A_462 : vector<1024x1024xf32>
      %convert_element_type3A_464 = arith.extui %eq3A_463 : vector<1024x1024xi1> to vector<1024x1024xi32>
      %convert_element_type3A_465 = arith.sitofp %convert_element_type3A_464 : vector<1024x1024xi32> to vector<1024x1024xf32>
      %mul3A_466 = arith.constant 1024 : i32
      %mul3A_467 = arith.muli %scan3A_440, %mul3A_466 : i32
      %get3A_468 = arith.constant 0 : index
      %get3A_469 = arith.index_cast %mul3A_467 : i32 to index
      %get3A_470 = vector.load %arg2[%get3A_468, %get3A_469] : memref<2x4096xf32, #tpu.memory_space<vmem>>, vector<2x1024xf32>
      %dot_general3A_471 = arith.constant dense<0.000000e+00> : vector<1024x2xf32>
      %dot_general3A_472 = tpu.matmul %convert_element_type3A_465, %get3A_470, %dot_general3A_471 {dimension_numbers = #tpu.dot_dimension_numbers<[0], [1], [1], [0], [0, 1, 1, 0], [], []>, precision = #tpu.contract_precision<fp32>, transpose_lhs_hint = false} : vector<1024x1024xf32>, vector<2x1024xf32>, vector<1024x2xf32> -> vector<1024x2xf32>
      %add3A_473 = arith.addf %scan3A_441, %dot_general3A_472 : vector<1024x2xf32>
      %dot_general3A_474 = arith.constant dense<0.000000e+00> : vector<2x1024xf32>
      %dot_general3A_475 = tpu.matmul %get3A_470, %convert_element_type3A_465, %dot_general3A_474 {dimension_numbers = #tpu.dot_dimension_numbers<[1], [0], [0], [1], [0, 0, 1, 1], [], []>, precision = #tpu.contract_precision<fp32>, transpose_lhs_hint = false} : vector<2x1024xf32>, vector<1024x1024xf32>, vector<2x1024xf32> -> vector<2x1024xf32>
      %add3A_476 = arith.addf %scan3A_442, %dot_general3A_475 : vector<2x1024xf32>
      scf.yield %add3A_473, %add3A_476 : vector<1024x2xf32>, vector<2x1024xf32>
    }
    %scan3A_12 = arith.constant 4 : i32
    %slice3A = vector.extract_strided_slice %scan3A_11#1 {offsets = [0, 0], sizes = [1, 1024], strides = [1, 1]} : vector<2x1024xf32> to vector<1x1024xf32>
    %slice3A_13 = vector.extract_strided_slice %scan3A_11#0 {offsets = [0, 1], sizes = [1024, 1], strides = [1, 1]} : vector<1024x2xf32> to vector<1024x1xf32>
    %convert_element_type3A_14 = arith.fptosi %slice3A_13 : vector<1024x1xf32> to vector<1024x1xi32>
    %slice3A_15 = vector.extract_strided_slice %scan3A_11#1 {offsets = [1, 0], sizes = [1, 1024], strides = [1, 1]} : vector<2x1024xf32> to vector<1x1024xf32>
    %convert_element_type3A_16 = arith.fptosi %slice3A_15 : vector<1x1024xf32> to vector<1x1024xi32>
    %and3A = arith.constant 16383 : i32
    %and3A_17 = vector.broadcast %and3A : i32 to vector<1024x1xi32>
    %and3A_18 = arith.andi %convert_element_type3A_14, %and3A_17 : vector<1024x1xi32>
    %shift_right_arithmetic3A = arith.constant 14 : i32
    %shift_right_arithmetic3A_19 = vector.broadcast %shift_right_arithmetic3A : i32 to vector<1024x1xi32>
    %shift_right_arithmetic3A_20 = arith.shrsi %convert_element_type3A_14, %shift_right_arithmetic3A_19 : vector<1024x1xi32>
    %add3A = arith.constant 1 : i32
    %add3A_21 = vector.broadcast %add3A : i32 to vector<1024x1xi32>
    %add3A_22 = arith.addi %shift_right_arithmetic3A_20, %add3A_21 : vector<1024x1xi32>
    %convert_element_type3A_23 = arith.sitofp %add3A_22 : vector<1024x1xi32> to vector<1024x1xf32>
    %shift_right_arithmetic3A_24 = arith.constant 14 : i32
    %shift_right_arithmetic3A_25 = vector.broadcast %shift_right_arithmetic3A_24 : i32 to vector<1x1024xi32>
    %shift_right_arithmetic3A_26 = arith.shrsi %convert_element_type3A_16, %shift_right_arithmetic3A_25 : vector<1x1024xi32>
    %add3A_27 = arith.constant 1 : i32
    %add3A_28 = vector.broadcast %add3A_27 : i32 to vector<1x1024xi32>
    %add3A_29 = arith.addi %shift_right_arithmetic3A_26, %add3A_28 : vector<1x1024xi32>
    %convert_element_type3A_30 = arith.sitofp %add3A_29 : vector<1x1024xi32> to vector<1x1024xf32>
    %and3A_31 = arith.constant 1023 : i32
    %and3A_32 = vector.broadcast %and3A_31 : i32 to vector<1024x1xi32>
    %and3A_33 = arith.andi %and3A_18, %and3A_32 : vector<1024x1xi32>
    %convert_element_type3A_34 = arith.sitofp %and3A_33 : vector<1024x1xi32> to vector<1024x1xf32>
    %shift_right_arithmetic3A_35 = arith.constant 10 : i32
    %shift_right_arithmetic3A_36 = vector.broadcast %shift_right_arithmetic3A_35 : i32 to vector<1024x1xi32>
    %shift_right_arithmetic3A_37 = arith.shrsi %and3A_18, %shift_right_arithmetic3A_36 : vector<1024x1xi32>
    %eq3A_38 = vector.broadcast %convert_element_type3A_34 : vector<1024x1xf32> to vector<1024x1024xf32>
    %eq3A_39 = vector.broadcast %convert_element_type3A_4 : vector<1x1024xf32> to vector<1024x1024xf32>
    %eq3A_40 = arith.cmpf oeq, %eq3A_38, %eq3A_39 : vector<1024x1024xf32>
    %convert_element_type3A_41 = arith.extui %eq3A_40 : vector<1024x1024xi1> to vector<1024x1024xi32>
    %convert_element_type3A_42 = arith.sitofp %convert_element_type3A_41 : vector<1024x1024xi32> to vector<1024x1024xf32>
    %get3A = arith.constant 0 : index
    %get3A_43 = arith.constant 0 : index
    %get3A_44 = vector.load %arg4[%get3A, %get3A_43] : memref<1024x128xf32, #tpu.memory_space<vmem>>, vector<1024x128xf32>
    %dot_general3A = arith.constant dense<0.000000e+00> : vector<1024x128xf32>
    %dot_general3A_45 = tpu.matmul %convert_element_type3A_42, %get3A_44, %dot_general3A {dimension_numbers = #tpu.dot_dimension_numbers<[1], [0], [0], [1], [0, 0, 1, 1], [], []>, precision = #tpu.contract_precision<fp32>, transpose_lhs_hint = false} : vector<1024x1024xf32>, vector<1024x128xf32>, vector<1024x128xf32> -> vector<1024x128xf32>
    %iota3A_46 = tpu.iota {dimensions = array<i32: 1>} : vector<1x128xi32>
    %shift_right_arithmetic3A_47 = arith.constant 3 : i32
    %shift_right_arithmetic3A_48 = vector.broadcast %shift_right_arithmetic3A_47 : i32 to vector<1x128xi32>
    %shift_right_arithmetic3A_49 = arith.shrsi %iota3A_46, %shift_right_arithmetic3A_48 : vector<1x128xi32>
    %eq3A_50 = vector.broadcast %shift_right_arithmetic3A_37 : vector<1024x1xi32> to vector<1024x128xi32>
    %eq3A_51 = vector.broadcast %shift_right_arithmetic3A_49 : vector<1x128xi32> to vector<1024x128xi32>
    %eq3A_52 = arith.cmpi eq, %eq3A_50, %eq3A_51 : vector<1024x128xi32>
    %convert_element_type3A_53 = arith.extui %eq3A_52 : vector<1024x128xi1> to vector<1024x128xi32>
    %convert_element_type3A_54 = arith.sitofp %convert_element_type3A_53 : vector<1024x128xi32> to vector<1024x128xf32>
    %mul3A = arith.mulf %dot_general3A_45, %convert_element_type3A_54 : vector<1024x128xf32>
    %iota3A_55 = tpu.iota {dimensions = array<i32: 0>} : vector<128x1xi32>
    %iota3A_56 = tpu.iota {dimensions = array<i32: 1>} : vector<1x8xi32>
    %and3A_57 = arith.constant 7 : i32
    %and3A_58 = vector.broadcast %and3A_57 : i32 to vector<128x1xi32>
    %and3A_59 = arith.andi %iota3A_55, %and3A_58 : vector<128x1xi32>
    %eq3A_60 = vector.broadcast %and3A_59 : vector<128x1xi32> to vector<128x8xi32>
    %eq3A_61 = vector.broadcast %iota3A_56 : vector<1x8xi32> to vector<128x8xi32>
    %eq3A_62 = arith.cmpi eq, %eq3A_60, %eq3A_61 : vector<128x8xi32>
    %convert_element_type3A_63 = arith.extui %eq3A_62 : vector<128x8xi1> to vector<128x8xi32>
    %convert_element_type3A_64 = arith.sitofp %convert_element_type3A_63 : vector<128x8xi32> to vector<128x8xf32>
    %dot_general3A_65 = arith.constant dense<0.000000e+00> : vector<1024x8xf32>
    %dot_general3A_66 = tpu.matmul %mul3A, %convert_element_type3A_64, %dot_general3A_65 {dimension_numbers = #tpu.dot_dimension_numbers<[1], [0], [0], [1], [0, 0, 1, 1], [], []>, precision = #tpu.contract_precision<fp32>, transpose_lhs_hint = false} : vector<1024x128xf32>, vector<128x8xf32>, vector<1024x8xf32> -> vector<1024x8xf32>
    %dot_general3A_67 = arith.constant dense<0.000000e+00> : vector<8x1024xf32>
    %dot_general3A_68 = tpu.matmul %convert_element_type3A_64, %mul3A, %dot_general3A_67 {dimension_numbers = #tpu.dot_dimension_numbers<[0], [1], [1], [0], [0, 1, 1, 0], [], []>, precision = #tpu.contract_precision<fp32>, transpose_lhs_hint = false} : vector<128x8xf32>, vector<1024x128xf32>, vector<8x1024xf32> -> vector<8x1024xf32>
    %slice3A_69 = vector.extract_strided_slice %dot_general3A_66 {offsets = [0, 0], sizes = [1024, 4], strides = [1, 1]} : vector<1024x8xf32> to vector<1024x4xf32>
    %slice3A_70 = vector.extract_strided_slice %dot_general3A_66 {offsets = [0, 4], sizes = [1024, 4], strides = [1, 1]} : vector<1024x8xf32> to vector<1024x4xf32>
    %slice3A_71 = vector.extract_strided_slice %slice3A_69 {offsets = [0, 2], sizes = [1024, 2], strides = [1, 1]} : vector<1024x4xf32> to vector<1024x2xf32>
    %slice3A_72 = vector.extract_strided_slice %slice3A_69 {offsets = [0, 0], sizes = [1024, 2], strides = [1, 1]} : vector<1024x4xf32> to vector<1024x2xf32>
    %sub3A = arith.subf %slice3A_71, %slice3A_72 : vector<1024x2xf32>
    %concatenate3A = tpu.concatenate %sub3A, %sub3A in 1 : vector<1024x2xf32>, vector<1024x2xf32> -> vector<1024x4xf32>
    %iota3A_73 = tpu.iota {dimensions = array<i32: 1>} : vector<1x4xi32>
    %lt3A = arith.constant 2 : i32
    %lt3A_74 = vector.broadcast %lt3A : i32 to vector<1x4xi32>
    %lt3A_75 = arith.cmpi slt, %iota3A_73, %lt3A_74 : vector<1x4xi32>
    %jit3A = arith.constant 1.000000e-01 : f32
    %jit3A_76 = arith.constant 2.000000e-01 : f32
    %broadcast_in_dim3A_77 = vector.broadcast %jit3A : f32 to vector<1x4xf32>
    %broadcast_in_dim3A_78 = vector.broadcast %jit3A_76 : f32 to vector<1x4xf32>
    %select_n3A = arith.select %lt3A_75, %broadcast_in_dim3A_77, %broadcast_in_dim3A_78 : vector<1x4xi1>, vector<1x4xf32>
    %mul3A_79 = vector.broadcast %select_n3A : vector<1x4xf32> to vector<1024x4xf32>
    %mul3A_80 = arith.mulf %slice3A_70, %mul3A_79 : vector<1024x4xf32>
    %mul3A_81 = arith.mulf %mul3A_80, %concatenate3A : vector<1024x4xf32>
    %add3A_82 = arith.addf %slice3A_69, %mul3A_81 : vector<1024x4xf32>
    %slice3A_83 = vector.extract_strided_slice %dot_general3A_68 {offsets = [0, 0], sizes = [4, 1024], strides = [1, 1]} : vector<8x1024xf32> to vector<4x1024xf32>
    %slice3A_84 = vector.extract_strided_slice %dot_general3A_68 {offsets = [4, 0], sizes = [4, 1024], strides = [1, 1]} : vector<8x1024xf32> to vector<4x1024xf32>
    %slice3A_85 = vector.extract_strided_slice %slice3A_83 {offsets = [2, 0], sizes = [2, 1024], strides = [1, 1]} : vector<4x1024xf32> to vector<2x1024xf32>
    %slice3A_86 = vector.extract_strided_slice %slice3A_83 {offsets = [0, 0], sizes = [2, 1024], strides = [1, 1]} : vector<4x1024xf32> to vector<2x1024xf32>
    %sub3A_87 = arith.subf %slice3A_85, %slice3A_86 : vector<2x1024xf32>
    %concatenate3A_88 = tpu.concatenate %sub3A_87, %sub3A_87 in 0 : vector<2x1024xf32>, vector<2x1024xf32> -> vector<4x1024xf32>
    %iota3A_89 = tpu.iota {dimensions = array<i32: 0>} : vector<4x1xi32>
    %lt3A_90 = arith.constant 2 : i32
    %lt3A_91 = vector.broadcast %lt3A_90 : i32 to vector<4x1xi32>
    %lt3A_92 = arith.cmpi slt, %iota3A_89, %lt3A_91 : vector<4x1xi32>
    %jit3A_93 = arith.constant 1.000000e-01 : f32
    %jit3A_94 = arith.constant 2.000000e-01 : f32
    %broadcast_in_dim3A_95 = vector.broadcast %jit3A_93 : f32 to vector<4x1xf32>
    %broadcast_in_dim3A_96 = vector.broadcast %jit3A_94 : f32 to vector<4x1xf32>
    %select_n3A_97 = arith.select %lt3A_92, %broadcast_in_dim3A_95, %broadcast_in_dim3A_96 : vector<4x1xi1>, vector<4x1xf32>
    %mul3A_98 = vector.broadcast %select_n3A_97 : vector<4x1xf32> to vector<4x1024xf32>
    %mul3A_99 = arith.mulf %slice3A_84, %mul3A_98 : vector<4x1024xf32>
    %mul3A_100 = arith.mulf %mul3A_99, %concatenate3A_88 : vector<4x1024xf32>
    %add3A_101 = arith.addf %slice3A_83, %mul3A_100 : vector<4x1024xf32>
    %gt3A = arith.constant 0.000000e+00 : f32
    %gt3A_102 = vector.broadcast %gt3A : f32 to vector<1x1024xf32>
    %gt3A_103 = arith.cmpf ogt, %slice3A, %gt3A_102 : vector<1x1024xf32>
    %lt3A_104 = arith.constant 1000 : i32
    %lt3A_105 = vector.broadcast %lt3A_104 : i32 to vector<1x1024xi32>
    %lt3A_106 = arith.cmpi slt, %iota3A_0, %lt3A_105 : vector<1x1024xi32>
    %and3A_107 = arith.andi %gt3A_103, %lt3A_106 : vector<1x1024xi1>
    %max3A = arith.constant 9.99999996E-13 : f32
    %max3A_108 = vector.broadcast %max3A : f32 to vector<1x1024xf32>
    %max3A_109 = arith.maximumf %slice3A, %max3A_108 : vector<1x1024xf32>
    %sqrt3A = math.sqrt %max3A_109 : vector<1x1024xf32>
    %convert_element_type3A_110 = arith.extui %and3A_107 : vector<1x1024xi1> to vector<1x1024xi32>
    %convert_element_type3A_111 = arith.sitofp %convert_element_type3A_110 : vector<1x1024xi32> to vector<1x1024xf32>
    %mul3A_112 = arith.mulf %sqrt3A, %convert_element_type3A_111 : vector<1x1024xf32>
    %mul3A_113 = arith.constant 2.048000e+03 : f32
    %mul3A_114 = vector.broadcast %mul3A_113 : f32 to vector<1024x1xf32>
    %mul3A_115 = arith.mulf %convert_element_type3A_23, %mul3A_114 : vector<1024x1xf32>
    %mul3A_116 = arith.constant 2.048000e+03 : f32
    %mul3A_117 = vector.broadcast %mul3A_116 : f32 to vector<1x1024xf32>
    %mul3A_118 = arith.mulf %convert_element_type3A_30, %mul3A_117 : vector<1x1024xf32>
    %slice3A_119 = vector.extract_strided_slice %add3A_82 {offsets = [0, 0], sizes = [1024, 1], strides = [1, 1]} : vector<1024x4xf32> to vector<1024x1xf32>
    %add3A_120 = arith.addf %slice3A_119, %mul3A_115 : vector<1024x1xf32>
    %slice3A_121 = vector.extract_strided_slice %add3A_82 {offsets = [0, 1], sizes = [1024, 1], strides = [1, 1]} : vector<1024x4xf32> to vector<1024x1xf32>
    %add3A_122 = arith.addf %slice3A_121, %mul3A_115 : vector<1024x1xf32>
    %slice3A_123 = vector.extract_strided_slice %add3A_82 {offsets = [0, 2], sizes = [1024, 1], strides = [1, 1]} : vector<1024x4xf32> to vector<1024x1xf32>
    %add3A_124 = arith.addf %slice3A_123, %mul3A_115 : vector<1024x1xf32>
    %slice3A_125 = vector.extract_strided_slice %add3A_82 {offsets = [0, 3], sizes = [1024, 1], strides = [1, 1]} : vector<1024x4xf32> to vector<1024x1xf32>
    %add3A_126 = arith.addf %slice3A_125, %mul3A_115 : vector<1024x1xf32>
    %slice3A_127 = vector.extract_strided_slice %add3A_101 {offsets = [0, 0], sizes = [1, 1024], strides = [1, 1]} : vector<4x1024xf32> to vector<1x1024xf32>
    %add3A_128 = arith.addf %slice3A_127, %mul3A_118 : vector<1x1024xf32>
    %slice3A_129 = vector.extract_strided_slice %add3A_101 {offsets = [1, 0], sizes = [1, 1024], strides = [1, 1]} : vector<4x1024xf32> to vector<1x1024xf32>
    %add3A_130 = arith.addf %slice3A_129, %mul3A_118 : vector<1x1024xf32>
    %slice3A_131 = vector.extract_strided_slice %add3A_101 {offsets = [2, 0], sizes = [1, 1024], strides = [1, 1]} : vector<4x1024xf32> to vector<1x1024xf32>
    %add3A_132 = arith.addf %slice3A_131, %mul3A_118 : vector<1x1024xf32>
    %slice3A_133 = vector.extract_strided_slice %add3A_101 {offsets = [3, 0], sizes = [1, 1024], strides = [1, 1]} : vector<4x1024xf32> to vector<1x1024xf32>
    %add3A_134 = arith.addf %slice3A_133, %mul3A_118 : vector<1x1024xf32>
    %sub3A_135 = arith.subf %add3A_124, %add3A_120 : vector<1024x1xf32>
    %max3A_136 = arith.constant 0.000000e+00 : f32
    %max3A_137 = vector.broadcast %max3A_136 : f32 to vector<1024x1xf32>
    %max3A_138 = arith.maximumf %sub3A_135, %max3A_137 : vector<1024x1xf32>
    %sub3A_139 = arith.subf %add3A_126, %add3A_122 : vector<1024x1xf32>
    %max3A_140 = arith.constant 0.000000e+00 : f32
    %max3A_141 = vector.broadcast %max3A_140 : f32 to vector<1024x1xf32>
    %max3A_142 = arith.maximumf %sub3A_139, %max3A_141 : vector<1024x1xf32>
    %mul3A_143 = arith.mulf %max3A_138, %max3A_142 : vector<1024x1xf32>
    %sub3A_144 = arith.subf %add3A_132, %add3A_128 : vector<1x1024xf32>
    %max3A_145 = arith.constant 0.000000e+00 : f32
    %max3A_146 = vector.broadcast %max3A_145 : f32 to vector<1x1024xf32>
    %max3A_147 = arith.maximumf %sub3A_144, %max3A_146 : vector<1x1024xf32>
    %sub3A_148 = arith.subf %add3A_134, %add3A_130 : vector<1x1024xf32>
    %max3A_149 = arith.constant 0.000000e+00 : f32
    %max3A_150 = vector.broadcast %max3A_149 : f32 to vector<1x1024xf32>
    %max3A_151 = arith.maximumf %sub3A_148, %max3A_150 : vector<1x1024xf32>
    %mul3A_152 = arith.mulf %max3A_147, %max3A_151 : vector<1x1024xf32>
    %concatenate3A_153 = tpu.concatenate %add3A_120, %add3A_122, %add3A_124, %add3A_126, %mul3A_143, %mul3A_143, %mul3A_143, %mul3A_143 in 1 : vector<1024x1xf32>, vector<1024x1xf32>, vector<1024x1xf32>, vector<1024x1xf32>, vector<1024x1xf32>, vector<1024x1xf32>, vector<1024x1xf32>, vector<1024x1xf32> -> vector<1024x8xf32>
    %swap3A = arith.constant 0 : index
    %swap3A_154 = arith.constant 0 : index
    %swap3A_155 = vector.load %arg9[%swap3A, %swap3A_154] : memref<1024x8xf32, #tpu.memory_space<vmem>>, vector<1024x8xf32>
    tpu.vector_store %arg9[%swap3A, %swap3A_154], %concatenate3A_153 {strides = array<i32>} : memref<1024x8xf32, #tpu.memory_space<vmem>>, vector<1024x8xf32>,
    %scan3A_156 = arith.constant 0 : i32
    %scan3A_157 = arith.constant 8 : i32
    %scan3A_158 = arith.addi %scan3A_156, %scan3A_157 : i32
    %scan3A_159 = arith.constant 1 : i32
    scf.for %scan3A_440 = %scan3A_156 to %scan3A_158 step %scan3A_159  : i32 {
      %mul3A_441 = arith.constant 128 : i32
      %mul3A_442 = arith.muli %scan3A_440, %mul3A_441 : i32
      %get3A_443 = arith.index_cast %mul3A_442 : i32 to index
      %get3A_444 = arith.constant 0 : index
      %get3A_445 = vector.load %arg9[%get3A_443, %get3A_444] : memref<1024x8xf32, #tpu.memory_space<vmem>>, vector<128x8xf32>
      %slice3A_446 = vector.extract_strided_slice %get3A_445 {offsets = [0, 0], sizes = [128, 1], strides = [1, 1]} : vector<128x8xf32> to vector<128x1xf32>
      %max3A_447 = vector.broadcast %slice3A_446 : vector<128x1xf32> to vector<128x1024xf32>
      %max3A_448 = vector.broadcast %add3A_128 : vector<1x1024xf32> to vector<128x1024xf32>
      %max3A_449 = arith.maximumf %max3A_447, %max3A_448 : vector<128x1024xf32>
      %slice3A_450 = vector.extract_strided_slice %get3A_445 {offsets = [0, 1], sizes = [128, 1], strides = [1, 1]} : vector<128x8xf32> to vector<128x1xf32>
      %max3A_451 = vector.broadcast %slice3A_450 : vector<128x1xf32> to vector<128x1024xf32>
      %max3A_452 = vector.broadcast %add3A_130 : vector<1x1024xf32> to vector<128x1024xf32>
      %max3A_453 = arith.maximumf %max3A_451, %max3A_452 : vector<128x1024xf32>
      %slice3A_454 = vector.extract_strided_slice %get3A_445 {offsets = [0, 2], sizes = [128, 1], strides = [1, 1]} : vector<128x8xf32> to vector<128x1xf32>
      %min3A_455 = vector.broadcast %slice3A_454 : vector<128x1xf32> to vector<128x1024xf32>
      %min3A_456 = vector.broadcast %add3A_132 : vector<1x1024xf32> to vector<128x1024xf32>
      %min3A_457 = arith.minimumf %min3A_455, %min3A_456 : vector<128x1024xf32>
      %slice3A_458 = vector.extract_strided_slice %get3A_445 {offsets = [0, 3], sizes = [128, 1], strides = [1, 1]} : vector<128x8xf32> to vector<128x1xf32>
      %min3A_459 = vector.broadcast %slice3A_458 : vector<128x1xf32> to vector<128x1024xf32>
      %min3A_460 = vector.broadcast %add3A_134 : vector<1x1024xf32> to vector<128x1024xf32>
      %min3A_461 = arith.minimumf %min3A_459, %min3A_460 : vector<128x1024xf32>
      %sub3A_462 = arith.subf %min3A_457, %max3A_449 : vector<128x1024xf32>
      %max3A_463 = arith.constant 0.000000e+00 : f32
      %max3A_464 = vector.broadcast %max3A_463 : f32 to vector<128x1024xf32>
      %max3A_465 = arith.maximumf %sub3A_462, %max3A_464 : vector<128x1024xf32>
      %sub3A_466 = arith.subf %min3A_461, %max3A_453 : vector<128x1024xf32>
      %max3A_467 = arith.constant 0.000000e+00 : f32
      %max3A_468 = vector.broadcast %max3A_467 : f32 to vector<128x1024xf32>
      %max3A_469 = arith.maximumf %sub3A_466, %max3A_468 : vector<128x1024xf32>
      %mul3A_470 = arith.mulf %max3A_465, %max3A_469 : vector<128x1024xf32>
      %slice3A_471 = vector.extract_strided_slice %get3A_445 {offsets = [0, 4], sizes = [128, 1], strides = [1, 1]} : vector<128x8xf32> to vector<128x1xf32>
      %add3A_472 = vector.broadcast %slice3A_471 : vector<128x1xf32> to vector<128x1024xf32>
      %add3A_473 = vector.broadcast %mul3A_152 : vector<1x1024xf32> to vector<128x1024xf32>
      %add3A_474 = arith.addf %add3A_472, %add3A_473 : vector<128x1024xf32>
      %sub3A_475 = arith.subf %add3A_474, %mul3A_470 : vector<128x1024xf32>
      %max3A_476 = arith.constant 9.99999971E-10 : f32
      %max3A_477 = vector.broadcast %max3A_476 : f32 to vector<128x1024xf32>
      %max3A_478 = arith.maximumf %sub3A_475, %max3A_477 : vector<128x1024xf32>
      %div3A = arith.divf %mul3A_470, %max3A_478 : vector<128x1024xf32>
      %mul3A_479 = arith.constant 128 : i32
      %mul3A_480 = arith.muli %scan3A_440, %mul3A_479 : i32
      %swap3A_481 = arith.index_cast %mul3A_480 : i32 to index
      %swap3A_482 = arith.constant 0 : index
      %swap3A_483 = vector.load %arg8[%swap3A_481, %swap3A_482] : memref<1024x1024xf32, #tpu.memory_space<vmem>>, vector<128x1024xf32>
      tpu.vector_store %arg8[%swap3A_481, %swap3A_482], %div3A {strides = array<i32>} : memref<1024x1024xf32, #tpu.memory_space<vmem>>, vector<128x1024xf32>,
    }
    %scan3A_160 = arith.constant 8 : i32
    %iota3A_161 = tpu.iota {dimensions = array<i32: 1>} : vector<1x128xi32>
    %convert_element_type3A_162 = arith.extui %and3A_107 : vector<1x1024xi1> to vector<1x1024xi32>
    %convert_element_type3A_163 = arith.sitofp %convert_element_type3A_162 : vector<1x1024xi32> to vector<1x1024xf32>
    %slice3A_164 = vector.extract_strided_slice %convert_element_type3A_163 {offsets = [0, 0], sizes = [1, 128], strides = [1, 1]} : vector<1x1024xf32> to vector<1x128xf32>
    %scan3A_165 = arith.constant 0 : i32
    %scan3A_166 = arith.constant 128 : i32
    %scan3A_167 = arith.addi %scan3A_165, %scan3A_166 : i32
    %scan3A_168 = arith.constant 1 : i32
    %scan3A_169 = scf.for %scan3A_440 = %scan3A_165 to %scan3A_167 step %scan3A_168 iter_args(%scan3A_441 = %slice3A_164) -> (vector<1x128xf32>)  : i32 {
      %add3A_442 = arith.constant 0 : i32
      %add3A_443 = arith.addi %add3A_442, %scan3A_440 : i32
      %get3A_444 = arith.index_cast %add3A_443 : i32 to index
      %get3A_445 = arith.constant 0 : index
      %get3A_446 = vector.load %arg8[%get3A_444, %get3A_445] : memref<1024x1024xf32, #tpu.memory_space<vmem>>, vector<1x1024xf32>
      %slice3A_447 = vector.extract_strided_slice %get3A_446 {offsets = [0, 0], sizes = [1, 128], strides = [1, 1]} : vector<1x1024xf32> to vector<1x128xf32>
      %eq3A_448 = vector.broadcast %scan3A_440 : i32 to vector<1x128xi32>
      %eq3A_449 = arith.cmpi eq, %iota3A_161, %eq3A_448 : vector<1x128xi32>
      %jit3A_450 = arith.constant 0.000000e+00 : f32
      %broadcast_in_dim3A_451 = vector.broadcast %jit3A_450 : f32 to vector<1x128xf32>
      %select_n3A_452 = arith.select %eq3A_449, %scan3A_441, %broadcast_in_dim3A_451 : vector<1x128xi1>, vector<1x128xf32>
      %reduce_max3A = vector.shape_cast %select_n3A_452 : vector<1x128xf32> to vector<1x1x128xf32>
      %reduce_max3A_453 = arith.constant dense<0xFF800000> : vector<1xf32>
      %reduce_max3A_454 = vector.multi_reduction <maximumf>, %reduce_max3A, %reduce_max3A_453 [1, 2] : vector<1x1x128xf32> to vector<1xf32>
      %reduce_max3A_455 = vector.shape_cast %reduce_max3A_454 : vector<1xf32> to vector<1x1x1xf32>
      %reduce_max3A_456 = vector.extract %reduce_max3A_455[0, 0, 0] : f32 from vector<1x1x1xf32>
      %gt3A_457 = arith.constant 6.000000e-01 : f32
      %gt3A_458 = vector.broadcast %gt3A_457 : f32 to vector<1x128xf32>
      %gt3A_459 = arith.cmpf ogt, %slice3A_447, %gt3A_458 : vector<1x128xf32>
      %gt3A_460 = vector.broadcast %scan3A_440 : i32 to vector<1x128xi32>
      %gt3A_461 = arith.cmpi sgt, %iota3A_161, %gt3A_460 : vector<1x128xi32>
      %and3A_462 = arith.andi %gt3A_459, %gt3A_461 : vector<1x128xi1>
      %gt3A_463 = arith.constant 5.000000e-01 : f32
      %gt3A_464 = arith.cmpf ogt, %reduce_max3A_456, %gt3A_463 : f32
      %and3A_465 = vector.broadcast %gt3A_464 : i1 to vector<1x128xi1>
      %and3A_466 = arith.andi %and3A_462, %and3A_465 : vector<1x128xi1>
      %jit3A_467 = arith.constant 0.000000e+00 : f32
      %broadcast_in_dim3A_468 = vector.broadcast %jit3A_467 : f32 to vector<1x128xf32>
      %select_n3A_469 = arith.select %and3A_466, %broadcast_in_dim3A_468, %scan3A_441 : vector<1x128xi1>, vector<1x128xf32>
      scf.yield %select_n3A_469 : vector<1x128xf32>
    }
    %scan3A_170 = arith.constant 128 : i32
    %get3A_171 = arith.constant 0 : index
    %get3A_172 = arith.constant 128 : index
    %get3A_173 = vector.load %arg8[%get3A_171, %get3A_172] : memref<1024x1024xf32, #tpu.memory_space<vmem>>, vector<128x896xf32>
    %gt3A_174 = arith.constant 6.000000e-01 : f32
    %gt3A_175 = vector.broadcast %gt3A_174 : f32 to vector<128x896xf32>
    %gt3A_176 = arith.cmpf ogt, %get3A_173, %gt3A_175 : vector<128x896xf32>
    %convert_element_type3A_177 = arith.extui %gt3A_176 : vector<128x896xi1> to vector<128x896xi32>
    %convert_element_type3A_178 = arith.sitofp %convert_element_type3A_177 : vector<128x896xi32> to vector<128x896xf32>
    %dot_general3A_179 = arith.constant dense<0.000000e+00> : vector<1x896xf32>
    %dot_general3A_180 = tpu.matmul %scan3A_169, %convert_element_type3A_178, %dot_general3A_179 {dimension_numbers = #tpu.dot_dimension_numbers<[1], [0], [0], [1], [0, 0, 1, 1], [], []>, transpose_lhs_hint = false} : vector<1x128xf32>, vector<128x896xf32>, vector<1x896xf32> -> vector<1x896xf32>
    %gt3A_181 = arith.constant 5.000000e-01 : f32
    %gt3A_182 = vector.broadcast %gt3A_181 : f32 to vector<1x896xf32>
    %gt3A_183 = arith.cmpf ogt, %dot_general3A_180, %gt3A_182 : vector<1x896xf32>
    %slice3A_184 = vector.extract_strided_slice %convert_element_type3A_163 {offsets = [0, 128], sizes = [1, 896], strides = [1, 1]} : vector<1x1024xf32> to vector<1x896xf32>
    %jit3A_185 = arith.constant 0.000000e+00 : f32
    %broadcast_in_dim3A_186 = vector.broadcast %jit3A_185 : f32 to vector<1x896xf32>
    %select_n3A_187 = arith.select %gt3A_183, %broadcast_in_dim3A_186, %slice3A_184 : vector<1x896xi1>, vector<1x896xf32>
    %concatenate3A_188 = tpu.concatenate %scan3A_169, %select_n3A_187 in 1 : vector<1x128xf32>, vector<1x896xf32> -> vector<1x1024xf32>
    %slice3A_189 = vector.extract_strided_slice %concatenate3A_188 {offsets = [0, 128], sizes = [1, 128], strides = [1, 1]} : vector<1x1024xf32> to vector<1x128xf32>
    %scan3A_190 = arith.constant 0 : i32
    %scan3A_191 = arith.constant 128 : i32
    %scan3A_192 = arith.addi %scan3A_190, %scan3A_191 : i32
    %scan3A_193 = arith.constant 1 : i32
    %scan3A_194 = scf.for %scan3A_440 = %scan3A_190 to %scan3A_192 step %scan3A_193 iter_args(%scan3A_441 = %slice3A_189) -> (vector<1x128xf32>)  : i32 {
      %add3A_442 = arith.constant 128 : i32
      %add3A_443 = arith.addi %add3A_442, %scan3A_440 : i32
      %get3A_444 = arith.index_cast %add3A_443 : i32 to index
      %get3A_445 = arith.constant 0 : index
      %get3A_446 = vector.load %arg8[%get3A_444, %get3A_445] : memref<1024x1024xf32, #tpu.memory_space<vmem>>, vector<1x1024xf32>
      %slice3A_447 = vector.extract_strided_slice %get3A_446 {offsets = [0, 128], sizes = [1, 128], strides = [1, 1]} : vector<1x1024xf32> to vector<1x128xf32>
      %eq3A_448 = vector.broadcast %scan3A_440 : i32 to vector<1x128xi32>
      %eq3A_449 = arith.cmpi eq, %iota3A_161, %eq3A_448 : vector<1x128xi32>
      %jit3A_450 = arith.constant 0.000000e+00 : f32
      %broadcast_in_dim3A_451 = vector.broadcast %jit3A_450 : f32 to vector<1x128xf32>
      %select_n3A_452 = arith.select %eq3A_449, %scan3A_441, %broadcast_in_dim3A_451 : vector<1x128xi1>, vector<1x128xf32>
      %reduce_max3A = vector.shape_cast %select_n3A_452 : vector<1x128xf32> to vector<1x1x128xf32>
      %reduce_max3A_453 = arith.constant dense<0xFF800000> : vector<1xf32>
      %reduce_max3A_454 = vector.multi_reduction <maximumf>, %reduce_max3A, %reduce_max3A_453 [1, 2] : vector<1x1x128xf32> to vector<1xf32>
      %reduce_max3A_455 = vector.shape_cast %reduce_max3A_454 : vector<1xf32> to vector<1x1x1xf32>
      %reduce_max3A_456 = vector.extract %reduce_max3A_455[0, 0, 0] : f32 from vector<1x1x1xf32>
      %gt3A_457 = arith.constant 6.000000e-01 : f32
      %gt3A_458 = vector.broadcast %gt3A_457 : f32 to vector<1x128xf32>
      %gt3A_459 = arith.cmpf ogt, %slice3A_447, %gt3A_458 : vector<1x128xf32>
      %gt3A_460 = vector.broadcast %scan3A_440 : i32 to vector<1x128xi32>
      %gt3A_461 = arith.cmpi sgt, %iota3A_161, %gt3A_460 : vector<1x128xi32>
      %and3A_462 = arith.andi %gt3A_459, %gt3A_461 : vector<1x128xi1>
      %gt3A_463 = arith.constant 5.000000e-01 : f32
      %gt3A_464 = arith.cmpf ogt, %reduce_max3A_456, %gt3A_463 : f32
      %and3A_465 = vector.broadcast %gt3A_464 : i1 to vector<1x128xi1>
      %and3A_466 = arith.andi %and3A_462, %and3A_465 : vector<1x128xi1>
      %jit3A_467 = arith.constant 0.000000e+00 : f32
      %broadcast_in_dim3A_468 = vector.broadcast %jit3A_467 : f32 to vector<1x128xf32>
      %select_n3A_469 = arith.select %and3A_466, %broadcast_in_dim3A_468, %scan3A_441 : vector<1x128xi1>, vector<1x128xf32>
      scf.yield %select_n3A_469 : vector<1x128xf32>
    }
    %scan3A_195 = arith.constant 128 : i32
    %get3A_196 = arith.constant 128 : index
    %get3A_197 = arith.constant 256 : index
    %get3A_198 = vector.load %arg8[%get3A_196, %get3A_197] : memref<1024x1024xf32, #tpu.memory_space<vmem>>, vector<128x768xf32>
    %gt3A_199 = arith.constant 6.000000e-01 : f32
    %gt3A_200 = vector.broadcast %gt3A_199 : f32 to vector<128x768xf32>
    %gt3A_201 = arith.cmpf ogt, %get3A_198, %gt3A_200 : vector<128x768xf32>
    %convert_element_type3A_202 = arith.extui %gt3A_201 : vector<128x768xi1> to vector<128x768xi32>
    %convert_element_type3A_203 = arith.sitofp %convert_element_type3A_202 : vector<128x768xi32> to vector<128x768xf32>
    %dot_general3A_204 = arith.constant dense<0.000000e+00> : vector<1x768xf32>
    %dot_general3A_205 = tpu.matmul %scan3A_194, %convert_element_type3A_203, %dot_general3A_204 {dimension_numbers = #tpu.dot_dimension_numbers<[1], [0], [0], [1], [0, 0, 1, 1], [], []>, transpose_lhs_hint = false} : vector<1x128xf32>, vector<128x768xf32>, vector<1x768xf32> -> vector<1x768xf32>
    %gt3A_206 = arith.constant 5.000000e-01 : f32
    %gt3A_207 = vector.broadcast %gt3A_206 : f32 to vector<1x768xf32>
    %gt3A_208 = arith.cmpf ogt, %dot_general3A_205, %gt3A_207 : vector<1x768xf32>
    %slice3A_209 = vector.extract_strided_slice %concatenate3A_188 {offsets = [0, 256], sizes = [1, 768], strides = [1, 1]} : vector<1x1024xf32> to vector<1x768xf32>
    %jit3A_210 = arith.constant 0.000000e+00 : f32
    %broadcast_in_dim3A_211 = vector.broadcast %jit3A_210 : f32 to vector<1x768xf32>
    %select_n3A_212 = arith.select %gt3A_208, %broadcast_in_dim3A_211, %slice3A_209 : vector<1x768xi1>, vector<1x768xf32>
    %concatenate3A_213 = tpu.concatenate %scan3A_169, %scan3A_194, %select_n3A_212 in 1 : vector<1x128xf32>, vector<1x128xf32>, vector<1x768xf32> -> vector<1x1024xf32>
    %slice3A_214 = vector.extract_strided_slice %concatenate3A_213 {offsets = [0, 256], sizes = [1, 128], strides = [1, 1]} : vector<1x1024xf32> to vector<1x128xf32>
    %scan3A_215 = arith.constant 0 : i32
    %scan3A_216 = arith.constant 128 : i32
    %scan3A_217 = arith.addi %scan3A_215, %scan3A_216 : i32
    %scan3A_218 = arith.constant 1 : i32
    %scan3A_219 = scf.for %scan3A_440 = %scan3A_215 to %scan3A_217 step %scan3A_218 iter_args(%scan3A_441 = %slice3A_214) -> (vector<1x128xf32>)  : i32 {
      %add3A_442 = arith.constant 256 : i32
      %add3A_443 = arith.addi %add3A_442, %scan3A_440 : i32
      %get3A_444 = arith.index_cast %add3A_443 : i32 to index
      %get3A_445 = arith.constant 0 : index
      %get3A_446 = vector.load %arg8[%get3A_444, %get3A_445] : memref<1024x1024xf32, #tpu.memory_space<vmem>>, vector<1x1024xf32>
      %slice3A_447 = vector.extract_strided_slice %get3A_446 {offsets = [0, 256], sizes = [1, 128], strides = [1, 1]} : vector<1x1024xf32> to vector<1x128xf32>
      %eq3A_448 = vector.broadcast %scan3A_440 : i32 to vector<1x128xi32>
      %eq3A_449 = arith.cmpi eq, %iota3A_161, %eq3A_448 : vector<1x128xi32>
      %jit3A_450 = arith.constant 0.000000e+00 : f32
      %broadcast_in_dim3A_451 = vector.broadcast %jit3A_450 : f32 to vector<1x128xf32>
      %select_n3A_452 = arith.select %eq3A_449, %scan3A_441, %broadcast_in_dim3A_451 : vector<1x128xi1>, vector<1x128xf32>
      %reduce_max3A = vector.shape_cast %select_n3A_452 : vector<1x128xf32> to vector<1x1x128xf32>
      %reduce_max3A_453 = arith.constant dense<0xFF800000> : vector<1xf32>
      %reduce_max3A_454 = vector.multi_reduction <maximumf>, %reduce_max3A, %reduce_max3A_453 [1, 2] : vector<1x1x128xf32> to vector<1xf32>
      %reduce_max3A_455 = vector.shape_cast %reduce_max3A_454 : vector<1xf32> to vector<1x1x1xf32>
      %reduce_max3A_456 = vector.extract %reduce_max3A_455[0, 0, 0] : f32 from vector<1x1x1xf32>
      %gt3A_457 = arith.constant 6.000000e-01 : f32
      %gt3A_458 = vector.broadcast %gt3A_457 : f32 to vector<1x128xf32>
      %gt3A_459 = arith.cmpf ogt, %slice3A_447, %gt3A_458 : vector<1x128xf32>
      %gt3A_460 = vector.broadcast %scan3A_440 : i32 to vector<1x128xi32>
      %gt3A_461 = arith.cmpi sgt, %iota3A_161, %gt3A_460 : vector<1x128xi32>
      %and3A_462 = arith.andi %gt3A_459, %gt3A_461 : vector<1x128xi1>
      %gt3A_463 = arith.constant 5.000000e-01 : f32
      %gt3A_464 = arith.cmpf ogt, %reduce_max3A_456, %gt3A_463 : f32
      %and3A_465 = vector.broadcast %gt3A_464 : i1 to vector<1x128xi1>
      %and3A_466 = arith.andi %and3A_462, %and3A_465 : vector<1x128xi1>
      %jit3A_467 = arith.constant 0.000000e+00 : f32
      %broadcast_in_dim3A_468 = vector.broadcast %jit3A_467 : f32 to vector<1x128xf32>
      %select_n3A_469 = arith.select %and3A_466, %broadcast_in_dim3A_468, %scan3A_441 : vector<1x128xi1>, vector<1x128xf32>
      scf.yield %select_n3A_469 : vector<1x128xf32>
    }
    %scan3A_220 = arith.constant 128 : i32
    %get3A_221 = arith.constant 256 : index
    %get3A_222 = arith.constant 384 : index
    %get3A_223 = vector.load %arg8[%get3A_221, %get3A_222] : memref<1024x1024xf32, #tpu.memory_space<vmem>>, vector<128x640xf32>
    %gt3A_224 = arith.constant 6.000000e-01 : f32
    %gt3A_225 = vector.broadcast %gt3A_224 : f32 to vector<128x640xf32>
    %gt3A_226 = arith.cmpf ogt, %get3A_223, %gt3A_225 : vector<128x640xf32>
    %convert_element_type3A_227 = arith.extui %gt3A_226 : vector<128x640xi1> to vector<128x640xi32>
    %convert_element_type3A_228 = arith.sitofp %convert_element_type3A_227 : vector<128x640xi32> to vector<128x640xf32>
    %dot_general3A_229 = arith.constant dense<0.000000e+00> : vector<1x640xf32>
    %dot_general3A_230 = tpu.matmul %scan3A_219, %convert_element_type3A_228, %dot_general3A_229 {dimension_numbers = #tpu.dot_dimension_numbers<[1], [0], [0], [1], [0, 0, 1, 1], [], []>, transpose_lhs_hint = false} : vector<1x128xf32>, vector<128x640xf32>, vector<1x640xf32> -> vector<1x640xf32>
    %gt3A_231 = arith.constant 5.000000e-01 : f32
    %gt3A_232 = vector.broadcast %gt3A_231 : f32 to vector<1x640xf32>
    %gt3A_233 = arith.cmpf ogt, %dot_general3A_230, %gt3A_232 : vector<1x640xf32>
    %slice3A_234 = vector.extract_strided_slice %concatenate3A_213 {offsets = [0, 384], sizes = [1, 640], strides = [1, 1]} : vector<1x1024xf32> to vector<1x640xf32>
    %jit3A_235 = arith.constant 0.000000e+00 : f32
    %broadcast_in_dim3A_236 = vector.broadcast %jit3A_235 : f32 to vector<1x640xf32>
    %select_n3A_237 = arith.select %gt3A_233, %broadcast_in_dim3A_236, %slice3A_234 : vector<1x640xi1>, vector<1x640xf32>
    %concatenate3A_238 = tpu.concatenate %scan3A_169, %scan3A_194, %scan3A_219, %select_n3A_237 in 1 : vector<1x128xf32>, vector<1x128xf32>, vector<1x128xf32>, vector<1x640xf32> -> vector<1x1024xf32>
    %slice3A_239 = vector.extract_strided_slice %concatenate3A_238 {offsets = [0, 384], sizes = [1, 128], strides = [1, 1]} : vector<1x1024xf32> to vector<1x128xf32>
    %scan3A_240 = arith.constant 0 : i32
    %scan3A_241 = arith.constant 128 : i32
    %scan3A_242 = arith.addi %scan3A_240, %scan3A_241 : i32
    %scan3A_243 = arith.constant 1 : i32
    %scan3A_244 = scf.for %scan3A_440 = %scan3A_240 to %scan3A_242 step %scan3A_243 iter_args(%scan3A_441 = %slice3A_239) -> (vector<1x128xf32>)  : i32 {
      %add3A_442 = arith.constant 384 : i32
      %add3A_443 = arith.addi %add3A_442, %scan3A_440 : i32
      %get3A_444 = arith.index_cast %add3A_443 : i32 to index
      %get3A_445 = arith.constant 0 : index
      %get3A_446 = vector.load %arg8[%get3A_444, %get3A_445] : memref<1024x1024xf32, #tpu.memory_space<vmem>>, vector<1x1024xf32>
      %slice3A_447 = vector.extract_strided_slice %get3A_446 {offsets = [0, 384], sizes = [1, 128], strides = [1, 1]} : vector<1x1024xf32> to vector<1x128xf32>
      %eq3A_448 = vector.broadcast %scan3A_440 : i32 to vector<1x128xi32>
      %eq3A_449 = arith.cmpi eq, %iota3A_161, %eq3A_448 : vector<1x128xi32>
      %jit3A_450 = arith.constant 0.000000e+00 : f32
      %broadcast_in_dim3A_451 = vector.broadcast %jit3A_450 : f32 to vector<1x128xf32>
      %select_n3A_452 = arith.select %eq3A_449, %scan3A_441, %broadcast_in_dim3A_451 : vector<1x128xi1>, vector<1x128xf32>
      %reduce_max3A = vector.shape_cast %select_n3A_452 : vector<1x128xf32> to vector<1x1x128xf32>
      %reduce_max3A_453 = arith.constant dense<0xFF800000> : vector<1xf32>
      %reduce_max3A_454 = vector.multi_reduction <maximumf>, %reduce_max3A, %reduce_max3A_453 [1, 2] : vector<1x1x128xf32> to vector<1xf32>
      %reduce_max3A_455 = vector.shape_cast %reduce_max3A_454 : vector<1xf32> to vector<1x1x1xf32>
      %reduce_max3A_456 = vector.extract %reduce_max3A_455[0, 0, 0] : f32 from vector<1x1x1xf32>
      %gt3A_457 = arith.constant 6.000000e-01 : f32
      %gt3A_458 = vector.broadcast %gt3A_457 : f32 to vector<1x128xf32>
      %gt3A_459 = arith.cmpf ogt, %slice3A_447, %gt3A_458 : vector<1x128xf32>
      %gt3A_460 = vector.broadcast %scan3A_440 : i32 to vector<1x128xi32>
      %gt3A_461 = arith.cmpi sgt, %iota3A_161, %gt3A_460 : vector<1x128xi32>
      %and3A_462 = arith.andi %gt3A_459, %gt3A_461 : vector<1x128xi1>
      %gt3A_463 = arith.constant 5.000000e-01 : f32
      %gt3A_464 = arith.cmpf ogt, %reduce_max3A_456, %gt3A_463 : f32
      %and3A_465 = vector.broadcast %gt3A_464 : i1 to vector<1x128xi1>
      %and3A_466 = arith.andi %and3A_462, %and3A_465 : vector<1x128xi1>
      %jit3A_467 = arith.constant 0.000000e+00 : f32
      %broadcast_in_dim3A_468 = vector.broadcast %jit3A_467 : f32 to vector<1x128xf32>
      %select_n3A_469 = arith.select %and3A_466, %broadcast_in_dim3A_468, %scan3A_441 : vector<1x128xi1>, vector<1x128xf32>
      scf.yield %select_n3A_469 : vector<1x128xf32>
    }
    %scan3A_245 = arith.constant 128 : i32
    %get3A_246 = arith.constant 384 : index
    %get3A_247 = arith.constant 512 : index
    %get3A_248 = vector.load %arg8[%get3A_246, %get3A_247] : memref<1024x1024xf32, #tpu.memory_space<vmem>>, vector<128x512xf32>
    %gt3A_249 = arith.constant 6.000000e-01 : f32
    %gt3A_250 = vector.broadcast %gt3A_249 : f32 to vector<128x512xf32>
    %gt3A_251 = arith.cmpf ogt, %get3A_248, %gt3A_250 : vector<128x512xf32>
    %convert_element_type3A_252 = arith.extui %gt3A_251 : vector<128x512xi1> to vector<128x512xi32>
    %convert_element_type3A_253 = arith.sitofp %convert_element_type3A_252 : vector<128x512xi32> to vector<128x512xf32>
    %dot_general3A_254 = arith.constant dense<0.000000e+00> : vector<1x512xf32>
    %dot_general3A_255 = tpu.matmul %scan3A_244, %convert_element_type3A_253, %dot_general3A_254 {dimension_numbers = #tpu.dot_dimension_numbers<[1], [0], [0], [1], [0, 0, 1, 1], [], []>, transpose_lhs_hint = false} : vector<1x128xf32>, vector<128x512xf32>, vector<1x512xf32> -> vector<1x512xf32>
    %gt3A_256 = arith.constant 5.000000e-01 : f32
    %gt3A_257 = vector.broadcast %gt3A_256 : f32 to vector<1x512xf32>
    %gt3A_258 = arith.cmpf ogt, %dot_general3A_255, %gt3A_257 : vector<1x512xf32>
    %slice3A_259 = vector.extract_strided_slice %concatenate3A_238 {offsets = [0, 512], sizes = [1, 512], strides = [1, 1]} : vector<1x1024xf32> to vector<1x512xf32>
    %jit3A_260 = arith.constant 0.000000e+00 : f32
    %broadcast_in_dim3A_261 = vector.broadcast %jit3A_260 : f32 to vector<1x512xf32>
    %select_n3A_262 = arith.select %gt3A_258, %broadcast_in_dim3A_261, %slice3A_259 : vector<1x512xi1>, vector<1x512xf32>
    %concatenate3A_263 = tpu.concatenate %scan3A_169, %scan3A_194, %scan3A_219, %scan3A_244, %select_n3A_262 in 1 : vector<1x128xf32>, vector<1x128xf32>, vector<1x128xf32>, vector<1x128xf32>, vector<1x512xf32> -> vector<1x1024xf32>
    %slice3A_264 = vector.extract_strided_slice %concatenate3A_263 {offsets = [0, 512], sizes = [1, 128], strides = [1, 1]} : vector<1x1024xf32> to vector<1x128xf32>
    %scan3A_265 = arith.constant 0 : i32
    %scan3A_266 = arith.constant 128 : i32
    %scan3A_267 = arith.addi %scan3A_265, %scan3A_266 : i32
    %scan3A_268 = arith.constant 1 : i32
    %scan3A_269 = scf.for %scan3A_440 = %scan3A_265 to %scan3A_267 step %scan3A_268 iter_args(%scan3A_441 = %slice3A_264) -> (vector<1x128xf32>)  : i32 {
      %add3A_442 = arith.constant 512 : i32
      %add3A_443 = arith.addi %add3A_442, %scan3A_440 : i32
      %get3A_444 = arith.index_cast %add3A_443 : i32 to index
      %get3A_445 = arith.constant 0 : index
      %get3A_446 = vector.load %arg8[%get3A_444, %get3A_445] : memref<1024x1024xf32, #tpu.memory_space<vmem>>, vector<1x1024xf32>
      %slice3A_447 = vector.extract_strided_slice %get3A_446 {offsets = [0, 512], sizes = [1, 128], strides = [1, 1]} : vector<1x1024xf32> to vector<1x128xf32>
      %eq3A_448 = vector.broadcast %scan3A_440 : i32 to vector<1x128xi32>
      %eq3A_449 = arith.cmpi eq, %iota3A_161, %eq3A_448 : vector<1x128xi32>
      %jit3A_450 = arith.constant 0.000000e+00 : f32
      %broadcast_in_dim3A_451 = vector.broadcast %jit3A_450 : f32 to vector<1x128xf32>
      %select_n3A_452 = arith.select %eq3A_449, %scan3A_441, %broadcast_in_dim3A_451 : vector<1x128xi1>, vector<1x128xf32>
      %reduce_max3A = vector.shape_cast %select_n3A_452 : vector<1x128xf32> to vector<1x1x128xf32>
      %reduce_max3A_453 = arith.constant dense<0xFF800000> : vector<1xf32>
      %reduce_max3A_454 = vector.multi_reduction <maximumf>, %reduce_max3A, %reduce_max3A_453 [1, 2] : vector<1x1x128xf32> to vector<1xf32>
      %reduce_max3A_455 = vector.shape_cast %reduce_max3A_454 : vector<1xf32> to vector<1x1x1xf32>
      %reduce_max3A_456 = vector.extract %reduce_max3A_455[0, 0, 0] : f32 from vector<1x1x1xf32>
      %gt3A_457 = arith.constant 6.000000e-01 : f32
      %gt3A_458 = vector.broadcast %gt3A_457 : f32 to vector<1x128xf32>
      %gt3A_459 = arith.cmpf ogt, %slice3A_447, %gt3A_458 : vector<1x128xf32>
      %gt3A_460 = vector.broadcast %scan3A_440 : i32 to vector<1x128xi32>
      %gt3A_461 = arith.cmpi sgt, %iota3A_161, %gt3A_460 : vector<1x128xi32>
      %and3A_462 = arith.andi %gt3A_459, %gt3A_461 : vector<1x128xi1>
      %gt3A_463 = arith.constant 5.000000e-01 : f32
      %gt3A_464 = arith.cmpf ogt, %reduce_max3A_456, %gt3A_463 : f32
      %and3A_465 = vector.broadcast %gt3A_464 : i1 to vector<1x128xi1>
      %and3A_466 = arith.andi %and3A_462, %and3A_465 : vector<1x128xi1>
      %jit3A_467 = arith.constant 0.000000e+00 : f32
      %broadcast_in_dim3A_468 = vector.broadcast %jit3A_467 : f32 to vector<1x128xf32>
      %select_n3A_469 = arith.select %and3A_466, %broadcast_in_dim3A_468, %scan3A_441 : vector<1x128xi1>, vector<1x128xf32>
      scf.yield %select_n3A_469 : vector<1x128xf32>
    }
    %scan3A_270 = arith.constant 128 : i32
    %get3A_271 = arith.constant 512 : index
    %get3A_272 = arith.constant 640 : index
    %get3A_273 = vector.load %arg8[%get3A_271, %get3A_272] : memref<1024x1024xf32, #tpu.memory_space<vmem>>, vector<128x384xf32>
    %gt3A_274 = arith.constant 6.000000e-01 : f32
    %gt3A_275 = vector.broadcast %gt3A_274 : f32 to vector<128x384xf32>
    %gt3A_276 = arith.cmpf ogt, %get3A_273, %gt3A_275 : vector<128x384xf32>
    %convert_element_type3A_277 = arith.extui %gt3A_276 : vector<128x384xi1> to vector<128x384xi32>
    %convert_element_type3A_278 = arith.sitofp %convert_element_type3A_277 : vector<128x384xi32> to vector<128x384xf32>
    %dot_general3A_279 = arith.constant dense<0.000000e+00> : vector<1x384xf32>
    %dot_general3A_280 = tpu.matmul %scan3A_269, %convert_element_type3A_278, %dot_general3A_279 {dimension_numbers = #tpu.dot_dimension_numbers<[1], [0], [0], [1], [0, 0, 1, 1], [], []>, transpose_lhs_hint = false} : vector<1x128xf32>, vector<128x384xf32>, vector<1x384xf32> -> vector<1x384xf32>
    %gt3A_281 = arith.constant 5.000000e-01 : f32
    %gt3A_282 = vector.broadcast %gt3A_281 : f32 to vector<1x384xf32>
    %gt3A_283 = arith.cmpf ogt, %dot_general3A_280, %gt3A_282 : vector<1x384xf32>
    %slice3A_284 = vector.extract_strided_slice %concatenate3A_263 {offsets = [0, 640], sizes = [1, 384], strides = [1, 1]} : vector<1x1024xf32> to vector<1x384xf32>
    %jit3A_285 = arith.constant 0.000000e+00 : f32
    %broadcast_in_dim3A_286 = vector.broadcast %jit3A_285 : f32 to vector<1x384xf32>
    %select_n3A_287 = arith.select %gt3A_283, %broadcast_in_dim3A_286, %slice3A_284 : vector<1x384xi1>, vector<1x384xf32>
    %concatenate3A_288 = tpu.concatenate %scan3A_169, %scan3A_194, %scan3A_219, %scan3A_244, %scan3A_269, %select_n3A_287 in 1 : vector<1x128xf32>, vector<1x128xf32>, vector<1x128xf32>, vector<1x128xf32>, vector<1x128xf32>, vector<1x384xf32> -> vector<1x1024xf32>
    %slice3A_289 = vector.extract_strided_slice %concatenate3A_288 {offsets = [0, 640], sizes = [1, 128], strides = [1, 1]} : vector<1x1024xf32> to vector<1x128xf32>
    %scan3A_290 = arith.constant 0 : i32
    %scan3A_291 = arith.constant 128 : i32
    %scan3A_292 = arith.addi %scan3A_290, %scan3A_291 : i32
    %scan3A_293 = arith.constant 1 : i32
    %scan3A_294 = scf.for %scan3A_440 = %scan3A_290 to %scan3A_292 step %scan3A_293 iter_args(%scan3A_441 = %slice3A_289) -> (vector<1x128xf32>)  : i32 {
      %add3A_442 = arith.constant 640 : i32
      %add3A_443 = arith.addi %add3A_442, %scan3A_440 : i32
      %get3A_444 = arith.index_cast %add3A_443 : i32 to index
      %get3A_445 = arith.constant 0 : index
      %get3A_446 = vector.load %arg8[%get3A_444, %get3A_445] : memref<1024x1024xf32, #tpu.memory_space<vmem>>, vector<1x1024xf32>
      %slice3A_447 = vector.extract_strided_slice %get3A_446 {offsets = [0, 640], sizes = [1, 128], strides = [1, 1]} : vector<1x1024xf32> to vector<1x128xf32>
      %eq3A_448 = vector.broadcast %scan3A_440 : i32 to vector<1x128xi32>
      %eq3A_449 = arith.cmpi eq, %iota3A_161, %eq3A_448 : vector<1x128xi32>
      %jit3A_450 = arith.constant 0.000000e+00 : f32
      %broadcast_in_dim3A_451 = vector.broadcast %jit3A_450 : f32 to vector<1x128xf32>
      %select_n3A_452 = arith.select %eq3A_449, %scan3A_441, %broadcast_in_dim3A_451 : vector<1x128xi1>, vector<1x128xf32>
      %reduce_max3A = vector.shape_cast %select_n3A_452 : vector<1x128xf32> to vector<1x1x128xf32>
      %reduce_max3A_453 = arith.constant dense<0xFF800000> : vector<1xf32>
      %reduce_max3A_454 = vector.multi_reduction <maximumf>, %reduce_max3A, %reduce_max3A_453 [1, 2] : vector<1x1x128xf32> to vector<1xf32>
      %reduce_max3A_455 = vector.shape_cast %reduce_max3A_454 : vector<1xf32> to vector<1x1x1xf32>
      %reduce_max3A_456 = vector.extract %reduce_max3A_455[0, 0, 0] : f32 from vector<1x1x1xf32>
      %gt3A_457 = arith.constant 6.000000e-01 : f32
      %gt3A_458 = vector.broadcast %gt3A_457 : f32 to vector<1x128xf32>
      %gt3A_459 = arith.cmpf ogt, %slice3A_447, %gt3A_458 : vector<1x128xf32>
      %gt3A_460 = vector.broadcast %scan3A_440 : i32 to vector<1x128xi32>
      %gt3A_461 = arith.cmpi sgt, %iota3A_161, %gt3A_460 : vector<1x128xi32>
      %and3A_462 = arith.andi %gt3A_459, %gt3A_461 : vector<1x128xi1>
      %gt3A_463 = arith.constant 5.000000e-01 : f32
      %gt3A_464 = arith.cmpf ogt, %reduce_max3A_456, %gt3A_463 : f32
      %and3A_465 = vector.broadcast %gt3A_464 : i1 to vector<1x128xi1>
      %and3A_466 = arith.andi %and3A_462, %and3A_465 : vector<1x128xi1>
      %jit3A_467 = arith.constant 0.000000e+00 : f32
      %broadcast_in_dim3A_468 = vector.broadcast %jit3A_467 : f32 to vector<1x128xf32>
      %select_n3A_469 = arith.select %and3A_466, %broadcast_in_dim3A_468, %scan3A_441 : vector<1x128xi1>, vector<1x128xf32>
      scf.yield %select_n3A_469 : vector<1x128xf32>
    }
    %scan3A_295 = arith.constant 128 : i32
    %get3A_296 = arith.constant 640 : index
    %get3A_297 = arith.constant 768 : index
    %get3A_298 = vector.load %arg8[%get3A_296, %get3A_297] : memref<1024x1024xf32, #tpu.memory_space<vmem>>, vector<128x256xf32>
    %gt3A_299 = arith.constant 6.000000e-01 : f32
    %gt3A_300 = vector.broadcast %gt3A_299 : f32 to vector<128x256xf32>
    %gt3A_301 = arith.cmpf ogt, %get3A_298, %gt3A_300 : vector<128x256xf32>
    %convert_element_type3A_302 = arith.extui %gt3A_301 : vector<128x256xi1> to vector<128x256xi32>
    %convert_element_type3A_303 = arith.sitofp %convert_element_type3A_302 : vector<128x256xi32> to vector<128x256xf32>
    %dot_general3A_304 = arith.constant dense<0.000000e+00> : vector<1x256xf32>
    %dot_general3A_305 = tpu.matmul %scan3A_294, %convert_element_type3A_303, %dot_general3A_304 {dimension_numbers = #tpu.dot_dimension_numbers<[1], [0], [0], [1], [0, 0, 1, 1], [], []>, transpose_lhs_hint = false} : vector<1x128xf32>, vector<128x256xf32>, vector<1x256xf32> -> vector<1x256xf32>
    %gt3A_306 = arith.constant 5.000000e-01 : f32
    %gt3A_307 = vector.broadcast %gt3A_306 : f32 to vector<1x256xf32>
    %gt3A_308 = arith.cmpf ogt, %dot_general3A_305, %gt3A_307 : vector<1x256xf32>
    %slice3A_309 = vector.extract_strided_slice %concatenate3A_288 {offsets = [0, 768], sizes = [1, 256], strides = [1, 1]} : vector<1x1024xf32> to vector<1x256xf32>
    %jit3A_310 = arith.constant 0.000000e+00 : f32
    %broadcast_in_dim3A_311 = vector.broadcast %jit3A_310 : f32 to vector<1x256xf32>
    %select_n3A_312 = arith.select %gt3A_308, %broadcast_in_dim3A_311, %slice3A_309 : vector<1x256xi1>, vector<1x256xf32>
    %concatenate3A_313 = tpu.concatenate %scan3A_169, %scan3A_194, %scan3A_219, %scan3A_244, %scan3A_269, %scan3A_294, %select_n3A_312 in 1 : vector<1x128xf32>, vector<1x128xf32>, vector<1x128xf32>, vector<1x128xf32>, vector<1x128xf32>, vector<1x128xf32>, vector<1x256xf32> -> vector<1x1024xf32>
    %slice3A_314 = vector.extract_strided_slice %concatenate3A_313 {offsets = [0, 768], sizes = [1, 128], strides = [1, 1]} : vector<1x1024xf32> to vector<1x128xf32>
    %scan3A_315 = arith.constant 0 : i32
    %scan3A_316 = arith.constant 128 : i32
    %scan3A_317 = arith.addi %scan3A_315, %scan3A_316 : i32
    %scan3A_318 = arith.constant 1 : i32
    %scan3A_319 = scf.for %scan3A_440 = %scan3A_315 to %scan3A_317 step %scan3A_318 iter_args(%scan3A_441 = %slice3A_314) -> (vector<1x128xf32>)  : i32 {
      %add3A_442 = arith.constant 768 : i32
      %add3A_443 = arith.addi %add3A_442, %scan3A_440 : i32
      %get3A_444 = arith.index_cast %add3A_443 : i32 to index
      %get3A_445 = arith.constant 0 : index
      %get3A_446 = vector.load %arg8[%get3A_444, %get3A_445] : memref<1024x1024xf32, #tpu.memory_space<vmem>>, vector<1x1024xf32>
      %slice3A_447 = vector.extract_strided_slice %get3A_446 {offsets = [0, 768], sizes = [1, 128], strides = [1, 1]} : vector<1x1024xf32> to vector<1x128xf32>
      %eq3A_448 = vector.broadcast %scan3A_440 : i32 to vector<1x128xi32>
      %eq3A_449 = arith.cmpi eq, %iota3A_161, %eq3A_448 : vector<1x128xi32>
      %jit3A_450 = arith.constant 0.000000e+00 : f32
      %broadcast_in_dim3A_451 = vector.broadcast %jit3A_450 : f32 to vector<1x128xf32>
      %select_n3A_452 = arith.select %eq3A_449, %scan3A_441, %broadcast_in_dim3A_451 : vector<1x128xi1>, vector<1x128xf32>
      %reduce_max3A = vector.shape_cast %select_n3A_452 : vector<1x128xf32> to vector<1x1x128xf32>
      %reduce_max3A_453 = arith.constant dense<0xFF800000> : vector<1xf32>
      %reduce_max3A_454 = vector.multi_reduction <maximumf>, %reduce_max3A, %reduce_max3A_453 [1, 2] : vector<1x1x128xf32> to vector<1xf32>
      %reduce_max3A_455 = vector.shape_cast %reduce_max3A_454 : vector<1xf32> to vector<1x1x1xf32>
      %reduce_max3A_456 = vector.extract %reduce_max3A_455[0, 0, 0] : f32 from vector<1x1x1xf32>
      %gt3A_457 = arith.constant 6.000000e-01 : f32
      %gt3A_458 = vector.broadcast %gt3A_457 : f32 to vector<1x128xf32>
      %gt3A_459 = arith.cmpf ogt, %slice3A_447, %gt3A_458 : vector<1x128xf32>
      %gt3A_460 = vector.broadcast %scan3A_440 : i32 to vector<1x128xi32>
      %gt3A_461 = arith.cmpi sgt, %iota3A_161, %gt3A_460 : vector<1x128xi32>
      %and3A_462 = arith.andi %gt3A_459, %gt3A_461 : vector<1x128xi1>
      %gt3A_463 = arith.constant 5.000000e-01 : f32
      %gt3A_464 = arith.cmpf ogt, %reduce_max3A_456, %gt3A_463 : f32
      %and3A_465 = vector.broadcast %gt3A_464 : i1 to vector<1x128xi1>
      %and3A_466 = arith.andi %and3A_462, %and3A_465 : vector<1x128xi1>
      %jit3A_467 = arith.constant 0.000000e+00 : f32
      %broadcast_in_dim3A_468 = vector.broadcast %jit3A_467 : f32 to vector<1x128xf32>
      %select_n3A_469 = arith.select %and3A_466, %broadcast_in_dim3A_468, %scan3A_441 : vector<1x128xi1>, vector<1x128xf32>
      scf.yield %select_n3A_469 : vector<1x128xf32>
    }
    %scan3A_320 = arith.constant 128 : i32
    %get3A_321 = arith.constant 768 : index
    %get3A_322 = arith.constant 896 : index
    %get3A_323 = vector.load %arg8[%get3A_321, %get3A_322] : memref<1024x1024xf32, #tpu.memory_space<vmem>>, vector<128x128xf32>
    %gt3A_324 = arith.constant 6.000000e-01 : f32
    %gt3A_325 = vector.broadcast %gt3A_324 : f32 to vector<128x128xf32>
    %gt3A_326 = arith.cmpf ogt, %get3A_323, %gt3A_325 : vector<128x128xf32>
    %convert_element_type3A_327 = arith.extui %gt3A_326 : vector<128x128xi1> to vector<128x128xi32>
    %convert_element_type3A_328 = arith.sitofp %convert_element_type3A_327 : vector<128x128xi32> to vector<128x128xf32>
    %dot_general3A_329 = arith.constant dense<0.000000e+00> : vector<1x128xf32>
    %dot_general3A_330 = tpu.matmul %scan3A_319, %convert_element_type3A_328, %dot_general3A_329 {dimension_numbers = #tpu.dot_dimension_numbers<[1], [0], [0], [1], [0, 0, 1, 1], [], []>, transpose_lhs_hint = false} : vector<1x128xf32>, vector<128x128xf32>, vector<1x128xf32> -> vector<1x128xf32>
    %gt3A_331 = arith.constant 5.000000e-01 : f32
    %gt3A_332 = vector.broadcast %gt3A_331 : f32 to vector<1x128xf32>
    %gt3A_333 = arith.cmpf ogt, %dot_general3A_330, %gt3A_332 : vector<1x128xf32>
    %slice3A_334 = vector.extract_strided_slice %concatenate3A_313 {offsets = [0, 896], sizes = [1, 128], strides = [1, 1]} : vector<1x1024xf32> to vector<1x128xf32>
    %jit3A_335 = arith.constant 0.000000e+00 : f32
    %broadcast_in_dim3A_336 = vector.broadcast %jit3A_335 : f32 to vector<1x128xf32>
    %select_n3A_337 = arith.select %gt3A_333, %broadcast_in_dim3A_336, %slice3A_334 : vector<1x128xi1>, vector<1x128xf32>
    %concatenate3A_338 = tpu.concatenate %scan3A_169, %scan3A_194, %scan3A_219, %scan3A_244, %scan3A_269, %scan3A_294, %scan3A_319, %select_n3A_337 in 1 : vector<1x128xf32>, vector<1x128xf32>, vector<1x128xf32>, vector<1x128xf32>, vector<1x128xf32>, vector<1x128xf32>, vector<1x128xf32>, vector<1x128xf32> -> vector<1x1024xf32>
    %slice3A_339 = vector.extract_strided_slice %concatenate3A_338 {offsets = [0, 896], sizes = [1, 128], strides = [1, 1]} : vector<1x1024xf32> to vector<1x128xf32>
    %scan3A_340 = arith.constant 0 : i32
    %scan3A_341 = arith.constant 128 : i32
    %scan3A_342 = arith.addi %scan3A_340, %scan3A_341 : i32
    %scan3A_343 = arith.constant 1 : i32
    %scan3A_344 = scf.for %scan3A_440 = %scan3A_340 to %scan3A_342 step %scan3A_343 iter_args(%scan3A_441 = %slice3A_339) -> (vector<1x128xf32>)  : i32 {
      %add3A_442 = arith.constant 896 : i32
      %add3A_443 = arith.addi %add3A_442, %scan3A_440 : i32
      %get3A_444 = arith.index_cast %add3A_443 : i32 to index
      %get3A_445 = arith.constant 0 : index
      %get3A_446 = vector.load %arg8[%get3A_444, %get3A_445] : memref<1024x1024xf32, #tpu.memory_space<vmem>>, vector<1x1024xf32>
      %slice3A_447 = vector.extract_strided_slice %get3A_446 {offsets = [0, 896], sizes = [1, 128], strides = [1, 1]} : vector<1x1024xf32> to vector<1x128xf32>
      %eq3A_448 = vector.broadcast %scan3A_440 : i32 to vector<1x128xi32>
      %eq3A_449 = arith.cmpi eq, %iota3A_161, %eq3A_448 : vector<1x128xi32>
      %jit3A_450 = arith.constant 0.000000e+00 : f32
      %broadcast_in_dim3A_451 = vector.broadcast %jit3A_450 : f32 to vector<1x128xf32>
      %select_n3A_452 = arith.select %eq3A_449, %scan3A_441, %broadcast_in_dim3A_451 : vector<1x128xi1>, vector<1x128xf32>
      %reduce_max3A = vector.shape_cast %select_n3A_452 : vector<1x128xf32> to vector<1x1x128xf32>
      %reduce_max3A_453 = arith.constant dense<0xFF800000> : vector<1xf32>
      %reduce_max3A_454 = vector.multi_reduction <maximumf>, %reduce_max3A, %reduce_max3A_453 [1, 2] : vector<1x1x128xf32> to vector<1xf32>
      %reduce_max3A_455 = vector.shape_cast %reduce_max3A_454 : vector<1xf32> to vector<1x1x1xf32>
      %reduce_max3A_456 = vector.extract %reduce_max3A_455[0, 0, 0] : f32 from vector<1x1x1xf32>
      %gt3A_457 = arith.constant 6.000000e-01 : f32
      %gt3A_458 = vector.broadcast %gt3A_457 : f32 to vector<1x128xf32>
      %gt3A_459 = arith.cmpf ogt, %slice3A_447, %gt3A_458 : vector<1x128xf32>
      %gt3A_460 = vector.broadcast %scan3A_440 : i32 to vector<1x128xi32>
      %gt3A_461 = arith.cmpi sgt, %iota3A_161, %gt3A_460 : vector<1x128xi32>
      %and3A_462 = arith.andi %gt3A_459, %gt3A_461 : vector<1x128xi1>
      %gt3A_463 = arith.constant 5.000000e-01 : f32
      %gt3A_464 = arith.cmpf ogt, %reduce_max3A_456, %gt3A_463 : f32
      %and3A_465 = vector.broadcast %gt3A_464 : i1 to vector<1x128xi1>
      %and3A_466 = arith.andi %and3A_462, %and3A_465 : vector<1x128xi1>
      %jit3A_467 = arith.constant 0.000000e+00 : f32
      %broadcast_in_dim3A_468 = vector.broadcast %jit3A_467 : f32 to vector<1x128xf32>
      %select_n3A_469 = arith.select %and3A_466, %broadcast_in_dim3A_468, %scan3A_441 : vector<1x128xi1>, vector<1x128xf32>
      scf.yield %select_n3A_469 : vector<1x128xf32>
    }
    %scan3A_345 = arith.constant 128 : i32
    %concatenate3A_346 = tpu.concatenate %scan3A_169, %scan3A_194, %scan3A_219, %scan3A_244, %scan3A_269, %scan3A_294, %scan3A_319, %scan3A_344 in 1 : vector<1x128xf32>, vector<1x128xf32>, vector<1x128xf32>, vector<1x128xf32>, vector<1x128xf32>, vector<1x128xf32>, vector<1x128xf32>, vector<1x128xf32> -> vector<1x1024xf32>
    %gt3A_347 = arith.constant 5.000000e-01 : f32
    %gt3A_348 = vector.broadcast %gt3A_347 : f32 to vector<1x1024xf32>
    %gt3A_349 = arith.cmpf ogt, %concatenate3A_346, %gt3A_348 : vector<1x1024xf32>
    %jit3A_350 = arith.constant -1.000000e+00 : f32
    %broadcast_in_dim3A_351 = vector.broadcast %jit3A_350 : f32 to vector<1x1024xf32>
    %select_n3A_352 = arith.select %gt3A_349, %mul3A_112, %broadcast_in_dim3A_351 : vector<1x1024xi1>, vector<1x1024xf32>
    %dot_general3A_353 = arith.constant dense<0.000000e+00> : vector<1024x1xf32>
    %dot_general3A_354 = tpu.matmul %convert_element_type3A_3, %select_n3A_352, %dot_general3A_353 {dimension_numbers = #tpu.dot_dimension_numbers<[1], [1], [0], [0], [0, 0, 1, 0], [], []>, precision = #tpu.contract_precision<fp32>, transpose_lhs_hint = false} : vector<1024x1024xf32>, vector<1x1024xf32>, vector<1024x1xf32> -> vector<1024x1xf32>
    %gt3A_355 = vector.broadcast %select_n3A_352 : vector<1x1024xf32> to vector<1024x1024xf32>
    %gt3A_356 = vector.broadcast %dot_general3A_354 : vector<1024x1xf32> to vector<1024x1024xf32>
    %gt3A_357 = arith.cmpf ogt, %gt3A_355, %gt3A_356 : vector<1024x1024xf32>
    %eq3A_358 = vector.broadcast %select_n3A_352 : vector<1x1024xf32> to vector<1024x1024xf32>
    %eq3A_359 = vector.broadcast %dot_general3A_354 : vector<1024x1xf32> to vector<1024x1024xf32>
    %eq3A_360 = arith.cmpf oeq, %eq3A_358, %eq3A_359 : vector<1024x1024xf32>
    %lt3A_361 = vector.broadcast %iota3A_0 : vector<1x1024xi32> to vector<1024x1024xi32>
    %lt3A_362 = vector.broadcast %iota3A : vector<1024x1xi32> to vector<1024x1024xi32>
    %lt3A_363 = arith.cmpi slt, %lt3A_361, %lt3A_362 : vector<1024x1024xi32>
    %and3A_364 = arith.andi %eq3A_360, %lt3A_363 : vector<1024x1024xi1>
    %or3A = arith.ori %gt3A_357, %and3A_364 : vector<1024x1024xi1>
    %convert_element_type3A_365 = arith.extui %or3A : vector<1024x1024xi1> to vector<1024x1024xi32>
    %convert_element_type3A_366 = arith.sitofp %convert_element_type3A_365 : vector<1024x1024xi32> to vector<1024x1024xf32>
    %reduce_sum3A = arith.constant dense<0.000000e+00> : vector<1024xf32>
    %reduce_sum3A_367 = vector.multi_reduction <add>, %convert_element_type3A_366, %reduce_sum3A [1] : vector<1024x1024xf32> to vector<1024xf32>
    %broadcast_in_dim3A_368 = vector.shape_cast %reduce_sum3A_367 : vector<1024xf32> to vector<1024x1xf32>
    %iota3A_369 = tpu.iota {dimensions = array<i32: 1>} : vector<1x128xi32>
    %convert_element_type3A_370 = arith.sitofp %iota3A_369 : vector<1x128xi32> to vector<1x128xf32>
    %eq3A_371 = vector.broadcast %broadcast_in_dim3A_368 : vector<1024x1xf32> to vector<1024x128xf32>
    %eq3A_372 = vector.broadcast %convert_element_type3A_370 : vector<1x128xf32> to vector<1024x128xf32>
    %eq3A_373 = arith.cmpf oeq, %eq3A_371, %eq3A_372 : vector<1024x128xf32>
    %convert_element_type3A_374 = arith.extui %eq3A_373 : vector<1024x128xi1> to vector<1024x128xi32>
    %convert_element_type3A_375 = arith.sitofp %convert_element_type3A_374 : vector<1024x128xi32> to vector<1024x128xf32>
    %concatenate3A_376 = tpu.concatenate %dot_general3A_354, %add3A_82, %convert_element_type3A_23 in 1 : vector<1024x1xf32>, vector<1024x4xf32>, vector<1024x1xf32> -> vector<1024x6xf32>
    %dot_general3A_377 = arith.constant dense<0.000000e+00> : vector<128x6xf32>
    %dot_general3A_378 = tpu.matmul %convert_element_type3A_375, %concatenate3A_376, %dot_general3A_377 {dimension_numbers = #tpu.dot_dimension_numbers<[0], [0], [1], [1], [0, 1, 1, 1], [], []>, precision = #tpu.contract_precision<fp32>, transpose_lhs_hint = false} : vector<1024x128xf32>, vector<1024x6xf32>, vector<128x6xf32> -> vector<128x6xf32>
    %slice3A_379 = vector.extract_strided_slice %dot_general3A_378 {offsets = [0, 0], sizes = [128, 1], strides = [1, 1]} : vector<128x6xf32> to vector<128x1xf32>
    %slice3A_380 = vector.extract_strided_slice %dot_general3A_378 {offsets = [0, 1], sizes = [128, 4], strides = [1, 1]} : vector<128x6xf32> to vector<128x4xf32>
    %slice3A_381 = vector.extract_strided_slice %dot_general3A_378 {offsets = [0, 5], sizes = [128, 1], strides = [1, 1]} : vector<128x6xf32> to vector<128x1xf32>
    %gt3A_382 = arith.constant 0.000000e+00 : f32
    %gt3A_383 = vector.broadcast %gt3A_382 : f32 to vector<128x1xf32>
    %gt3A_384 = arith.cmpf ogt, %slice3A_379, %gt3A_383 : vector<128x1xf32>
    %slice3A_385 = vector.extract_strided_slice %slice3A_380 {offsets = [0, 0], sizes = [128, 1], strides = [1, 1]} : vector<128x4xf32> to vector<128x1xf32>
    %jit3A_386 = arith.constant 0.000000e+00 : f32
    %jit3A_387 = arith.constant 1.024000e+03 : f32
    %max3A_388 = vector.broadcast %jit3A_386 : f32 to vector<128x1xf32>
    %max3A_389 = arith.maximumf %max3A_388, %slice3A_385 : vector<128x1xf32>
    %min3A = vector.broadcast %jit3A_387 : f32 to vector<128x1xf32>
    %min3A_390 = arith.minimumf %min3A, %max3A_389 : vector<128x1xf32>
    %slice3A_391 = vector.extract_strided_slice %slice3A_380 {offsets = [0, 1], sizes = [128, 1], strides = [1, 1]} : vector<128x4xf32> to vector<128x1xf32>
    %jit3A_392 = arith.constant 0.000000e+00 : f32
    %jit3A_393 = arith.constant 1.024000e+03 : f32
    %max3A_394 = vector.broadcast %jit3A_392 : f32 to vector<128x1xf32>
    %max3A_395 = arith.maximumf %max3A_394, %slice3A_391 : vector<128x1xf32>
    %min3A_396 = vector.broadcast %jit3A_393 : f32 to vector<128x1xf32>
    %min3A_397 = arith.minimumf %min3A_396, %max3A_395 : vector<128x1xf32>
    %slice3A_398 = vector.extract_strided_slice %slice3A_380 {offsets = [0, 2], sizes = [128, 1], strides = [1, 1]} : vector<128x4xf32> to vector<128x1xf32>
    %jit3A_399 = arith.constant 0.000000e+00 : f32
    %jit3A_400 = arith.constant 1.024000e+03 : f32
    %max3A_401 = vector.broadcast %jit3A_399 : f32 to vector<128x1xf32>
    %max3A_402 = arith.maximumf %max3A_401, %slice3A_398 : vector<128x1xf32>
    %min3A_403 = vector.broadcast %jit3A_400 : f32 to vector<128x1xf32>
    %min3A_404 = arith.minimumf %min3A_403, %max3A_402 : vector<128x1xf32>
    %slice3A_405 = vector.extract_strided_slice %slice3A_380 {offsets = [0, 3], sizes = [128, 1], strides = [1, 1]} : vector<128x4xf32> to vector<128x1xf32>
    %jit3A_406 = arith.constant 0.000000e+00 : f32
    %jit3A_407 = arith.constant 1.024000e+03 : f32
    %max3A_408 = vector.broadcast %jit3A_406 : f32 to vector<128x1xf32>
    %max3A_409 = arith.maximumf %max3A_408, %slice3A_405 : vector<128x1xf32>
    %min3A_410 = vector.broadcast %jit3A_407 : f32 to vector<128x1xf32>
    %min3A_411 = arith.minimumf %min3A_410, %max3A_409 : vector<128x1xf32>
    %sub3A_412 = arith.subf %min3A_404, %min3A_390 : vector<128x1xf32>
    %ge3A = arith.constant 0.000000e+00 : f32
    %ge3A_413 = vector.broadcast %ge3A : f32 to vector<128x1xf32>
    %ge3A_414 = arith.cmpf oge, %sub3A_412, %ge3A_413 : vector<128x1xf32>
    %sub3A_415 = arith.subf %min3A_411, %min3A_397 : vector<128x1xf32>
    %ge3A_416 = arith.constant 0.000000e+00 : f32
    %ge3A_417 = vector.broadcast %ge3A_416 : f32 to vector<128x1xf32>
    %ge3A_418 = arith.cmpf oge, %sub3A_415, %ge3A_417 : vector<128x1xf32>
    %and3A_419 = arith.andi %ge3A_414, %ge3A_418 : vector<128x1xi1>
    %and3A_420 = arith.andi %gt3A_384, %and3A_419 : vector<128x1xi1>
    %convert_element_type3A_421 = arith.extui %and3A_420 : vector<128x1xi1> to vector<128x1xi32>
    %convert_element_type3A_422 = arith.sitofp %convert_element_type3A_421 : vector<128x1xi32> to vector<128x1xf32>
    %max3A_423 = arith.constant 0.000000e+00 : f32
    %max3A_424 = vector.broadcast %max3A_423 : f32 to vector<128x1xf32>
    %max3A_425 = arith.maximumf %slice3A_379, %max3A_424 : vector<128x1xf32>
    %mul3A_426 = arith.mulf %max3A_425, %convert_element_type3A_422 : vector<128x1xf32>
    %swap3A_427 = arith.constant 0 : index
    %swap3A_428 = arith.constant 0 : index
    %swap3A_429 = vector.load %arg6[%swap3A_427, %swap3A_428] : memref<128x1xf32, #tpu.memory_space<vmem>>, vector<128x1xf32>
    tpu.vector_store %arg6[%swap3A_427, %swap3A_428], %mul3A_426 {strides = array<i32>} : memref<128x1xf32, #tpu.memory_space<vmem>>, vector<128x1xf32>,
    %concatenate3A_430 = tpu.concatenate %min3A_390, %min3A_397, %min3A_404, %min3A_411 in 1 : vector<128x1xf32>, vector<128x1xf32>, vector<128x1xf32>, vector<128x1xf32> -> vector<128x4xf32>
    %mul3A_431 = vector.broadcast %convert_element_type3A_422 : vector<128x1xf32> to vector<128x4xf32>
    %mul3A_432 = arith.mulf %concatenate3A_430, %mul3A_431 : vector<128x4xf32>
    %swap3A_433 = arith.constant 0 : index
    %swap3A_434 = arith.constant 0 : index
    %swap3A_435 = vector.load %arg5[%swap3A_433, %swap3A_434] : memref<128x4xf32, #tpu.memory_space<vmem>>, vector<128x4xf32>
    tpu.vector_store %arg5[%swap3A_433, %swap3A_434], %mul3A_432 {strides = array<i32>} : memref<128x4xf32, #tpu.memory_space<vmem>>, vector<128x4xf32>,
    %mul3A_436 = arith.mulf %slice3A_381, %convert_element_type3A_422 : vector<128x1xf32>
    %swap3A_437 = arith.constant 0 : index
    %swap3A_438 = arith.constant 0 : index
    %swap3A_439 = vector.load %arg7[%swap3A_437, %swap3A_438] : memref<128x1xf32, #tpu.memory_space<vmem>>, vector<128x1xf32>
    tpu.vector_store %arg7[%swap3A_437, %swap3A_438], %mul3A_436 {strides = array<i32>} : memref<128x1xf32, #tpu.memory_space<vmem>>, vector<128x1xf32>,
    return
  }
}

</mosaic_0001>

<sc_bundles>
// kernel: kernel.5.cloned.1.call-start
scs
__scs_entry_jumppad:
0x0: {  	(pc) =	sbr.rel $0x88, $3  }
0x1: {  	(tag) =	ssettag $0x0;
	lr =	simm.s32 $0x1  }
0x2: {  	[smem:$0x3F9C] =	sst lr;
	_ =	strace $0xD0000000  }
0x3: {  	_ = 	snop  }
0x4: {  	_ = 	snop  }
0x5: {  	_ = 	snop  }
0x6: {  	_ = 	snop  }
0x7: {  	_ = 	snop  }
__scs_overlays_trampoline_lowered:
0x8: {  	[smem:$0x3FAB] =	sst s0  }
0x9: {  	[smem:$0x3FAC] =	sst s1  }
0xa: {  	[smem:$0x3FAD] =	sst s2  }
0xb: {  	[smem:$0x3FAE] =	sst s3  }
0xc: {  	[smem:$0x3FAF] =	sst s4  }
0xd: {  	[smem:$0x3FB0] =	sst s5  }
0xe: {  	[smem:$0x3FB1] =	sst s6  }
0xf: {  	[smem:$0x3FB2] =	sst s7  }
0x10: {  	[smem:$0x3FB3] =	sst s8  }
0x11: {  	[smem:$0x3FB4] =	sst s9;
	s0 =	simm.s32 @!p0 $0x0  }
0x12: {  	s1 =	sld [smem:$0x3F9A];
	s0 =	simm.s32 @p0 $0x1  }
0x13: {  	[smem:$0x3FB5] =	sst s0;
	s0 =	simm.s32 @!p1 $0x0  }
0x14: {  	s2 =	sld [smem:$0x3F99];
	s0 =	simm.s32 @p1 $0x1  }
0x15: {  	[smem:$0x3FB6] =	sst s0;
	s0 =	simm.s32 @!p2 $0x0  }
0x16: {  	s3 =	sld [smem:$0x3FDB];
	s0 =	simm.s32 @p2 $0x1  }
0x17: {  	s4 =	simm.s32 $0x1BF5;
	[smem:$0x3FB8] =	sst s0  }
0x18: {  	s0 =	sld [smem:$0x3F9B];
	_ =	swait.ge [sflag:s4], $0x0  }
0x19: {  	s7 =	sld [smem:$0x3F9C]  }
0x1a: {  	s8 =	sadd.s32 $0xFFFFE003, lr  }
0x1b: {  	s9 =	sadd.s32 $0xFFFFFEF7, lr;
	s5 =	simm.s32 $0xFFFFFFFF;
	p2 =	slt.u32 s8, $0xFFFFF086  }
0x1c: {  	p1 =	slt.u32 s9, $0xF7A;
	s5 =	simm.s32 @!p2 $0x0  }
0x1d: {  	s5 =	simm.s32 @p1 $0x1;
	p0 =	seq.s32 s7, s2  }
0x1e: {  	s7 =	smul.u32 @!p0 $0xF7A, s2;
	p2 =	seq.s32 @!p0 s5, $0x0  }
0x1f: {  	s9 =	smul.u32 $0xF7A, s1;
	s8 =	simm.s32 @!p0 $0x1BF5;
	p2 =	por !p2, p0  }
0x20: {  	[sflag:s8] =	ssyncset.s32 @!p0 $0xFFFFF086;
	s6 =	sadd.s32 @!p0 s3, s7;
	s7 =	simm.s32 @!p0 $0x108  }
0x21: {  	s3 =	sadd.s32 s3, s9;
	s6 =	sadd.s32 @!p0 $0x88, s6;
	s7 =	simm.s32 @p2 $0x1082  }
0x22: {  	[simem:s7], [sflag:s8] =	dma.local @!p0 [hbm:s6], $0xF7A  }
0x23: {  	s9 =	sor.u32 $0xD0000000, s2;
	s6 =	simm.s32 $0x108;
	_ =	swait.ge @!p0 [sflag:s8], $0x0  }
0x24: {  	s3 =	sadd.s32 $0x88, s3;
	s6 =	simm.s32 @!p1 $0x1082;
	[sflag:s4] =	ssyncset.s32 $0xFFFFF086  }
0x25: {  	[simem:s6], [sflag:s4] =	dma.local [hbm:s3], $0xF7A  }
0x26: {  	[smem:$0x3F9C] =	sst s1;
	(tag) =	ssettag s2;
	_ =	strace s9  }
0x27: {  	s1 =	sld [smem:$0x3FAC]  }
0x28: {  	s2 =	sld [smem:$0x3FAD]  }
0x29: {  	s4 =	sld [smem:$0x3FAF]  }
0x2a: {  	p0 =	seq.s32 s5, $0x0;
	s5 =	sld [smem:$0x3FB0]  }
0x2b: {  	s6 =	sld [smem:$0x3FB1]  }
0x2c: {  	s7 =	sld [smem:$0x3FB2]  }
0x2d: {  	s3 =	simm.s32 $0x108;
	s8 =	sld [smem:$0x3FB3]  }
0x2e: {  	s3 =	simm.s32 @!p0 $0x1082;
	s9 =	sld [smem:$0x3FB4]  }
0x2f: {  	lr =	sadd.s32 s0, s3;
	s0 =	sld [smem:$0x3FAB]  }
0x30: {  	s3 =	sld [smem:$0x3FAE]  }
0x31: {  	[smem:$0x3FB7] =	sst s10  }
0x32: {  	s10 =	sld [smem:$0x3FB5];
	_ =	sdelay $0x3  }
0x33: {  	p0 =	seq.s32 s10, $0x1;
	s10 =	sld [smem:$0x3FB7];
	_ =	sdelay $0x3  }
0x34: {  	[smem:$0x3FB7] =	sst s10  }
0x35: {  	s10 =	sld [smem:$0x3FB6];
	_ =	sdelay $0x3  }
0x36: {  	p1 =	seq.s32 s10, $0x1;
	s10 =	sld [smem:$0x3FB7];
	_ =	sdelay $0x3  }
0x37: {  	[smem:$0x3FB7] =	sst s10  }
0x38: {  	s10 =	sld [smem:$0x3FB8]  }
0x39: {  	_ = 	snop;
	(pc) =	sbr.ind lr, $3  }
0x3a: {  	_ = 	snop  }
0x3b: {  	_ = 	snop  }
0x3c: {  	p2 =	seq.s32 s10, $0x1;
	s10 =	sld [smem:$0x3FB7]  }
0x3d: {  	_ =	shalt  }
0x3e: {  	_ =	shalt  }
0x3f: {  	_ =	shalt  }
0x40: {  	_ =	shalt  }
0x41: {  	_ =	shalt  }
0x42: {  	_ =	shalt  }
0x43: {  	_ =	shalt  }
0x44: {  	_ =	shalt  }
0x45: {  	_ =	shalt  }
0x46: {  	_ =	shalt  }
0x47: {  	_ =	shalt  }
0x48: {  	_ =	shalt  }
0x49: {  	_ =	shalt  }
0x4a: {  	_ =	shalt  }
0x4b: {  	_ =	shalt  }
0x4c: {  	_ =	shalt  }
0x4d: {  	_ =	shalt  }
0x4e: {  	_ =	shalt  }
0x4f: {  	_ =	shalt  }
0x50: {  	_ =	shalt  }
0x51: {  	_ =	shalt  }
0x52: {  	_ =	shalt  }
0x53: {  	_ =	shalt  }
0x54: {  	_ =	shalt  }
0x55: {  	_ =	shalt  }
0x56: {  	_ =	shalt  }
0x57: {  	_ =	shalt  }
0x58: {  	_ =	shalt  }
0x59: {  	_ =	shalt  }
0x5a: {  	_ =	shalt  }
0x5b: {  	_ =	shalt  }
0x5c: {  	_ =	shalt  }
0x5d: {  	_ =	shalt  }
0x5e: {  	_ =	shalt  }
0x5f: {  	_ =	shalt  }
0x60: {  	_ =	shalt  }
0x61: {  	_ =	shalt  }
0x62: {  	_ =	shalt  }
0x63: {  	_ =	shalt  }
0x64: {  	_ =	shalt  }
0x65: {  	_ =	shalt  }
0x66: {  	_ =	shalt  }
0x67: {  	_ =	shalt  }
0x68: {  	_ =	shalt  }
0x69: {  	_ =	shalt  }
0x6a: {  	_ =	shalt  }
0x6b: {  	_ =	shalt  }
0x6c: {  	_ =	shalt  }
0x6d: {  	_ =	shalt  }
0x6e: {  	_ =	shalt  }
0x6f: {  	_ =	shalt  }
0x70: {  	_ =	shalt  }
0x71: {  	_ =	shalt  }
0x72: {  	_ =	shalt  }
0x73: {  	_ =	shalt  }
0x74: {  	_ =	shalt  }
0x75: {  	_ =	shalt  }
0x76: {  	_ =	shalt  }
0x77: {  	_ =	shalt  }
0x78: {  	_ =	shalt  }
0x79: {  	_ =	shalt  }
0x7a: {  	_ =	shalt  }
0x7b: {  	_ =	shalt  }
0x7c: {  	_ =	shalt  }
0x7d: {  	_ =	shalt  }
0x7e: {  	_ =	shalt  }
0x7f: {  	_ =	shalt  }
0x80: {  	_ =	shalt  }
0x81: {  	_ =	shalt  }
0x82: {  	_ =	shalt  }
0x83: {  	_ =	shalt  }
0x84: {  	_ =	shalt  }
0x85: {  	_ =	shalt  }
0x86: {  	_ =	shalt  }
0x87: {  	_ =	shalt  }
.Lfunc_end0:
.L_simem_size_0:
called_computation_lowered:
.L_overlay_start_0:
0x88: {  	s2 =	sld [smem:$0x3FD9]  }
0x89: {  	s3 =	sld [smem:$0x3FFE];
	_ =	sdelay $0x1  }
0x8a: {  	s1 =	srdreg.scid  }
0x8b: {  	s0 =	sand.u32 $0x1, s1  }
0x8c: {  	s16 =	sshll.u32 s0, $0xA;
	s2 =	sadd.s32 s3, s2  }
0x8d: {  	s2 =	sadd.s32 s2, s16  }
0x8e: {  	[smem:$0x3FC3] =	sst s2  }
0x8f: {  	_ = 	snop  }
0x90: {  	(tm) =	ssettm $0x1  }
0x91: {  	s17 =	sld [smem:$0x3FFB];
	_ =	sdelay $0x3  }
0x92: {  	_ =	strace s17  }
0x93: {  	s2 =	sld [smem:$0x3FFC];
	_ =	sdelay $0x3  }
0x94: {  	_ =	strace s2  }
0x95: {  	s2 =	sld [smem:$0x3FFD];
	_ =	sdelay $0x3  }
0x96: {  	_ =	strace s2  }
0x97: {  	_ =	strace $0x8FFFFFFF  }
0x98: {  	s18 =	sld [smem:$0x3FDB];
	_ =	sdelay $0x1  }
0x99: {  	s19 =	simm.s32 $_scs_section_size  }
0x9a: {  	s4 =	simm.s32 $_size__tile_overlayer_lowered;
	s5 =	simm.s32 $_tile_overlayer_lowered  }
0x9b: {  	s22 =	simm.s32 $0x1BFF;
	s21 =	sshll.u32 s5, $0x1;
	s2 =	sadd.s32 s19, s18  }
0x9c: {  	s6 =	simm.s32 $0x0;
	s20 =	sshll.u32 s4, $0x1;
	s4 =	sadd.s32 s21, s2  }
0x9d: {  	[timem:s6], [sflag:s22] =	dma.local [hbm:s4], s20  }
0x9e: {  	_ =	swait.ge [sflag:s22], s20  }
0x9f: {  	s3 =	ssub.s32 $0x0, s20;
	[sflag:s22] =	ssyncset.done $0x0  }
0xa0: {  	[sflag:s22] =	ssyncadd.s32 s3;
	_ =	sdelay $0x1  }
0xa1: {  	s23 =	simm.s32 $0x1B8B  }
0xa2: {  	_ =	swait.ge [sflag:s23], $0x1  }
0xa3: {  	[sflag:s23] =	ssyncset.done $0x0  }
0xa4: {  	s25 =	simm.s32 $0x1B8E;
	s24 =	sld [smem:$0x3FFE];
	[sflag:s23] =	ssyncadd.s32 $0xFFFFFFFF  }
0xa5: {  	s26 =	simm.s32 $execute0_lowered;
	[smem:$0x3FD2] =	sst s25  }
0xa6: {  	s4 =	sshll.u32 s26, $0x1;
	_ =	strace $0x80000046;
	[dreg:$0x1] =	wrdreg $0xFFFFFFFF  }
0xa7: {  	s28 =	simm.s32 $_size_execute0_lowered;
	s2 =	sadd.s32 s2, s4;
	[dreg:$0x0] =	wrdreg $0x0  }
0xa8: {  	s4 =	sshll.u32 s28, $0x1;
	[dreg:$0x2] =	wrdreg s2  }
0xa9: {  	[dreg:$0x3] =	wrdreg s4  }
0xaa: {  	[dreg:$0x4] =	wrdreg $0xC0  }
0xab: {  	_ =	task [dreg:s6], $0x5FFFF  }
0xac: {  	[dreg:$0x1] =	wrdreg $0xFFFFFFFF  }
0xad: {  	[dreg:$0x0] =	wrdreg $0x60  }
0xae: {  	[dreg:$0x2] =	wrdreg s24  }
0xaf: {  	[dreg:$0x3] =	wrdreg $0x12A800  }
0xb0: {  	[dreg:$0x4] =	wrdreg $0x9  }
0xb1: {  	_ =	task.clear_ibuf [dreg:s6], $0x5FFFF;
	_ =	strace $0x90000046  }
0xb2: {  	s29 =	simm.s32 $0x9;
	_ =	strace $0x80000048  }
0xb3: {  	_ =	swait.ge [sflag:s29], $0x1  }
0xb4: {  	[sflag:s29] =	ssyncadd.s32 $0xFFFFFFFF  }
0xb5: {  	_ =	strace $0x90000048  }
0xb6: {  	_ =	sfence  }
0xb7: {  	s30 =	sld [smem:$0x0];
	_ =	sdelay $0x2  }
0xb8: {  	s31 =	sshll.u32 s1, $0xD;
	s1 =	sshrl.u32 s1, $0x2  }
0xb9: {  	s3 =	sand.u32 $0x4000, s31;
	s1 =	sadd.s32 s1, s30  }
0xba: {  	s0 =	sor.u32 s3, s0;
	s1 =	sshll.u32 s1, $0x11  }
0xbb: {  	s0 =	sor.u32 s1, s0  }
0xbc: {  	s0 =	sadd.s32 $0x8F2B, s0  }
0xbd: {  	[sflag:s0] =	ssyncadd.remote.s32 $0x1  }
0xbe: {  	_ =	sfence.sel $0xFFFF  }
0xbf: {  	[dreg:$0x0] =	wrdreg $0xFFFFFFFF;
	(pc) =	sbr.abs _section_cstart, $3  }
0xc0: {  	[dreg:$0x1] =	wrdreg $0xFFFFFFFF  }
0xc1: {  	_ =	task.clear_ibuf [dreg:s6], $0x2FFFF;
	_ =	strace $0x9FFFFFFF  }
0xc2: {  	(tm) =	ssettm $0x7FFFFFFF  }
0xc3: {  	_ =	shalt  }
tec
execute0_lowered:
.L_overlay_start_1:
0x0: {  	(tag) =	ssettag $0x1  }
0x1: {  	s0 =	srdreg.scid  }
0x2: {  	s6 =	rddreg [dreg:$0x0];
	s29 =	stileid.u32  }
0x3: {  	s2 =	rddreg [dreg:$0x1];
	s3 =	simm.s32 $0x0;
	s12 =	simm.s32 $0xA000  }
0x4: {  	s13 =	simm.s32 $0x12880;
	s14 =	simm.s32 $0x12980;
	s15 =	simm.s32 $0x0  }
0x5: {  	s5 =	sand.u32 $0x1, s0;
	[smem:$0x7FF] =	sst s3;
	s31 =	sshll.u32 s29, $0xB  }
0x6: {  	s11 =	smul.u32 $0xA000, s29;
	s1 =	sshll.u32 s5, $0x4;
	_ =	strace $0x80000047  }
0x7: {  	s9 =	ssub.s32 $0x2, s5;
	s10 =	smul.u32 $0xA0000, s5;
	s4 =	sor.u32 s29, s1  }
0x8: {  	s30 =	sshrl.u32 s9, $0x1;
	s7 =	smul.u32 $0xA000, s4;
	s8 =	sshll.u32 s4, $0x4  }
0x9: {  	v0 =	vlaneseq.u32;
	s4 =	sadd.s32 $0x28C00, s6;
	s9 =	ssub.s32 s9, s30;
	s10 =	sadd.s32 s11, s10  }
0xa: {  	v3 =	vmul.u32 $0xFFFFFFFF, v0;
	s11 =	simm.s32 $0x1;
	s8 =	sadd.s32 s8, s6;
	s7 =	sshrl.u32 s7, $0x3  }
0xb: {  	v2 =	vimm.s32 $0x1;
	v4 =	vimm.f32 $-1.000000000e+00;
	s9 =	smax.u32 s9, $0x1;
	s7 =	sadd.s32 s7, s6;
	s6 =	sadd.s32 s31, s2  }
0xc: {  	v5 =	vimm.s32 $0x0;
	v1 =	vmul.u32 $0x801, v0;
	v3 =	vadd.s32 $0xF, v3;
	s5 =	sadd.s32 $0xC00, s7;
	s7 =	sadd.s32 $0x2A000, s8;
	s8 =	sadd.s32 $0x29E00, s8  }
.LBB2_1:
0xd: {  	[tilespmem:s3], [sflag:$0x1] =	stream.linear.gather [hbm4b:s5+s3], $0xA000, $0x38;
	[tilespmem:$0x13280] =	vst v63  }
0xe: {  	_ =	swait.ge [sflag:s11], $0xA000  }
0xf: {  	[sflag:s11] =	ssyncset.done $0x0  }
0x10: {  	[sflag:s11] =	ssyncadd.s32 $0xFFFF6000  }
0x11: {  	[tilespmem:s12], [sflag:$0x1] =	stream.linear.gather [hbm4b:s4+s3], $0x8080, $0x38;
	[tilespmem:$0x13280] =	vst v63  }
0x12: {  	_ =	swait.ge [sflag:s11], $0x8080  }
0x13: {  	[sflag:s11] =	ssyncset.done $0x0  }
0x14: {  	s16 =	simm.s32 $0x0;
	[sflag:s11] =	ssyncadd.s32 $0xFFFF7F80  }
.LBB2_2:
0x15: {  	s17 =	sshra.s32 s16, $0x2  }
0x16: {  	v6 =	vld [tilespmem:s17+$0x0];
	_ =	sdelay $0x4  }
0x17: {  	v6 =	vmax.f32 v6, $0.0e+00  }
0x18: {  	v7 =	vmul.f32 $2.048000000e+03, v6;
	_ =	sdelay $0x1  }
0x19: {  	v7 =	vtrunc.f32 v7  }
0x1a: {  	v7 =	vcvt.f32.s32 v7;
	_ =	sdelay $0x1  }
0x1b: {  	vm0 =	vlt.s32 v7, $0x7FF  }
0x1c: {  	vm9 =	vge.f32 v6, $0.0e+00;
	v7 =	vnsel vm0, $0x7FF, v7  }
0x1d: {  	v6 =	vadd.s32 v1, v7;
	_ =	sdelay $0x4  }
0x1e: {  	[tilespmem:v6+s12+$0x0] =	vst.idx.add.s32.msk vm9, v2  }
0x1f: {  	v6 =	vld [tilespmem:s17+$0x10];
	_ =	sdelay $0x4  }
0x20: {  	v6 =	vmax.f32 v6, $0.0e+00  }
0x21: {  	v7 =	vmul.f32 $2.048000000e+03, v6;
	_ =	sdelay $0x1  }
0x22: {  	v7 =	vtrunc.f32 v7  }
0x23: {  	v7 =	vcvt.f32.s32 v7;
	_ =	sdelay $0x1  }
0x24: {  	vm10 =	vlt.s32 v7, $0x7FF  }
0x25: {  	vm11 =	vge.f32 v6, $0.0e+00;
	v7 =	vnsel vm10, $0x7FF, v7  }
0x26: {  	v6 =	vadd.s32 v1, v7;
	_ =	sdelay $0x4  }
0x27: {  	[tilespmem:v6+s12+$0x0] =	vst.idx.add.s32.msk vm11, v2  }
0x28: {  	v6 =	vld [tilespmem:s17+$0x20];
	_ =	sdelay $0x4  }
0x29: {  	v6 =	vmax.f32 v6, $0.0e+00  }
0x2a: {  	v7 =	vmul.f32 $2.048000000e+03, v6;
	_ =	sdelay $0x1  }
0x2b: {  	v7 =	vtrunc.f32 v7  }
0x2c: {  	v7 =	vcvt.f32.s32 v7;
	_ =	sdelay $0x1  }
0x2d: {  	vm12 =	vlt.s32 v7, $0x7FF  }
0x2e: {  	vm13 =	vge.f32 v6, $0.0e+00;
	v7 =	vnsel vm12, $0x7FF, v7  }
0x2f: {  	v6 =	vadd.s32 v1, v7;
	_ =	sdelay $0x4  }
0x30: {  	[tilespmem:v6+s12+$0x0] =	vst.idx.add.s32.msk vm13, v2  }
0x31: {  	v6 =	vld [tilespmem:s17+$0x30];
	_ =	sdelay $0x4  }
0x32: {  	v6 =	vmax.f32 v6, $0.0e+00  }
0x33: {  	v7 =	vmul.f32 $2.048000000e+03, v6;
	_ =	sdelay $0x1  }
0x34: {  	v7 =	vtrunc.f32 v7  }
0x35: {  	v7 =	vcvt.f32.s32 v7;
	_ =	sdelay $0x1  }
0x36: {  	vm14 =	vlt.s32 v7, $0x7FF  }
0x37: {  	vm15 =	vge.f32 v6, $0.0e+00;
	v7 =	vnsel vm14, $0x7FF, v7  }
0x38: {  	p0 =	sne.s32 s16, $0x27F00;
	v6 =	vadd.s32 v1, v7  }
.Ltmp0:
0x39: {  	_ = 	snop;
	(pc) =	sbr.rel @p0 .LBB2_2-.Ltmp0, $2  }
0x3a: {  	_ =	sdelay $0x2  }
0x3b: {  	s16 =	sadd.s32 $0x100, s16;
	[tilespmem:v6+s12+$0x0] =	vst.idx.add.s32.msk vm15, v2  }
0x3c: {  	s16 =	simm.s32 $0x0  }
0x3d: {  	v6 =	vld [tilespmem:s16+$0xA000]  }
0x3e: {  	v7 =	vld [tilespmem:s16+$0xA801]  }
0x3f: {  	v8 =	vld [tilespmem:s16+$0xB002]  }
0x40: {  	v9 =	vld [tilespmem:s16+$0xB803]  }
0x41: {  	v10 =	vld [tilespmem:s16+$0xC004]  }
0x42: {  	v11 =	vld [tilespmem:s16+$0xC805]  }
0x43: {  	v6 =	vadd.s32 v6, v7;
	v7 =	vld [tilespmem:s16+$0xD006]  }
0x44: {  	v6 =	vadd.s32 v8, v6;
	v8 =	vld [tilespmem:s16+$0xD807]  }
0x45: {  	v6 =	vadd.s32 v9, v6;
	v9 =	vld [tilespmem:s16+$0xE008]  }
0x46: {  	v6 =	vadd.s32 v10, v6;
	v10 =	vld [tilespmem:s16+$0xE809]  }
0x47: {  	v6 =	vadd.s32 v11, v6;
	v11 =	vld [tilespmem:s16+$0xF00A]  }
0x48: {  	v12 =	vld [tilespmem:s16+$0xF80B];
	v6 =	vadd.s32 v7, v6  }
0x49: {  	v7 =	vld [tilespmem:s16+$0x1000C];
	v6 =	vadd.s32 v8, v6  }
0x4a: {  	v8 =	vld [tilespmem:s16+$0x1080D];
	v6 =	vadd.s32 v9, v6  }
0x4b: {  	v9 =	vld [tilespmem:s16+$0x1100E];
	v6 =	vadd.s32 v10, v6  }
0x4c: {  	s17 =	simm.s32 $0x10;
	v10 =	vld [tilespmem:s16+$0x1180F];
	v11 =	vadd.s32 v11, v6  }
0x4d: {  	s18 =	simm.s32 $0x80;
	v6 =	vld [tilespmem:s17+$0xA000];
	v11 =	vadd.s32 v12, v11  }
.LBB2_4:
0x4e: {  	p0 =	sne.s32 s18, $0x1FC0;
	v12 =	vld [tilespmem:s17+$0xA801];
	v7 =	vadd.s32 v7, v11  }
0x4f: {  	v11 =	vld [tilespmem:s17+$0xB002];
	v7 =	vadd.s32 v8, v7  }
0x50: {  	v8 =	vld [tilespmem:s17+$0xB803];
	v7 =	vadd.s32 v9, v7  }
0x51: {  	v9 =	vld [tilespmem:s17+$0xC004];
	v7 =	vadd.s32 v10, v7  }
0x52: {  	v10 =	vld [tilespmem:s17+$0xC805];
	[tilespmem:s16+$0x12080] =	vst v7;
	s16 =	smov.u32 s17  }
0x53: {  	v6 =	vadd.s32 v6, v12;
	v7 =	vld [tilespmem:s16+$0xD006]  }
0x54: {  	v6 =	vadd.s32 v11, v6;
	v11 =	vld [tilespmem:s16+$0xD807]  }
0x55: {  	v6 =	vadd.s32 v8, v6;
	v8 =	vld [tilespmem:s16+$0xE008]  }
0x56: {  	v6 =	vadd.s32 v9, v6;
	v9 =	vld [tilespmem:s16+$0xE809]  }
0x57: {  	v6 =	vadd.s32 v10, v6;
	v10 =	vld [tilespmem:s16+$0xF00A]  }
0x58: {  	v6 =	vadd.s32 v7, v6;
	v12 =	vld [tilespmem:s16+$0xF80B]  }
.Ltmp1:
0x59: {  	v6 =	vadd.s32 v11, v6;
	v7 =	vld [tilespmem:s16+$0x1000C];
	(pc) =	sbr.rel @p0 .LBB2_4-.Ltmp1, $4  }
0x5a: {  	v6 =	vadd.s32 v8, v6;
	v8 =	vld [tilespmem:s16+$0x1080D]  }
0x5b: {  	v6 =	vadd.s32 v9, v6;
	v9 =	vld [tilespmem:s16+$0x1100E]  }
0x5c: {  	s17 =	sshra.s32 s18, $0x2;
	v11 =	vadd.s32 v10, v6;
	v10 =	vld [tilespmem:s16+$0x1180F]  }
0x5d: {  	s18 =	sadd.s32 $0x40, s18;
	v6 =	vld [tilespmem:s17+$0xA000];
	v11 =	vadd.s32 v12, v11  }
0x5e: {  	v12 =	vld [tilespmem:s17+$0xA801];
	v7 =	vadd.s32 v7, v11  }
0x5f: {  	v46 =	vld [tilespmem:s17+$0xB002];
	v7 =	vadd.s32 v8, v7  }
0x60: {  	v8 =	vld [tilespmem:s17+$0xB803];
	v7 =	vadd.s32 v9, v7  }
0x61: {  	v47 =	vld [tilespmem:s17+$0xC004];
	v7 =	vadd.s32 v10, v7  }
0x62: {  	v48 =	vld [tilespmem:s17+$0xC805];
	[tilespmem:s16+$0x12080] =	vst v7  }
0x63: {  	v6 =	vadd.s32 v6, v12;
	v7 =	vld [tilespmem:s17+$0xD006]  }
0x64: {  	v49 =	vld [tilespmem:s17+$0xD807];
	v6 =	vadd.s32 v46, v6  }
0x65: {  	v6 =	vadd.s32 v8, v6;
	v8 =	vld [tilespmem:s17+$0xE008]  }
0x66: {  	v50 =	vld [tilespmem:s17+$0xE809];
	v6 =	vadd.s32 v47, v6  }
0x67: {  	v51 =	vld [tilespmem:s17+$0xF00A];
	v6 =	vadd.s32 v48, v6  }
0x68: {  	v6 =	vadd.s32 v7, v6;
	v7 =	vld [tilespmem:s17+$0xF80B]  }
0x69: {  	v52 =	vld [tilespmem:s17+$0x1000C];
	v6 =	vadd.s32 v49, v6  }
0x6a: {  	v6 =	vadd.s32 v8, v6;
	v8 =	vld [tilespmem:s17+$0x1080D]  }
0x6b: {  	v53 =	vld [tilespmem:s17+$0x1100E];
	v6 =	vadd.s32 v50, v6  }
0x6c: {  	v54 =	vld [tilespmem:s17+$0x1180F];
	v6 =	vadd.s32 v51, v6  }
0x6d: {  	v6 =	vadd.s32 v7, v6  }
0x6e: {  	v6 =	vadd.s32 v52, v6  }
0x6f: {  	v6 =	vadd.s32 v8, v6  }
0x70: {  	v6 =	vadd.s32 v53, v6  }
0x71: {  	v6 =	vadd.s32 v54, v6  }
0x72: {  	s16 =	simm.s32 $0x12080;
	[tilespmem:s17+$0x12080] =	vst v6  }
0x73: {  	[spmem:s6] =	stream.linear.scatter [tilespmem:s16], [sflag:$0x1], $0x800, $0x38;
	[tilespmem:$0x13280] =	vst v63  }
0x74: {  	_ =	swait.ge [sflag:s11], $0x800  }
0x75: {  	[sflag:s11] =	ssyncset.done $0x0  }
0x76: {  	[sflag:s11] =	ssyncadd.s32 $0xFFFFF800  }
0x77: {  	s30 =	simm.s32 $0xA000;
	[bflag:$0x0] =	sbarrier.arrive $0xFFFF  }
0x78: {  	[tilespmem:s30], [sflag:$0x1] =	stream.linear.gather [spmem:s2], $0x8000, $0x38;
	[tilespmem:$0x13280] =	vst v63  }
0x79: {  	_ =	swait.ge [sflag:s11], $0x8000  }
0x7a: {  	s18 =	simm.s32 $0x0;
	[sflag:s11] =	ssyncset.done $0x0  }
0x7b: {  	s18 =	sand.u32 $0x7F0, s18;
	[sflag:s11] =	ssyncadd.s32 $0xFFFF8000  }
0x7c: {  	v6 =	vld [tilespmem:s18+$0xA800]  }
0x7d: {  	v7 =	vld [tilespmem:s30+$0x0]  }
0x7e: {  	v8 =	vld [tilespmem:s18+$0xB000]  }
0x7f: {  	v55 =	vld [tilespmem:s18+$0xB800]  }
0x80: {  	v56 =	vld [tilespmem:s18+$0xC000]  }
0x81: {  	v57 =	vld [tilespmem:s18+$0xC800]  }
0x82: {  	v6 =	vadd.s32 v7, v6;
	v7 =	vld [tilespmem:s18+$0xD000]  }
0x83: {  	v6 =	vadd.s32 v8, v6;
	v8 =	vld [tilespmem:s18+$0xD800]  }
0x84: {  	v58 =	vld [tilespmem:s18+$0xE000];
	v6 =	vadd.s32 v55, v6  }
0x85: {  	v59 =	vld [tilespmem:s18+$0xE800];
	v6 =	vadd.s32 v56, v6  }
0x86: {  	v60 =	vld [tilespmem:s18+$0xF000];
	v6 =	vadd.s32 v57, v6  }
0x87: {  	v6 =	vadd.s32 v7, v6;
	v7 =	vld [tilespmem:s18+$0xF800]  }
0x88: {  	v6 =	vadd.s32 v8, v6;
	v8 =	vld [tilespmem:s18+$0x10000]  }
0x89: {  	v61 =	vld [tilespmem:s18+$0x10800];
	v6 =	vadd.s32 v58, v6  }
0x8a: {  	v62 =	vld [tilespmem:s18+$0x11000];
	v6 =	vadd.s32 v59, v6  }
0x8b: {  	v63 =	vld [tilespmem:s18+$0x11800];
	v6 =	vadd.s32 v60, v6  }
0x8c: {  	v6 =	vadd.s32 v7, v6  }
0x8d: {  	v6 =	vadd.s32 v8, v6  }
0x8e: {  	v6 =	vadd.s32 v61, v6  }
0x8f: {  	v6 =	vadd.s32 v62, v6  }
0x90: {  	s31 =	simm.s32 $0x10;
	v6 =	vadd.s32 v63, v6  }
0x91: {  	s17 =	sand.u32 $0x7F0, s31;
	[tilespmem:s16+$0x0] =	vst v6  }
0x92: {  	s19 =	simm.s32 $0x20;
	s18 =	simm.s32 $0xA010;
	v6 =	vld [tilespmem:s17+$0xA800]  }
.LBB2_6:
0x93: {  	p0 =	sne.s32 s19, $0x7F0;
	v7 =	vld [tilespmem:s18+$0x0]  }
0x94: {  	v8 =	vld [tilespmem:s17+$0xB000]  }
0x95: {  	v9 =	vld [tilespmem:s17+$0xB800]  }
0x96: {  	v10 =	vld [tilespmem:s17+$0xC000]  }
0x97: {  	v11 =	vld [tilespmem:s17+$0xC800]  }
0x98: {  	v6 =	vadd.s32 v7, v6;
	v7 =	vld [tilespmem:s17+$0xD000]  }
0x99: {  	v6 =	vadd.s32 v8, v6;
	v8 =	vld [tilespmem:s17+$0xD800]  }
0x9a: {  	v6 =	vadd.s32 v9, v6;
	v9 =	vld [tilespmem:s17+$0xE000]  }
0x9b: {  	v6 =	vadd.s32 v10, v6;
	v10 =	vld [tilespmem:s17+$0xE800]  }
0x9c: {  	v6 =	vadd.s32 v11, v6;
	v11 =	vld [tilespmem:s17+$0xF000]  }
0x9d: {  	v6 =	vadd.s32 v7, v6;
	v7 =	vld [tilespmem:s17+$0xF800]  }
0x9e: {  	v6 =	vadd.s32 v8, v6;
	v8 =	vld [tilespmem:s17+$0x10000]  }
0x9f: {  	v6 =	vadd.s32 v9, v6;
	v9 =	vld [tilespmem:s17+$0x10800]  }
0xa0: {  	v6 =	vadd.s32 v10, v6;
	v10 =	vld [tilespmem:s17+$0x11000]  }
0xa1: {  	v6 =	vadd.s32 v11, v6;
	v11 =	vld [tilespmem:s17+$0x11800]  }
0xa2: {  	v6 =	vadd.s32 v7, v6  }
0xa3: {  	v6 =	vadd.s32 v8, v6  }
.Ltmp2:
0xa4: {  	v6 =	vadd.s32 v9, v6;
	(pc) =	sbr.rel @p0 .LBB2_6-.Ltmp2, $4  }
0xa5: {  	v6 =	vadd.s32 v10, v6  }
0xa6: {  	s16 =	sadd.s32 $0x10, s16;
	v6 =	vadd.s32 v11, v6  }
0xa7: {  	s17 =	sand.u32 $0x7F0, s19;
	[tilespmem:s16+$0x0] =	vst v6  }
0xa8: {  	s18 =	sadd.s32 $0x10, s18;
	s19 =	sadd.s32 $0x10, s19;
	v6 =	vld [tilespmem:s17+$0xA800]  }
0xa9: {  	v7 =	vld [tilespmem:s18+$0x0]  }
0xaa: {  	v8 =	vld [tilespmem:s17+$0xB000]  }
0xab: {  	v9 =	vld [tilespmem:s17+$0xB800]  }
0xac: {  	v10 =	vld [tilespmem:s17+$0xC000]  }
0xad: {  	v11 =	vld [tilespmem:s17+$0xC800]  }
0xae: {  	v6 =	vadd.s32 v7, v6;
	v7 =	vld [tilespmem:s17+$0xD000]  }
0xaf: {  	v6 =	vadd.s32 v8, v6;
	v8 =	vld [tilespmem:s17+$0xD800]  }
0xb0: {  	v6 =	vadd.s32 v9, v6;
	v9 =	vld [tilespmem:s17+$0xE000]  }
0xb1: {  	v6 =	vadd.s32 v10, v6;
	v10 =	vld [tilespmem:s17+$0xE800]  }
0xb2: {  	v6 =	vadd.s32 v11, v6;
	v11 =	vld [tilespmem:s17+$0xF000]  }
0xb3: {  	v6 =	vadd.s32 v7, v6;
	v7 =	vld [tilespmem:s17+$0xF800]  }
0xb4: {  	v6 =	vadd.s32 v8, v6;
	v8 =	vld [tilespmem:s17+$0x10000]  }
0xb5: {  	v6 =	vadd.s32 v9, v6;
	v9 =	vld [tilespmem:s17+$0x10800]  }
0xb6: {  	v6 =	vadd.s32 v10, v6;
	v10 =	vld [tilespmem:s17+$0x11000]  }
0xb7: {  	v6 =	vadd.s32 v11, v6;
	v11 =	vld [tilespmem:s17+$0x11800]  }
0xb8: {  	v6 =	vadd.s32 v7, v6  }
0xb9: {  	v6 =	vadd.s32 v8, v6  }
0xba: {  	v6 =	vadd.s32 v9, v6  }
0xbb: {  	v6 =	vadd.s32 v10, v6  }
0xbc: {  	s16 =	sadd.s32 $0x10, s16;
	v6 =	vadd.s32 v11, v6  }
0xbd: {  	[tilespmem:s16+$0x0] =	vst v6  }
0xbe: {  	s19 =	simm.s32 $0x7F0;
	[bflag:$0x0] =	sbarrier.arrive $0xFFFF  }
0xbf: {  	v6 =	vld [tilespmem:s19+$0x12080];
	_ =	sdelay $0x2  }
0xc0: {  	s20 =	simm.s32 $0x7E0  }
0xc1: {  	v7 =	vld [tilespmem:s20+$0x12080]  }
0xc2: {  	(xrf0) =	vadd.scan.msk.s32 $0xffff, v6  }
0xc3: {  	v8 =	vperm.xlane v6, v3;
	_ =	sdelay $0x1  }
0xc4: {  	(xrf0) =	vadd.scan.msk.s32 $0xffff, v8  }
0xc5: {  	s21 =	simm.s32 $0x7D0;
	(xrf0) =	vadd.scan.msk.s32 $0xffff, v7  }
0xc6: {  	v9 =	vperm.xlane v7, v3;
	v8 =	vld [tilespmem:s21+$0x12080]  }
0xc7: {  	v10, _, _ =	vpop (xrf0)  }
0xc8: {  	(v2sf) =	vpush v10, $0xF;
	_ =	sdelay $0x1  }
0xc9: {  	(xrf0) =	vadd.scan.msk.s32 $0xffff, v9;
	v9, _, _ =	vpop (xrf0)  }
0xca: {  	(xrf0) =	vadd.scan.msk.s32 $0xffff, v8;
	v10, _, _ =	vpop (xrf0)  }
0xcb: {  	(v2sf) =	vpush v10, $0xF;
	v10 =	vperm.xlane v8, v3  }
0xcc: {  	s22 =	simm.s32 $0x7C0  }
0xcd: {  	v11 =	vld [tilespmem:s22+$0x12080];
	_ =	sdelay $0x1  }
0xce: {  	v9 =	vperm.xlane v9, v3;
	(xrf0) =	vadd.scan.msk.s32 $0xffff, v10;
	v10, _, _ =	vpop (xrf0)  }
0xcf: {  	s23 =	simm.s32 $0x0;
	v12, _, _ =	vpop (xrf0)  }
0xd0: {  	s24 =	simm.s32 $0x7B0;
	v9 =	vadd.s32 s23, v9;
	(v2sf) =	vpush v12, $0xF  }
0xd1: {  	v14 =	vld [tilespmem:s24+$0x12080];
	v13 =	vperm.xlane v11, v3;
	vm0 =	vgt.s32 v9, $0x3E7;
	(xrf0) =	vadd.scan.msk.s32 $0xffff, v11  }
0xd2: {  	v9 =	vmpcnt.ones.xlane vm0  }
0xd3: {  	v6 =	vnsel vm0, $0x0, v6;
	(xrf0) =	vadd.scan.msk.s32 $0xffff, v13  }
0xd4: {  	(xrf0) =	vadd.scan.msk.s32 $0xffff, v6;
	v6 =	vxor.u32 $0x80000000, v9  }
0xd5: {  	v10 =	vperm.xlane v10, v3;
	(xrf0) =	vmax.scan.msk.u32 $0xffff, v6;
	s21 =	spop (v2sf)  }
0xd6: {  	v9, _, _ =	vpop (xrf0);
	(xrf0) =	vadd.scan.msk.s32 $0xffff, v14;
	s25 =	sadd.s32 $0x0, s21  }
0xd7: {  	s26 =	simm.s32 $0x7A0;
	v6, _, _ =	vpop (xrf0);
	v10 =	vadd.s32 s25, v10  }
0xd8: {  	(v2sf) =	vpush v6, $0xF;
	v6 =	vld [tilespmem:s26+$0x12080]  }
0xd9: {  	v13 =	vperm.xlane v14, v3;
	v9 =	vperm.xlane v9, v3;
	v12, _, _ =	vpop (xrf0);
	vm12 =	vgt.s32 v10, $0x3E7;
	s16 =	spop (v2sf)  }
0xda: {  	v15 =	vmpcnt.ones.xlane vm12;
	s28 =	sadd.s32 s25, s16;
	v10, _, _ =	vpop (xrf0)  }
0xdb: {  	s29 =	simm.s32 $0x790;
	(xrf0) =	vadd.scan.msk.s32 $0xffff, v13;
	v7 =	vnsel vm12, $0x0, v7;
	v9 =	vadd.s32 s28, v9;
	(v2sf) =	vpush v10, $0xF;
	v10, _, _ =	vpop (xrf0)  }
0xdc: {  	(xrf0) =	vadd.scan.msk.s32 $0xffff, v7;
	v7 =	vld [tilespmem:s29+$0x12080];
	v13 =	vxor.u32 $0x80000000, v15;
	vm13 =	vgt.s32 v9, $0x3E7;
	(v2sf) =	vpush v10, $0xF;
	v10, _, _ =	vpop (xrf0)  }
0xdd: {  	(xrf0) =	vmax.scan.msk.u32 $0xffff, v13;
	v9 =	vmpcnt.ones.xlane vm13;
	(v2sf) =	vpush v10, $0xF;
	v10 =	vperm.xlane v6, v3  }
0xde: {  	(xrf0) =	vadd.scan.msk.s32 $0xffff, v6  }
0xdf: {  	v8 =	vnsel vm13, $0x0, v8;
	s17 =	spop (v2sf);
	(xrf0) =	vadd.scan.msk.s32 $0xffff, v10;
	v10 =	vperm.xlane v12, v3  }
0xe0: {  	s19 =	sadd.s32 s28, s17;
	(xrf0) =	vadd.scan.msk.s32 $0xffff, v8;
	v8 =	vxor.u32 $0x80000000, v9  }
0xe1: {  	v12 =	vperm.xlane v7, v3;
	v9, _, _ =	vpop (xrf0);
	(xrf0) =	vmax.scan.msk.u32 $0xffff, v8;
	v8 =	vadd.s32 s19, v10  }
0xe2: {  	vm14 =	vgt.s32 v8, $0x3E7  }
0xe3: {  	s30 =	simm.s32 $0x780;
	v10, _, _ =	vpop (xrf0);
	(xrf0) =	vadd.scan.msk.s32 $0xffff, v7;
	v11 =	vnsel vm14, $0x0, v11  }
0xe4: {  	v8 =	vld [tilespmem:s30+$0x12080];
	v13, _, _ =	vpop (xrf0);
	(xrf0) =	vadd.scan.msk.s32 $0xffff, v12  }
0xe5: {  	(v2sf) =	vpush v10, $0xF;
	v10 =	vmpcnt.ones.xlane vm14;
	v12, _, _ =	vpop (xrf0);
	(xrf0) =	vadd.scan.msk.s32 $0xffff, v11  }
0xe6: {  	v11, _, _ =	vpop (xrf0)  }
0xe7: {  	v9 =	vperm.xlane v9, v3;
	s18 =	spop (v2sf);
	(v2sf) =	vpush v13, $0xF;
	v10 =	vxor.u32 $0x80000000, v10;
	v13, _, _ =	vpop (xrf0)  }
0xe8: {  	s22 =	sadd.s32 s19, s18;
	(v2sf) =	vpush v12, $0xF;
	v12, _, _ =	vpop (xrf0)  }
0xe9: {  	v9 =	vadd.s32 s22, v9;
	(v2sf) =	vpush v13, $0xF;
	(xrf0) =	vmax.scan.msk.u32 $0xffff, v10;
	v13 =	vperm.xlane v8, v3;
	v15, _, _ =	vpop (xrf0)  }
0xea: {  	vm15 =	vgt.s32 v9, $0x3E7;
	(xrf0) =	vadd.scan.msk.s32 $0xffff, v8;
	(v2sf) =	vpush v12, $0xF;
	v10, _, _ =	vpop (xrf0)  }
0xeb: {  	s31 =	spop (v2sf);
	(v2sf) =	vpush v15, $0xF;
	(xrf0) =	vadd.scan.msk.s32 $0xffff, v13;
	v13 =	vnsel vm15, $0x0, v14;
	v14, _, _ =	vpop (xrf0)  }
0xec: {  	s23 =	spop (v2sf);
	(v2sf) =	vpush v14, $0xF;
	_ =	sdelay $0x4  }
0xed: {  	s20 =	simm.s32 $0x770;
	v12 =	vmpcnt.ones.xlane vm15  }
0xee: {  	s24 =	simm.s32 $0x1D80;
	s21 =	sadd.s32 $0x0, s21;
	v9 =	vld [tilespmem:s20+$0x12080]  }
0xef: {  	v11 =	vperm.xlane v11, v3;
	s19 =	sadd.s32 $0x0, s31;
	(xrf0) =	vadd.scan.msk.s32 $0xffff, v13;
	v12 =	vxor.u32 $0x80000000, v12;
	s20 =	spop (v2sf);
	s23 =	sadd.s32 $0x0, s23  }
.LBB2_8:
0xf0: {  	s22 =	sadd.s32 s22, s20  }
0xf1: {  	s23 =	sadd.s32 $0x80000000, s23;
	s25 =	smov.u32 s24;
	s26 =	sadd.s32 $0xFFFFFFC0, s24  }
0xf2: {  	(xrf0) =	vmax.scan.msk.u32 $0xffff, v12;
	v12, _, _ =	vpop (xrf0);
	s28 =	smov.u32 s16;
	s16 =	smov.u32 s17;
	p0 =	sne.s32 s24, $0x0  }
.Ltmp3:
0xf3: {  	s17 =	sshra.s32 s25, $0x2;
	v16 =	vperm.xlane v9, v3;
	(xrf0) =	vadd.scan.msk.s32 $0xffff, v9;
	v14, _, _ =	vpop (xrf0);
	v15 =	vadd.s32 s22, v11;
	(v2sf) =	vpush v12, $0xF;
	(pc) =	sbr.rel @p0 .LBB2_8-.Ltmp3, $4  }
0xf4: {  	v11 =	vmov v9;
	(v2sf) =	vpush v14, $0xF;
	vm0 =	vgt.s32 v15, $0x3E7;
	s24 =	spop (v2sf);
	v9 =	vld [tilespmem:s17+$0x12080];
	s17 =	smov.u32 s18;
	s18 =	smov.u32 s20  }
0xf5: {  	(xrf0) =	vadd.scan.msk.s32 $0xffff, v16;
	v13, _, _ =	vpop (xrf0);
	v12 =	vmpcnt.ones.xlane vm0;
	v15 =	vnsel vm0, $0x0, v6;
	s19 =	sadd.s32 s19, s24;
	v6 =	vmov v7  }
0xf6: {  	s21 =	sadd.s32 s21, s28;
	v7 =	vmov v8;
	v8 =	vmov v11;
	(xrf0) =	vadd.scan.msk.s32 $0xffff, v15;
	v14, _, _ =	vpop (xrf0);
	s24 =	spop (v2sf)  }
0xf7: {  	v11 =	vperm.xlane v10, v3;
	v10 =	vmovc v13;
	v12 =	vxor.u32 $0x80000000, v12;
	s20 =	spop (v2sf);
	(v2sf) =	vpush v14, $0xF;
	s23 =	sadd.s32 s24, s23;
	s24 =	smov.u32 s26  }
0xf8: {  	v13, _, _ =	vpop (xrf0)  }
0xf9: {  	v14, _, _ =	vpop (xrf0);
	(v2sf) =	vpush v13, $0xF  }
0xfa: {  	(v2sf) =	vpush v14, $0xF;
	_ =	sdelay $0x5  }
0xfb: {  	(xrf0) =	vmax.scan.msk.u32 $0xffff, v12;
	v58 =	vperm.xlane v9, v3  }
0xfc: {  	s26 =	spop (v2sf);
	(xrf0) =	vadd.scan.msk.s32 $0xffff, v9  }
0xfd: {  	s29 =	spop (v2sf);
	(xrf0) =	vadd.scan.msk.s32 $0xffff, v58  }
0xfe: {  	s24 =	sadd.s32 s22, s20;
	s22 =	spop (v2sf)  }
0xff: {  	v11 =	vadd.s32 s24, v11;
	v59, _, _ =	vpop (xrf0);
	s28 =	spop (v2sf)  }
0x100: {  	v10 =	vperm.xlane v10, v3;
	vm0 =	vgt.s32 v11, $0x3E7;
	v60, _, _ =	vpop (xrf0);
	s31 =	spop (v2sf)  }
0x101: {  	v61 =	vmpcnt.ones.xlane vm0;
	s25 =	sadd.s32 s24, s22;
	v62, _, _ =	vpop (xrf0);
	s24 =	spop (v2sf)  }
0x102: {  	v10 =	vadd.s32 s25, v10;
	v12 =	vperm.xlane v59, v3;
	v15, _, _ =	vpop (xrf0);
	s30 =	spop (v2sf)  }
0x103: {  	v6 =	vnsel vm0, $0x0, v6;
	v13 =	vxor.u32 $0x80000000, v61;
	vm13 =	vgt.s32 v10, $0x3E7;
	v63, _, _ =	vpop (xrf0);
	s1 =	sadd.s32 s25, s24;
	s0 =	spop (v2sf)  }
0x104: {  	(xrf0) =	vadd.scan.msk.s32 $0xffff, v6;
	v6 =	vmpcnt.ones.xlane vm13;
	v10 =	vperm.xlane v63, v3;
	v12 =	vadd.s32 s1, v12;
	s25 =	spop (v2sf)  }
0x105: {  	v7 =	vnsel vm13, $0x0, v7;
	(xrf0) =	vmax.scan.msk.u32 $0xffff, v13;
	vm14 =	vgt.s32 v12, $0x3E7;
	s1 =	sadd.s32 s1, s25  }
0x106: {  	(xrf0) =	vadd.scan.msk.s32 $0xffff, v7;
	v6 =	vxor.u32 $0x80000000, v6;
	v7 =	vmpcnt.ones.xlane vm14;
	v10 =	vadd.s32 s1, v10  }
0x107: {  	(xrf0) =	vmax.scan.msk.u32 $0xffff, v6;
	v6 =	vnsel vm14, $0x0, v8;
	vm15 =	vgt.s32 v10, $0x3E7  }
0x108: {  	(xrf0) =	vadd.scan.msk.s32 $0xffff, v6;
	v6 =	vxor.u32 $0x80000000, v7;
	v7 =	vmpcnt.ones.xlane vm15  }
0x109: {  	(v2sf) =	vpush v60, $0xF;
	(xrf0) =	vmax.scan.msk.u32 $0xffff, v6;
	v6 =	vnsel vm15, $0x0, v9  }
0x10a: {  	(v2sf) =	vpush v62, $0xF;
	v8, _, _ =	vpop (xrf0);
	(xrf0) =	vadd.scan.msk.s32 $0xffff, v6;
	v6 =	vxor.u32 $0x80000000, v7  }
0x10b: {  	(v2sf) =	vpush v15, $0xF  }
0x10c: {  	(v2sf) =	vpush v8, $0xF;
	v7, _, _ =	vpop (xrf0);
	(xrf0) =	vmax.scan.msk.u32 $0xffff, v6  }
0x10d: {  	v6, _, _ =	vpop (xrf0);
	(v2sf) =	vpush v7, $0xF  }
0x10e: {  	(v2sf) =	vpush v6, $0xF;
	v6, _, _ =	vpop (xrf0)  }
0x10f: {  	(v2sf) =	vpush v6, $0xF;
	v6, _, _ =	vpop (xrf0)  }
0x110: {  	(v2sf) =	vpush v6, $0xF;
	v6, _, _ =	vpop (xrf0)  }
0x111: {  	s16 =	sadd.s32 s21, s16;
	(v2sf) =	vpush v6, $0xF;
	v6, _, _ =	vpop (xrf0)  }
0x112: {  	s16 =	sadd.s32 s16, s17;
	(v2sf) =	vpush v6, $0xF;
	v6, _, _ =	vpop (xrf0)  }
0x113: {  	s23 =	sadd.s32 $0x80000000, s23;
	s16 =	sadd.s32 s16, s18;
	s18 =	simm.s32 $0x0;
	(v2sf) =	vpush v6, $0xF  }
0x114: {  	[tilespmem:s12], [sflag:$0x1] =	stream.linear.gather [hbm4b:s4+s18], $0x8080, $0x38;
	[tilespmem:$0x13280] =	vst v63  }
0x115: {  	s1 =	sadd.s32 s29, s23  }
0x116: {  	s1 =	sadd.s32 $0x80000000, s1  }
0x117: {  	s1 =	sadd.s32 s31, s1  }
0x118: {  	s23 =	spop (v2sf);
	s1 =	sadd.s32 $0x80000000, s1  }
0x119: {  	s19 =	sadd.s32 s19, s26;
	s0 =	sadd.s32 s0, s1;
	s26 =	spop (v2sf)  }
0x11a: {  	s0 =	sadd.s32 $0x80000000, s0;
	s21 =	spop (v2sf)  }
0x11b: {  	s19 =	sadd.s32 s19, s28;
	s0 =	sadd.s32 s26, s0;
	s28 =	spop (v2sf)  }
0x11c: {  	s29 =	sadd.s32 s19, s30;
	s0 =	sadd.s32 $0x80000000, s0;
	s30 =	spop (v2sf)  }
0x11d: {  	s0 =	sadd.s32 s30, s0;
	s31 =	spop (v2sf)  }
0x11e: {  	s17 =	sadd.s32 s29, s23;
	s0 =	sadd.s32 $0x80000000, s0;
	s23 =	spop (v2sf)  }
0x11f: {  	s0 =	sadd.s32 s23, s0;
	s26 =	spop (v2sf)  }
0x120: {  	s1 =	sadd.s32 s17, s28;
	s0 =	sadd.s32 $0x80000000, s0;
	s28 =	spop (v2sf)  }
0x121: {  	s16 =	sadd.s32 s16, s20;
	s0 =	sadd.s32 s28, s0;
	s29 =	spop (v2sf)  }
0x122: {  	s16 =	sadd.s32 s16, s22;
	s0 =	sadd.s32 $0x80000000, s0;
	s30 =	spop (v2sf)  }
0x123: {  	s16 =	sadd.s32 s16, s24;
	s1 =	sadd.s32 s1, s31;
	s0 =	sadd.s32 s30, s0  }
0x124: {  	s31 =	sadd.s32 s16, s25;
	_ =	swait.ge [sflag:s11], $0x8080;
	s0 =	sadd.s32 $0x80000000, s0  }
0x125: {  	s1 =	sadd.s32 s1, s26;
	[sflag:s11] =	ssyncset.done $0x0;
	s0 =	sadd.s32 $0xFFFFFFFF, s0  }
0x126: {  	s17 =	sadd.s32 s31, s21;
	s16 =	sadd.s32 s1, s29;
	[sflag:s11] =	ssyncadd.s32 $0xFFFF7F80;
	v6 =	vmov s0  }
.LBB2_10:
0x127: {  	s0 =	sshra.s32 s18, $0x2  }
0x128: {  	v7 =	vld [tilespmem:s0+$0x0];
	_ =	sdelay $0x4  }
0x129: {  	v7 =	vmax.f32 v7, $0.0e+00  }
0x12a: {  	v7 =	vmul.f32 $2.048000000e+03, v7;
	_ =	sdelay $0x1  }
0x12b: {  	v8 =	vtrunc.f32 v7  }
0x12c: {  	v8 =	vcvt.f32.s32 v8;
	_ =	sdelay $0x1  }
0x12d: {  	vm0 =	vlt.s32 v8, $0x7FF  }
0x12e: {  	v8 =	vnsel vm0, $0x7FF, v8  }
0x12f: {  	v9 =	vcvt.s32.f32 v8;
	_ =	sdelay $0x1  }
0x130: {  	v7 =	vsub.f32 v7, v9;
	_ =	sdelay $0x1  }
0x131: {  	v7 =	vmul.f32 $2.048000000e+03, v7;
	_ =	sdelay $0x1  }
0x132: {  	v7 =	vtrunc.f32 v7  }
0x133: {  	v7 =	vcvt.f32.s32 v7;
	_ =	sdelay $0x1  }
0x134: {  	vm5 =	vgt.s32 v7, $0x0  }
0x135: {  	v7 =	vnsel vm5, $0x0, v7  }
0x136: {  	vm6 =	veq.s32 v8, v6;
	v7 =	vmin.u32 v7, $0x7FF  }
0x137: {  	v7 =	vadd.s32 v1, v7;
	_ =	sdelay $0x4  }
0x138: {  	[tilespmem:v7+s12+$0x0] =	vst.idx.add.s32.msk vm6, v2  }
0x139: {  	v7 =	vld [tilespmem:s0+$0x10];
	_ =	sdelay $0x4  }
0x13a: {  	v7 =	vmax.f32 v7, $0.0e+00  }
0x13b: {  	v7 =	vmul.f32 $2.048000000e+03, v7;
	_ =	sdelay $0x1  }
0x13c: {  	v8 =	vtrunc.f32 v7  }
0x13d: {  	v8 =	vcvt.f32.s32 v8;
	_ =	sdelay $0x1  }
0x13e: {  	vm7 =	vlt.s32 v8, $0x7FF  }
0x13f: {  	v8 =	vnsel vm7, $0x7FF, v8  }
0x140: {  	v61 =	vcvt.s32.f32 v8;
	_ =	sdelay $0x1  }
0x141: {  	v7 =	vsub.f32 v7, v61;
	_ =	sdelay $0x1  }
0x142: {  	v7 =	vmul.f32 $2.048000000e+03, v7;
	_ =	sdelay $0x1  }
0x143: {  	v7 =	vtrunc.f32 v7  }
0x144: {  	v7 =	vcvt.f32.s32 v7;
	_ =	sdelay $0x1  }
0x145: {  	vm8 =	vgt.s32 v7, $0x0  }
0x146: {  	v7 =	vnsel vm8, $0x0, v7  }
0x147: {  	vm9 =	veq.s32 v8, v6;
	v7 =	vmin.u32 v7, $0x7FF  }
0x148: {  	v7 =	vadd.s32 v1, v7;
	_ =	sdelay $0x4  }
0x149: {  	[tilespmem:v7+s12+$0x0] =	vst.idx.add.s32.msk vm9, v2  }
0x14a: {  	v7 =	vld [tilespmem:s0+$0x20];
	_ =	sdelay $0x4  }
0x14b: {  	v7 =	vmax.f32 v7, $0.0e+00  }
0x14c: {  	v7 =	vmul.f32 $2.048000000e+03, v7;
	_ =	sdelay $0x1  }
0x14d: {  	v8 =	vtrunc.f32 v7  }
0x14e: {  	v8 =	vcvt.f32.s32 v8;
	_ =	sdelay $0x1  }
0x14f: {  	vm10 =	vlt.s32 v8, $0x7FF  }
0x150: {  	v8 =	vnsel vm10, $0x7FF, v8  }
0x151: {  	v62 =	vcvt.s32.f32 v8;
	_ =	sdelay $0x1  }
0x152: {  	v7 =	vsub.f32 v7, v62;
	_ =	sdelay $0x1  }
0x153: {  	v7 =	vmul.f32 $2.048000000e+03, v7;
	_ =	sdelay $0x1  }
0x154: {  	v7 =	vtrunc.f32 v7  }
0x155: {  	v7 =	vcvt.f32.s32 v7;
	_ =	sdelay $0x1  }
0x156: {  	vm11 =	vgt.s32 v7, $0x0  }
0x157: {  	v7 =	vnsel vm11, $0x0, v7  }
0x158: {  	vm12 =	veq.s32 v8, v6;
	v7 =	vmin.u32 v7, $0x7FF  }
0x159: {  	v7 =	vadd.s32 v1, v7;
	_ =	sdelay $0x4  }
0x15a: {  	[tilespmem:v7+s12+$0x0] =	vst.idx.add.s32.msk vm12, v2  }
0x15b: {  	v7 =	vld [tilespmem:s0+$0x30];
	_ =	sdelay $0x4  }
0x15c: {  	v7 =	vmax.f32 v7, $0.0e+00  }
0x15d: {  	v7 =	vmul.f32 $2.048000000e+03, v7;
	_ =	sdelay $0x1  }
0x15e: {  	v8 =	vtrunc.f32 v7  }
0x15f: {  	v8 =	vcvt.f32.s32 v8;
	_ =	sdelay $0x1  }
0x160: {  	vm13 =	vlt.s32 v8, $0x7FF  }
0x161: {  	v8 =	vnsel vm13, $0x7FF, v8  }
0x162: {  	v63 =	vcvt.s32.f32 v8;
	_ =	sdelay $0x1  }
0x163: {  	v7 =	vsub.f32 v7, v63;
	_ =	sdelay $0x1  }
0x164: {  	v7 =	vmul.f32 $2.048000000e+03, v7;
	_ =	sdelay $0x1  }
0x165: {  	v7 =	vtrunc.f32 v7  }
0x166: {  	v7 =	vcvt.f32.s32 v7;
	_ =	sdelay $0x1  }
0x167: {  	vm14 =	vgt.s32 v7, $0x0  }
0x168: {  	v7 =	vnsel vm14, $0x0, v7  }
0x169: {  	vm15 =	veq.s32 v8, v6;
	v7 =	vmin.u32 v7, $0x7FF  }
0x16a: {  	p0 =	sne.s32 s18, $0x27F00;
	v7 =	vadd.s32 v1, v7  }
.Ltmp4:
0x16b: {  	_ = 	snop;
	(pc) =	sbr.rel @p0 .LBB2_10-.Ltmp4, $2  }
0x16c: {  	_ =	sdelay $0x2  }
0x16d: {  	s18 =	sadd.s32 $0x100, s18;
	[tilespmem:v7+s12+$0x0] =	vst.idx.add.s32.msk vm15, v2  }
0x16e: {  	s18 =	simm.s32 $0x0  }
0x16f: {  	v7 =	vld [tilespmem:s18+$0xA000]  }
0x170: {  	v8 =	vld [tilespmem:s18+$0xA801]  }
0x171: {  	v9 =	vld [tilespmem:s18+$0xB002]  }
0x172: {  	v10 =	vld [tilespmem:s18+$0xB803]  }
0x173: {  	v11 =	vld [tilespmem:s18+$0xC004]  }
0x174: {  	v12 =	vld [tilespmem:s18+$0xC805]  }
0x175: {  	v7 =	vadd.s32 v7, v8;
	v8 =	vld [tilespmem:s18+$0xD006]  }
0x176: {  	v7 =	vadd.s32 v9, v7;
	v9 =	vld [tilespmem:s18+$0xD807]  }
0x177: {  	v7 =	vadd.s32 v10, v7;
	v10 =	vld [tilespmem:s18+$0xE008]  }
0x178: {  	v7 =	vadd.s32 v11, v7;
	v11 =	vld [tilespmem:s18+$0xE809]  }
0x179: {  	v7 =	vadd.s32 v12, v7;
	v12 =	vld [tilespmem:s18+$0xF00A]  }
0x17a: {  	v13 =	vld [tilespmem:s18+$0xF80B];
	v7 =	vadd.s32 v8, v7  }
0x17b: {  	v8 =	vld [tilespmem:s18+$0x1000C];
	v7 =	vadd.s32 v9, v7  }
0x17c: {  	v9 =	vld [tilespmem:s18+$0x1080D];
	v7 =	vadd.s32 v10, v7  }
0x17d: {  	v10 =	vld [tilespmem:s18+$0x1100E];
	v7 =	vadd.s32 v11, v7  }
0x17e: {  	s19 =	simm.s32 $0x10;
	v11 =	vld [tilespmem:s18+$0x1180F];
	v12 =	vadd.s32 v12, v7  }
0x17f: {  	s20 =	simm.s32 $0x80;
	v7 =	vld [tilespmem:s19+$0xA000];
	v12 =	vadd.s32 v13, v12  }
.LBB2_12:
0x180: {  	p0 =	sne.s32 s20, $0x1FC0;
	v13 =	vld [tilespmem:s19+$0xA801];
	v8 =	vadd.s32 v8, v12  }
0x181: {  	v12 =	vld [tilespmem:s19+$0xB002];
	v8 =	vadd.s32 v9, v8  }
0x182: {  	v9 =	vld [tilespmem:s19+$0xB803];
	v8 =	vadd.s32 v10, v8  }
0x183: {  	v10 =	vld [tilespmem:s19+$0xC004];
	v8 =	vadd.s32 v11, v8  }
0x184: {  	v11 =	vld [tilespmem:s19+$0xC805];
	[tilespmem:s18+$0x12080] =	vst v8;
	s18 =	smov.u32 s19  }
0x185: {  	v7 =	vadd.s32 v7, v13;
	v8 =	vld [tilespmem:s18+$0xD006]  }
0x186: {  	v7 =	vadd.s32 v12, v7;
	v12 =	vld [tilespmem:s18+$0xD807]  }
0x187: {  	v7 =	vadd.s32 v9, v7;
	v9 =	vld [tilespmem:s18+$0xE008]  }
0x188: {  	v7 =	vadd.s32 v10, v7;
	v10 =	vld [tilespmem:s18+$0xE809]  }
0x189: {  	v7 =	vadd.s32 v11, v7;
	v11 =	vld [tilespmem:s18+$0xF00A]  }
0x18a: {  	v7 =	vadd.s32 v8, v7;
	v13 =	vld [tilespmem:s18+$0xF80B]  }
.Ltmp5:
0x18b: {  	v7 =	vadd.s32 v12, v7;
	v8 =	vld [tilespmem:s18+$0x1000C];
	(pc) =	sbr.rel @p0 .LBB2_12-.Ltmp5, $4  }
0x18c: {  	v7 =	vadd.s32 v9, v7;
	v9 =	vld [tilespmem:s18+$0x1080D]  }
0x18d: {  	v7 =	vadd.s32 v10, v7;
	v10 =	vld [tilespmem:s18+$0x1100E]  }
0x18e: {  	s19 =	sshra.s32 s20, $0x2;
	v12 =	vadd.s32 v11, v7;
	v11 =	vld [tilespmem:s18+$0x1180F]  }
0x18f: {  	s20 =	sadd.s32 $0x40, s20;
	v7 =	vld [tilespmem:s19+$0xA000];
	v12 =	vadd.s32 v13, v12  }
0x190: {  	v13 =	vld [tilespmem:s19+$0xA801];
	v8 =	vadd.s32 v8, v12  }
0x191: {  	v40 =	vld [tilespmem:s19+$0xB002];
	v8 =	vadd.s32 v9, v8  }
0x192: {  	v41 =	vld [tilespmem:s19+$0xB803];
	v8 =	vadd.s32 v10, v8  }
0x193: {  	v42 =	vld [tilespmem:s19+$0xC004];
	v8 =	vadd.s32 v11, v8  }
0x194: {  	v43 =	vld [tilespmem:s19+$0xC805];
	[tilespmem:s18+$0x12080] =	vst v8  }
0x195: {  	v7 =	vadd.s32 v7, v13;
	v8 =	vld [tilespmem:s19+$0xD006]  }
0x196: {  	v44 =	vld [tilespmem:s19+$0xD807];
	v7 =	vadd.s32 v40, v7  }
0x197: {  	v45 =	vld [tilespmem:s19+$0xE008];
	v7 =	vadd.s32 v41, v7  }
0x198: {  	v46 =	vld [tilespmem:s19+$0xE809];
	v7 =	vadd.s32 v42, v7  }
0x199: {  	v47 =	vld [tilespmem:s19+$0xF00A];
	v7 =	vadd.s32 v43, v7  }
0x19a: {  	v7 =	vadd.s32 v8, v7;
	v8 =	vld [tilespmem:s19+$0xF80B]  }
0x19b: {  	v48 =	vld [tilespmem:s19+$0x1000C];
	v7 =	vadd.s32 v44, v7  }
0x19c: {  	v49 =	vld [tilespmem:s19+$0x1080D];
	v7 =	vadd.s32 v45, v7  }
0x19d: {  	v50 =	vld [tilespmem:s19+$0x1100E];
	v7 =	vadd.s32 v46, v7  }
0x19e: {  	v51 =	vld [tilespmem:s19+$0x1180F];
	v7 =	vadd.s32 v47, v7  }
0x19f: {  	v7 =	vadd.s32 v8, v7  }
0x1a0: {  	v7 =	vadd.s32 v48, v7  }
0x1a1: {  	v7 =	vadd.s32 v49, v7  }
0x1a2: {  	v7 =	vadd.s32 v50, v7  }
0x1a3: {  	v7 =	vadd.s32 v51, v7  }
0x1a4: {  	s18 =	simm.s32 $0x12080;
	[tilespmem:s19+$0x12080] =	vst v7  }
0x1a5: {  	[spmem:s6] =	stream.linear.scatter [tilespmem:s18], [sflag:$0x1], $0x800, $0x38;
	[tilespmem:$0x13280] =	vst v63  }
0x1a6: {  	_ =	swait.ge [sflag:s11], $0x800  }
0x1a7: {  	[sflag:s11] =	ssyncset.done $0x0  }
0x1a8: {  	[sflag:s11] =	ssyncadd.s32 $0xFFFFF800  }
0x1a9: {  	s0 =	simm.s32 $0xA000;
	[bflag:$0x0] =	sbarrier.arrive $0xFFFF  }
0x1aa: {  	[tilespmem:s0], [sflag:$0x1] =	stream.linear.gather [spmem:s2], $0x8000, $0x38;
	[tilespmem:$0x13280] =	vst v63  }
0x1ab: {  	_ =	swait.ge [sflag:s11], $0x8000  }
0x1ac: {  	s1 =	simm.s32 $0x0;
	[sflag:s11] =	ssyncset.done $0x0  }
0x1ad: {  	s1 =	sand.u32 $0x7F0, s1;
	[sflag:s11] =	ssyncadd.s32 $0xFFFF8000  }
0x1ae: {  	v7 =	vld [tilespmem:s1+$0xA800]  }
0x1af: {  	v8 =	vld [tilespmem:s0+$0x0]  }
0x1b0: {  	v52 =	vld [tilespmem:s1+$0xB000]  }
0x1b1: {  	v53 =	vld [tilespmem:s1+$0xB800]  }
0x1b2: {  	v54 =	vld [tilespmem:s1+$0xC000]  }
0x1b3: {  	v55 =	vld [tilespmem:s1+$0xC800]  }
0x1b4: {  	v7 =	vadd.s32 v8, v7;
	v8 =	vld [tilespmem:s1+$0xD000]  }
0x1b5: {  	v56 =	vld [tilespmem:s1+$0xD800];
	v7 =	vadd.s32 v52, v7  }
0x1b6: {  	v57 =	vld [tilespmem:s1+$0xE000];
	v7 =	vadd.s32 v53, v7  }
0x1b7: {  	v58 =	vld [tilespmem:s1+$0xE800];
	v7 =	vadd.s32 v54, v7  }
0x1b8: {  	v59 =	vld [tilespmem:s1+$0xF000];
	v7 =	vadd.s32 v55, v7  }
0x1b9: {  	v7 =	vadd.s32 v8, v7;
	v8 =	vld [tilespmem:s1+$0xF800]  }
0x1ba: {  	v60 =	vld [tilespmem:s1+$0x10000];
	v7 =	vadd.s32 v56, v7  }
0x1bb: {  	v61 =	vld [tilespmem:s1+$0x10800];
	v7 =	vadd.s32 v57, v7  }
0x1bc: {  	v62 =	vld [tilespmem:s1+$0x11000];
	v7 =	vadd.s32 v58, v7  }
0x1bd: {  	v63 =	vld [tilespmem:s1+$0x11800];
	v7 =	vadd.s32 v59, v7  }
0x1be: {  	v7 =	vadd.s32 v8, v7  }
0x1bf: {  	v7 =	vadd.s32 v60, v7  }
0x1c0: {  	v7 =	vadd.s32 v61, v7  }
0x1c1: {  	v7 =	vadd.s32 v62, v7  }
0x1c2: {  	s31 =	simm.s32 $0x10;
	v7 =	vadd.s32 v63, v7  }
0x1c3: {  	s19 =	sand.u32 $0x7F0, s31;
	[tilespmem:s18+$0x0] =	vst v7  }
0x1c4: {  	s21 =	simm.s32 $0x20;
	s20 =	simm.s32 $0xA010;
	v7 =	vld [tilespmem:s19+$0xA800]  }
.LBB2_14:
0x1c5: {  	p0 =	sne.s32 s21, $0x7F0;
	v8 =	vld [tilespmem:s20+$0x0]  }
0x1c6: {  	v9 =	vld [tilespmem:s19+$0xB000]  }
0x1c7: {  	v10 =	vld [tilespmem:s19+$0xB800]  }
0x1c8: {  	v11 =	vld [tilespmem:s19+$0xC000]  }
0x1c9: {  	v12 =	vld [tilespmem:s19+$0xC800]  }
0x1ca: {  	v7 =	vadd.s32 v8, v7;
	v8 =	vld [tilespmem:s19+$0xD000]  }
0x1cb: {  	v7 =	vadd.s32 v9, v7;
	v9 =	vld [tilespmem:s19+$0xD800]  }
0x1cc: {  	v7 =	vadd.s32 v10, v7;
	v10 =	vld [tilespmem:s19+$0xE000]  }
0x1cd: {  	v7 =	vadd.s32 v11, v7;
	v11 =	vld [tilespmem:s19+$0xE800]  }
0x1ce: {  	v7 =	vadd.s32 v12, v7;
	v12 =	vld [tilespmem:s19+$0xF000]  }
0x1cf: {  	v7 =	vadd.s32 v8, v7;
	v8 =	vld [tilespmem:s19+$0xF800]  }
0x1d0: {  	v7 =	vadd.s32 v9, v7;
	v9 =	vld [tilespmem:s19+$0x10000]  }
0x1d1: {  	v7 =	vadd.s32 v10, v7;
	v10 =	vld [tilespmem:s19+$0x10800]  }
0x1d2: {  	v7 =	vadd.s32 v11, v7;
	v11 =	vld [tilespmem:s19+$0x11000]  }
0x1d3: {  	v7 =	vadd.s32 v12, v7;
	v12 =	vld [tilespmem:s19+$0x11800]  }
0x1d4: {  	v7 =	vadd.s32 v8, v7  }
0x1d5: {  	v7 =	vadd.s32 v9, v7  }
.Ltmp6:
0x1d6: {  	v7 =	vadd.s32 v10, v7;
	(pc) =	sbr.rel @p0 .LBB2_14-.Ltmp6, $4  }
0x1d7: {  	v7 =	vadd.s32 v11, v7  }
0x1d8: {  	s18 =	sadd.s32 $0x10, s18;
	v7 =	vadd.s32 v12, v7  }
0x1d9: {  	s19 =	sand.u32 $0x7F0, s21;
	[tilespmem:s18+$0x0] =	vst v7  }
0x1da: {  	s20 =	sadd.s32 $0x10, s20;
	s21 =	sadd.s32 $0x10, s21;
	v7 =	vld [tilespmem:s19+$0xA800]  }
0x1db: {  	v8 =	vld [tilespmem:s20+$0x0]  }
0x1dc: {  	v9 =	vld [tilespmem:s19+$0xB000]  }
0x1dd: {  	v10 =	vld [tilespmem:s19+$0xB800]  }
0x1de: {  	v11 =	vld [tilespmem:s19+$0xC000]  }
0x1df: {  	v12 =	vld [tilespmem:s19+$0xC800]  }
0x1e0: {  	v7 =	vadd.s32 v8, v7;
	v8 =	vld [tilespmem:s19+$0xD000]  }
0x1e1: {  	v7 =	vadd.s32 v9, v7;
	v9 =	vld [tilespmem:s19+$0xD800]  }
0x1e2: {  	v7 =	vadd.s32 v10, v7;
	v10 =	vld [tilespmem:s19+$0xE000]  }
0x1e3: {  	v7 =	vadd.s32 v11, v7;
	v11 =	vld [tilespmem:s19+$0xE800]  }
0x1e4: {  	v57 =	vld [tilespmem:s19+$0xF000];
	v7 =	vadd.s32 v12, v7  }
0x1e5: {  	v7 =	vadd.s32 v8, v7;
	v8 =	vld [tilespmem:s19+$0xF800]  }
0x1e6: {  	v7 =	vadd.s32 v9, v7;
	v9 =	vld [tilespmem:s19+$0x10000]  }
0x1e7: {  	v7 =	vadd.s32 v10, v7;
	v10 =	vld [tilespmem:s19+$0x10800]  }
0x1e8: {  	v7 =	vadd.s32 v11, v7;
	v11 =	vld [tilespmem:s19+$0x11000]  }
0x1e9: {  	v58 =	vld [tilespmem:s19+$0x11800];
	v7 =	vadd.s32 v57, v7  }
0x1ea: {  	v7 =	vadd.s32 v8, v7  }
0x1eb: {  	v7 =	vadd.s32 v9, v7  }
0x1ec: {  	v7 =	vadd.s32 v10, v7  }
0x1ed: {  	v7 =	vadd.s32 v11, v7  }
0x1ee: {  	s0 =	sadd.s32 $0x10, s18;
	v7 =	vadd.s32 v58, v7  }
0x1ef: {  	[tilespmem:s0+$0x0] =	vst v7  }
0x1f0: {  	s31 =	simm.s32 $0x7F0;
	[bflag:$0x0] =	sbarrier.arrive $0xFFFF  }
0x1f1: {  	v7 =	vld [tilespmem:s31+$0x12080];
	_ =	sdelay $0x2  }
0x1f2: {  	s1 =	simm.s32 $0x7E0  }
0x1f3: {  	v8 =	vld [tilespmem:s1+$0x12080]  }
0x1f4: {  	v9 =	vperm.xlane v7, v3  }
0x1f5: {  	(xrf0) =	vadd.scan.msk.s32 $0xffff, v7  }
0x1f6: {  	(xrf0) =	vadd.scan.msk.s32 $0xffff, v9;
	_ =	sdelay $0x1  }
0x1f7: {  	s18 =	simm.s32 $0x7D0;
	(xrf0) =	vadd.scan.msk.s32 $0xffff, v8;
	v8 =	vperm.xlane v8, v3  }
0x1f8: {  	v7 =	vld [tilespmem:s18+$0x12080];
	_ =	sdelay $0x1  }
0x1f9: {  	s19 =	simm.s32 $0x7C0;
	s1 =	ssub.s32 s16, s17;
	v9, _, _ =	vpop (xrf0)  }
0x1fa: {  	s0 =	sadd.s32 $0x3E8, s1;
	(xrf0) =	vadd.scan.msk.s32 $0xffff, v8;
	(v2sf) =	vpush v9, $0xF;
	v9 =	vld [tilespmem:s19+$0x12080];
	v8, _, _ =	vpop (xrf0)  }
0x1fb: {  	p0 =	sgt.s32 s0, $0x1;
	v8 =	vperm.xlane v8, v3  }
0x1fc: {  	s20 =	simm.s32 $0x0;
	s0 =	simm.s32 @!p0 $0x1;
	v10 =	vperm.xlane v7, v3;
	(xrf0) =	vadd.scan.msk.s32 $0xffff, v7;
	v7, _, _ =	vpop (xrf0)  }
0x1fd: {  	(v2sf) =	vpush v7, $0xF;
	v7 =	vmov s0;
	v8 =	vadd.s32 s20, v8  }
0x1fe: {  	(xrf0) =	vadd.scan.msk.s32 $0xffff, v10;
	vm0 =	vge.s32 v8, v7  }
0x1ff: {  	(xrf0) =	vadd.scan.msk.s32 $0xffff, v9;
	v8 =	vperm.xlane v9, v3;
	v9 =	vmpcnt.ones.xlane vm0;
	_ =	sdelay $0x1  }
0x200: {  	v11, _, _ =	vpop (xrf0);
	(xrf0) =	vadd.scan.msk.s32 $0xffff, v8;
	v8 =	vxor.u32 $0x80000000, v9  }
0x201: {  	v59, _, _ =	vpop (xrf0)  }
0x202: {  	(v2sf) =	vpush v59, $0xF  }
0x203: {  	(xrf0) =	vmax.scan.msk.u32 $0xffff, v8;
	v8, _, _ =	vpop (xrf0)  }
0x204: {  	v9, _, _ =	vpop (xrf0)  }
0x205: {  	s21 =	simm.s32 $0x7B0;
	(v2sf) =	vpush v9, $0xF  }
0x206: {  	v10 =	vld [tilespmem:s21+$0x12080];
	_ =	sdelay $0x1  }
0x207: {  	v11 =	vperm.xlane v11, v3;
	s22 =	spop (v2sf)  }
0x208: {  	s23 =	simm.s32 $0x7A0;
	s0 =	sadd.s32 $0x0, s22  }
0x209: {  	v62 =	vld [tilespmem:s23+$0x12080];
	v11 =	vadd.s32 s0, v11  }
0x20a: {  	(xrf0) =	vadd.scan.msk.s32 $0xffff, v10;
	v10 =	vperm.xlane v10, v3;
	v8 =	vperm.xlane v8, v3;
	vm12 =	vge.s32 v11, v7;
	s24 =	spop (v2sf)  }
0x20b: {  	s25 =	simm.s32 $0x790;
	v11 =	vmpcnt.ones.xlane vm12;
	s0 =	sadd.s32 s0, s24  }
0x20c: {  	(xrf0) =	vadd.scan.msk.s32 $0xffff, v10;
	v10 =	vld [tilespmem:s25+$0x12080];
	v8 =	vadd.s32 s0, v8  }
0x20d: {  	v11 =	vxor.u32 $0x80000000, v11;
	vm13 =	vge.s32 v8, v7  }
0x20e: {  	v9, _, _ =	vpop (xrf0);
	v8 =	vperm.xlane v62, v3;
	(xrf0) =	vmax.scan.msk.u32 $0xffff, v11;
	v11 =	vmpcnt.ones.xlane vm13  }
0x20f: {  	(xrf0) =	vadd.scan.msk.s32 $0xffff, v62  }
0x210: {  	v60, _, _ =	vpop (xrf0);
	s26 =	spop (v2sf);
	(xrf0) =	vadd.scan.msk.s32 $0xffff, v8;
	v8 =	vperm.xlane v9, v3;
	v9 =	vxor.u32 $0x80000000, v11  }
0x211: {  	v61, _, _ =	vpop (xrf0);
	s0 =	sadd.s32 s0, s26;
	(xrf0) =	vmax.scan.msk.u32 $0xffff, v9;
	v9 =	vperm.xlane v10, v3  }
0x212: {  	(v2sf) =	vpush v60, $0xF;
	v11, _, _ =	vpop (xrf0);
	v8 =	vadd.s32 s0, v8  }
0x213: {  	s28 =	simm.s32 $0x780;
	(v2sf) =	vpush v61, $0xF;
	(xrf0) =	vadd.scan.msk.s32 $0xffff, v10;
	vm14 =	vge.s32 v8, v7;
	v8 =	vperm.xlane v11, v3;
	s29 =	spop (v2sf)  }
0x214: {  	v10 =	vld [tilespmem:s28+$0x12080];
	s16 =	sadd.s32 s0, s29  }
0x215: {  	(xrf0) =	vadd.scan.msk.s32 $0xffff, v9;
	v11 =	vmpcnt.ones.xlane vm14;
	v9, _, _ =	vpop (xrf0);
	v8 =	vadd.s32 s16, v8  }
0x216: {  	v12, _, _ =	vpop (xrf0)  }
0x217: {  	(v2sf) =	vpush v9, $0xF;
	v9 =	vxor.u32 $0x80000000, v11;
	v13, _, _ =	vpop (xrf0)  }
0x218: {  	vm15 =	vge.s32 v8, v7;
	(v2sf) =	vpush v12, $0xF;
	(xrf0) =	vmax.scan.msk.u32 $0xffff, v9;
	v8, _, _ =	vpop (xrf0)  }
0x219: {  	v11 =	vperm.xlane v10, v3;
	(xrf0) =	vadd.scan.msk.s32 $0xffff, v10;
	v10, _, _ =	vpop (xrf0);
	(v2sf) =	vpush v8, $0xF  }
0x21a: {  	(v2sf) =	vpush v10, $0xF;
	_ =	sdelay $0x4  }
0x21b: {  	s30 =	simm.s32 $0x770  }
0x21c: {  	v9 =	vld [tilespmem:s30+$0x12080];
	v63 =	vmpcnt.ones.xlane vm15  }
0x21d: {  	s31 =	spop (v2sf);
	(xrf0) =	vadd.scan.msk.s32 $0xffff, v11  }
0x21e: {  	s18 =	simm.s32 $0x1D80;
	s19 =	spop (v2sf);
	s17 =	sadd.s32 $0x0, s31;
	v11 =	vxor.u32 $0x80000000, v63;
	v8, _, _ =	vpop (xrf0);
	v10 =	vperm.xlane v13, v3  }
.LBB2_16:
0x21f: {  	s16 =	sadd.s32 s16, s19;
	s0 =	sadd.s32 $0x80000000, s17  }
0x220: {  	(xrf0) =	vmax.scan.msk.u32 $0xffff, v11;
	v11, _, _ =	vpop (xrf0);
	s1 =	smov.u32 s18;
	s20 =	sadd.s32 $0xFFFFFFC0, s18;
	p0 =	sne.s32 s18, $0x0  }
.Ltmp7:
0x221: {  	s1 =	sshra.s32 s1, $0x2;
	v14 =	vperm.xlane v9, v3;
	(xrf0) =	vadd.scan.msk.s32 $0xffff, v9;
	v13, _, _ =	vpop (xrf0);
	v10 =	vadd.s32 s16, v10;
	(v2sf) =	vpush v11, $0xF;
	(pc) =	sbr.rel @p0 .LBB2_16-.Ltmp7, $4  }
0x222: {  	v9 =	vld [tilespmem:s1+$0x12080];
	(v2sf) =	vpush v13, $0xF;
	vm0 =	vge.s32 v10, v7  }
0x223: {  	(xrf0) =	vadd.scan.msk.s32 $0xffff, v14;
	v12, _, _ =	vpop (xrf0);
	v11 =	vmpcnt.ones.xlane vm0  }
0x224: {  	s1 =	spop (v2sf)  }
0x225: {  	s18 =	smov.u32 s20;
	v10 =	vperm.xlane v8, v3;
	v8 =	vmov v12;
	v11 =	vxor.u32 $0x80000000, v11;
	s19 =	spop (v2sf);
	s17 =	sadd.s32 s1, s0  }
0x226: {  	v12, _, _ =	vpop (xrf0)  }
0x227: {  	v13, _, _ =	vpop (xrf0);
	(v2sf) =	vpush v12, $0xF  }
0x228: {  	(v2sf) =	vpush v13, $0xF;
	_ =	sdelay $0x5  }
0x229: {  	(xrf0) =	vmax.scan.msk.u32 $0xffff, v11;
	v11 =	vperm.xlane v9, v3  }
0x22a: {  	s0 =	sadd.s32 s16, s19;
	(xrf0) =	vadd.scan.msk.s32 $0xffff, v9  }
0x22b: {  	s18 =	spop (v2sf);
	v9 =	vadd.s32 s0, v10;
	(xrf0) =	vadd.scan.msk.s32 $0xffff, v11  }
0x22c: {  	[tilespmem:$0x12880] =	vst v4;
	v8 =	vperm.xlane v8, v3;
	s1 =	spop (v2sf)  }
0x22d: {  	[tilespmem:$0x12980] =	vst v5;
	s0 =	sadd.s32 s0, s1  }
0x22e: {  	[tilespmem:$0x12890] =	vst v4;
	vm0 =	vge.s32 v9, v7;
	v8 =	vadd.s32 s0, v8;
	v9, _, _ =	vpop (xrf0)  }
0x22f: {  	[tilespmem:$0x12990] =	vst v5;
	v11, _, _ =	vpop (xrf0);
	s26 =	spop (v2sf)  }
0x230: {  	[tilespmem:$0x128A0] =	vst v4;
	v62, _, _ =	vpop (xrf0);
	s28 =	spop (v2sf)  }
0x231: {  	[tilespmem:$0x129A0] =	vst v5;
	v10 =	vmpcnt.ones.xlane vm0;
	vm0 =	vge.s32 v8, v7;
	v9 =	vperm.xlane v9, v3;
	v8, _, _ =	vpop (xrf0);
	s29 =	spop (v2sf)  }
0x232: {  	[tilespmem:$0x128B0] =	vst v4;
	v8 =	vperm.xlane v8, v3;
	s0 =	sadd.s32 s0, s28;
	s30 =	spop (v2sf)  }
0x233: {  	[tilespmem:$0x129B0] =	vst v5;
	v10 =	vxor.u32 $0x80000000, v10;
	v63 =	vmpcnt.ones.xlane vm0;
	v9 =	vadd.s32 s0, v9;
	s0 =	sadd.s32 s0, s30  }
0x234: {  	[tilespmem:$0x128C0] =	vst v4;
	(xrf0) =	vmax.scan.msk.u32 $0xffff, v10;
	vm0 =	vge.s32 v9, v7;
	v8 =	vadd.s32 s0, v8  }
0x235: {  	[tilespmem:$0x129C0] =	vst v5;
	v9 =	vxor.u32 $0x80000000, v63;
	v10 =	vmpcnt.ones.xlane vm0;
	vm0 =	vge.s32 v8, v7  }
0x236: {  	[tilespmem:$0x128D0] =	vst v4;
	(xrf0) =	vmax.scan.msk.u32 $0xffff, v9;
	v8 =	vmpcnt.ones.xlane vm0  }
0x237: {  	[tilespmem:$0x129D0] =	vst v5;
	v7 =	vxor.u32 $0x80000000, v10  }
0x238: {  	[tilespmem:$0x128E0] =	vst v4;
	(xrf0) =	vmax.scan.msk.u32 $0xffff, v7  }
0x239: {  	[tilespmem:$0x129E0] =	vst v5;
	(v2sf) =	vpush v11, $0xF;
	v7 =	vxor.u32 $0x80000000, v8  }
0x23a: {  	[tilespmem:$0x128F0] =	vst v4;
	(v2sf) =	vpush v62, $0xF;
	v8, _, _ =	vpop (xrf0);
	(xrf0) =	vmax.scan.msk.u32 $0xffff, v7  }
0x23b: {  	[tilespmem:$0x129F0] =	vst v5;
	s31 =	simm.s32 $0x20;
	(v2sf) =	vpush v8, $0xF  }
0x23c: {  	v7, _, _ =	vpop (xrf0);
	v8 =	vld [tilespmem:s31+$0xFFFFFFE0]  }
0x23d: {  	(v2sf) =	vpush v7, $0xF  }
0x23e: {  	v7, _, _ =	vpop (xrf0)  }
0x23f: {  	(v2sf) =	vpush v7, $0xF  }
0x240: {  	v7, _, _ =	vpop (xrf0)  }
0x241: {  	(v2sf) =	vpush v7, $0xF;
	v7 =	vmax.f32 v8, $0.0e+00  }
0x242: {  	s17 =	sadd.s32 $0x80000000, s17;
	v7 =	vmul.f32 $2.048000000e+03, v7  }
0x243: {  	s0 =	sadd.s32 s18, s17  }
0x244: {  	s0 =	sadd.s32 $0x80000000, s0;
	v9 =	vtrunc.f32 v7  }
0x245: {  	s0 =	sadd.s32 s26, s0;
	v9 =	vcvt.f32.s32 v9  }
0x246: {  	s0 =	sadd.s32 $0x80000000, s0  }
0x247: {  	s0 =	sadd.s32 s29, s0;
	vm0 =	vlt.s32 v9, $0x7FF  }
0x248: {  	s18 =	spop (v2sf);
	s0 =	sadd.s32 $0x80000000, s0;
	v9 =	vnsel vm0, $0x7FF, v9  }
0x249: {  	s19 =	spop (v2sf);
	s0 =	sadd.s32 s18, s0;
	v10 =	vcvt.s32.f32 v9  }
0x24a: {  	s0 =	sadd.s32 $0x80000000, s0;
	s20 =	spop (v2sf)  }
0x24b: {  	s0 =	sadd.s32 s20, s0;
	v7 =	vsub.f32 v7, v10  }
0x24c: {  	s21 =	spop (v2sf);
	s0 =	sadd.s32 $0x80000000, s0  }
0x24d: {  	s0 =	sadd.s32 s21, s0;
	v7 =	vmul.f32 $2.048000000e+03, v7  }
0x24e: {  	s22 =	spop (v2sf);
	s0 =	sadd.s32 $0x80000000, s0  }
0x24f: {  	s0 =	sadd.s32 s22, s0;
	v7 =	vtrunc.f32 v7  }
0x250: {  	s0 =	sadd.s32 $0x80000000, s0;
	s23 =	spop (v2sf);
	v7 =	vcvt.f32.s32 v7  }
0x251: {  	s0 =	sadd.s32 s23, s0  }
0x252: {  	s0 =	sadd.s32 $0x80000000, s0;
	vm0 =	vgt.s32 v7, $0x0  }
0x253: {  	s0 =	sadd.s32 $0xFFFFFFFF, s0;
	v10 =	vnsel vm0, $0x0, v7  }
0x254: {  	v7 =	vmov s0;
	v10 =	vmin.u32 v10, $0x7FF  }
0x255: {  	vm0 =	veq.s32 v9, v6;
	vm1 =	vge.s32 v10, v7  }
0x256: {  	vm2 =	vgt.s32 v9, v6;
	vm0 =	vmand vm0, vm1  }
0x257: {  	p0 =	por $0x1, $0x1;
	s0 =	simm.s32 $0x0;
	vm1 =	vgt.f32 v8, $0.0e+00;
	vm0 =	vmor vm2, vm0  }
0x258: {  	s17 =	sadd.s32 $0x0, s10;
	s0 =	simm.s32 @!p0 $0x80;
	vm0 =	vmand vm1, vm0  }
0x259: {  	[tilespmem:s0+$0x12880] =	vst.msk vm0, v8;
	v8 =	vor.u32 s17, v0  }
0x25a: {  	v9 =	vmpcnt.ones.xlane vm0;
	[tilespmem:s0+$0x12980] =	vst.msk vm0, v8  }
0x25b: {  	v8 =	vld [tilespmem:s31+$0xFFFFFFF0]  }
0x25c: {  	v9 =	vxor.u32 $0x80000000, v9  }
0x25d: {  	(xrf0) =	vmax.scan.msk.u32 $0xffff, v9;
	_ =	sdelay $0x2  }
0x25e: {  	v9 =	vmax.f32 v8, $0.0e+00  }
0x25f: {  	v9 =	vmul.f32 $2.048000000e+03, v9;
	_ =	sdelay $0x1  }
0x260: {  	v10, _, _ =	vpop (xrf0);
	v11 =	vtrunc.f32 v9  }
0x261: {  	(v2sf) =	vpush v10, $0xF;
	v10 =	vcvt.f32.s32 v11;
	_ =	sdelay $0x1  }
0x262: {  	vm0 =	vlt.s32 v10, $0x7FF  }
0x263: {  	v10 =	vnsel vm0, $0x7FF, v10  }
0x264: {  	v11 =	vcvt.s32.f32 v10;
	_ =	sdelay $0x1  }
0x265: {  	v9 =	vsub.f32 v9, v11;
	_ =	sdelay $0x1  }
0x266: {  	v9 =	vmul.f32 $2.048000000e+03, v9;
	_ =	sdelay $0x1  }
0x267: {  	v9 =	vtrunc.f32 v9  }
0x268: {  	v9 =	vcvt.f32.s32 v9;
	_ =	sdelay $0x1  }
0x269: {  	vm0 =	vgt.s32 v9, $0x0  }
0x26a: {  	v9 =	vnsel vm0, $0x0, v9  }
0x26b: {  	s24 =	spop (v2sf);
	v9 =	vmin.u32 v9, $0x7FF  }
0x26c: {  	vm0 =	veq.s32 v10, v6;
	s0 =	sadd.s32 $0x0, s24;
	vm1 =	vge.s32 v9, v7  }
0x26d: {  	vm2 =	vgt.s32 v10, v6;
	s0 =	sadd.s32 $0x80000000, s0;
	vm0 =	vmand vm0, vm1  }
0x26e: {  	p0 =	slt.s32 s0, $0x80;
	vm1 =	vgt.f32 v8, $0.0e+00;
	s1 =	smov.u32 s0;
	vm0 =	vmor vm2, vm0  }
0x26f: {  	s25 =	sadd.s32 $0x10, s17;
	s1 =	simm.s32 @!p0 $0x80;
	vm0 =	vmand vm1, vm0  }
0x270: {  	[tilespmem:s1+$0x12880] =	vst.msk vm0, v8;
	v8 =	vor.u32 s25, v0  }
0x271: {  	v9 =	vmpcnt.ones.xlane vm0;
	[tilespmem:s1+$0x12980] =	vst.msk vm0, v8  }
0x272: {  	v8 =	vld [tilespmem:s31+$0x0]  }
0x273: {  	v9 =	vxor.u32 $0x80000000, v9  }
0x274: {  	(xrf0) =	vmax.scan.msk.u32 $0xffff, v9;
	_ =	sdelay $0x2  }
0x275: {  	v9 =	vmax.f32 v8, $0.0e+00  }
0x276: {  	v9 =	vmul.f32 $2.048000000e+03, v9;
	_ =	sdelay $0x1  }
0x277: {  	v10, _, _ =	vpop (xrf0);
	v11 =	vtrunc.f32 v9  }
0x278: {  	(v2sf) =	vpush v10, $0xF;
	v10 =	vcvt.f32.s32 v11;
	_ =	sdelay $0x1  }
0x279: {  	vm0 =	vlt.s32 v10, $0x7FF  }
0x27a: {  	v10 =	vnsel vm0, $0x7FF, v10  }
0x27b: {  	v11 =	vcvt.s32.f32 v10;
	_ =	sdelay $0x1  }
0x27c: {  	v9 =	vsub.f32 v9, v11;
	_ =	sdelay $0x1  }
0x27d: {  	v9 =	vmul.f32 $2.048000000e+03, v9;
	_ =	sdelay $0x1  }
0x27e: {  	v9 =	vtrunc.f32 v9  }
0x27f: {  	v9 =	vcvt.f32.s32 v9;
	_ =	sdelay $0x1  }
0x280: {  	vm0 =	vgt.s32 v9, $0x0  }
0x281: {  	v9 =	vnsel vm0, $0x0, v9  }
0x282: {  	s26 =	spop (v2sf);
	v9 =	vmin.u32 v9, $0x7FF  }
0x283: {  	vm0 =	veq.s32 v10, v6;
	s0 =	sadd.s32 s26, s0;
	vm1 =	vge.s32 v9, v7  }
0x284: {  	vm2 =	vgt.s32 v10, v6;
	s0 =	sadd.s32 $0x80000000, s0;
	vm0 =	vmand vm0, vm1  }
0x285: {  	p0 =	slt.s32 s0, $0x80;
	vm1 =	vgt.f32 v8, $0.0e+00;
	s1 =	smov.u32 s0;
	vm0 =	vmor vm2, vm0  }
0x286: {  	s28 =	sadd.s32 $0x20, s17;
	s1 =	simm.s32 @!p0 $0x80;
	vm0 =	vmand vm1, vm0  }
0x287: {  	[tilespmem:s1+$0x12880] =	vst.msk vm0, v8;
	v8 =	vor.u32 s28, v0  }
0x288: {  	v9 =	vmpcnt.ones.xlane vm0;
	[tilespmem:s1+$0x12980] =	vst.msk vm0, v8  }
0x289: {  	v8 =	vld [tilespmem:s31+$0x10]  }
0x28a: {  	v9 =	vxor.u32 $0x80000000, v9  }
0x28b: {  	(xrf0) =	vmax.scan.msk.u32 $0xffff, v9;
	_ =	sdelay $0x2  }
0x28c: {  	v9 =	vmax.f32 v8, $0.0e+00  }
0x28d: {  	v9 =	vmul.f32 $2.048000000e+03, v9;
	_ =	sdelay $0x1  }
0x28e: {  	v10, _, _ =	vpop (xrf0);
	v11 =	vtrunc.f32 v9  }
0x28f: {  	(v2sf) =	vpush v10, $0xF;
	v10 =	vcvt.f32.s32 v11;
	_ =	sdelay $0x1  }
0x290: {  	vm0 =	vlt.s32 v10, $0x7FF  }
0x291: {  	v10 =	vnsel vm0, $0x7FF, v10  }
0x292: {  	v11 =	vcvt.s32.f32 v10;
	_ =	sdelay $0x1  }
0x293: {  	v9 =	vsub.f32 v9, v11;
	_ =	sdelay $0x1  }
0x294: {  	v9 =	vmul.f32 $2.048000000e+03, v9;
	_ =	sdelay $0x1  }
0x295: {  	v9 =	vtrunc.f32 v9  }
0x296: {  	v9 =	vcvt.f32.s32 v9;
	_ =	sdelay $0x1  }
0x297: {  	vm0 =	vgt.s32 v9, $0x0  }
0x298: {  	v9 =	vnsel vm0, $0x0, v9  }
0x299: {  	s29 =	spop (v2sf);
	v9 =	vmin.u32 v9, $0x7FF  }
0x29a: {  	vm0 =	veq.s32 v10, v6;
	s0 =	sadd.s32 s29, s0;
	vm1 =	vge.s32 v9, v7  }
0x29b: {  	vm2 =	vgt.s32 v10, v6;
	s0 =	sadd.s32 $0x80000000, s0;
	vm0 =	vmand vm0, vm1  }
0x29c: {  	vm1 =	vgt.f32 v8, $0.0e+00;
	p0 =	slt.s32 s0, $0x80;
	s1 =	smov.u32 s0;
	vm0 =	vmor vm2, vm0  }
0x29d: {  	s30 =	sadd.s32 $0x30, s17;
	s1 =	simm.s32 @!p0 $0x80;
	vm0 =	vmand vm1, vm0  }
0x29e: {  	[tilespmem:s1+$0x12880] =	vst.msk vm0, v8;
	v8 =	vor.u32 s30, v0  }
0x29f: {  	s16 =	simm.s32 $0x60;
	v9 =	vmpcnt.ones.xlane vm0;
	[tilespmem:s1+$0x12980] =	vst.msk vm0, v8  }
0x2a0: {  	v8 =	vld [tilespmem:s16+$0xFFFFFFE0]  }
0x2a1: {  	v9 =	vxor.u32 $0x80000000, v9  }
0x2a2: {  	(xrf0) =	vmax.scan.msk.u32 $0xffff, v9;
	_ =	sdelay $0x2  }
0x2a3: {  	v9 =	vmax.f32 v8, $0.0e+00;
	_ =	sdelay $0x1  }
0x2a4: {  	v10 =	vmul.f32 $2.048000000e+03, v9  }
0x2a5: {  	v9, _, _ =	vpop (xrf0)  }
0x2a6: {  	v11 =	vtrunc.f32 v10;
	(v2sf) =	vpush v9, $0xF  }
0x2a7: {  	v9 =	vcvt.f32.s32 v11;
	_ =	sdelay $0x1  }
0x2a8: {  	vm0 =	vlt.s32 v9, $0x7FF  }
0x2a9: {  	v9 =	vnsel vm0, $0x7FF, v9  }
0x2aa: {  	v11 =	vcvt.s32.f32 v9;
	_ =	sdelay $0x1  }
0x2ab: {  	v10 =	vsub.f32 v10, v11;
	_ =	sdelay $0x1  }
0x2ac: {  	v10 =	vmul.f32 $2.048000000e+03, v10;
	_ =	sdelay $0x1  }
0x2ad: {  	v10 =	vtrunc.f32 v10  }
0x2ae: {  	v10 =	vcvt.f32.s32 v10;
	_ =	sdelay $0x1  }
0x2af: {  	vm0 =	vgt.s32 v10, $0x0  }
0x2b0: {  	v10 =	vnsel vm0, $0x0, v10;
	s31 =	spop (v2sf)  }
0x2b1: {  	s18 =	simm.s32 $0x80;
	s17 =	simm.s32 $0x40;
	vm0 =	veq.s32 v9, v6;
	v10 =	vmin.u32 v10, $0x7FF;
	s19 =	sadd.s32 s31, s0  }
.LBB2_18:
0x2b2: {  	p0 =	sne.s32 s18, $0x9FC0  }
0x2b3: {  	vm1 =	vge.s32 v10, v7;
	s21 =	sadd.s32 $0x80000000, s19;
	s0 =	smov.u32 s18;
	s18 =	sadd.s32 $0x40, s18  }
0x2b4: {  	vm2 =	vgt.s32 v9, v6;
	vm0 =	vmand vm0, vm1;
	p1 =	slt.s32 s21, $0x80  }
0x2b5: {  	vm1 =	vgt.f32 v8, $0.0e+00;
	s1 =	smov.u32 s21;
	vm0 =	vmor vm2, vm0  }
0x2b6: {  	s19 =	sadd.s32 s17, s10;
	s17 =	smov.u32 s0;
	s1 =	simm.s32 @!p1 $0x80;
	vm0 =	vmand vm1, vm0  }
0x2b7: {  	s22 =	sadd.s32 $0x10, s19;
	s20 =	sadd.s32 $0x20, s19;
	[tilespmem:s1+$0x12880] =	vst.msk vm0, v8;
	v8 =	vor.u32 s19, v0;
	v9 =	vmpcnt.ones.xlane vm0;
	s19 =	sadd.s32 $0x30, s19  }
0x2b8: {  	[tilespmem:s1+$0x12980] =	vst.msk vm0, v8  }
0x2b9: {  	v8 =	vxor.u32 $0x80000000, v9;
	v9 =	vld [tilespmem:s16+$0xFFFFFFF0]  }
0x2ba: {  	(xrf0) =	vmax.scan.msk.u32 $0xffff, v8;
	_ =	sdelay $0x3  }
0x2bb: {  	v8 =	vmax.f32 v9, $0.0e+00  }
0x2bc: {  	v8 =	vmul.f32 $2.048000000e+03, v8  }
0x2bd: {  	v10, _, _ =	vpop (xrf0)  }
0x2be: {  	v11 =	vtrunc.f32 v8;
	(v2sf) =	vpush v10, $0xF  }
0x2bf: {  	v10 =	vcvt.f32.s32 v11;
	_ =	sdelay $0x1  }
0x2c0: {  	vm0 =	vlt.s32 v10, $0x7FF  }
0x2c1: {  	v10 =	vnsel vm0, $0x7FF, v10  }
0x2c2: {  	v11 =	vcvt.s32.f32 v10;
	_ =	sdelay $0x1  }
0x2c3: {  	v8 =	vsub.f32 v8, v11;
	_ =	sdelay $0x1  }
0x2c4: {  	v8 =	vmul.f32 $2.048000000e+03, v8;
	_ =	sdelay $0x1  }
0x2c5: {  	v8 =	vtrunc.f32 v8  }
0x2c6: {  	v8 =	vcvt.f32.s32 v8;
	_ =	sdelay $0x1  }
0x2c7: {  	vm0 =	vgt.s32 v8, $0x0  }
0x2c8: {  	v8 =	vnsel vm0, $0x0, v8;
	s0 =	spop (v2sf)  }
0x2c9: {  	s0 =	sadd.s32 s0, s21;
	v8 =	vmin.u32 v8, $0x7FF  }
0x2ca: {  	vm0 =	veq.s32 v10, v6;
	s21 =	sadd.s32 $0x80000000, s0;
	vm1 =	vge.s32 v8, v7  }
0x2cb: {  	vm2 =	vgt.s32 v10, v6;
	vm0 =	vmand vm0, vm1;
	p1 =	slt.s32 s21, $0x80  }
0x2cc: {  	vm1 =	vgt.f32 v9, $0.0e+00;
	s0 =	smov.u32 s21;
	vm0 =	vmor vm2, vm0  }
0x2cd: {  	s0 =	simm.s32 @!p1 $0x80;
	vm0 =	vmand vm1, vm0  }
0x2ce: {  	v8 =	vor.u32 s22, v0;
	[tilespmem:s0+$0x12880] =	vst.msk vm0, v9;
	v9 =	vmpcnt.ones.xlane vm0  }
0x2cf: {  	[tilespmem:s0+$0x12980] =	vst.msk vm0, v8  }
0x2d0: {  	v8 =	vxor.u32 $0x80000000, v9;
	v9 =	vld [tilespmem:s16+$0x0]  }
0x2d1: {  	(xrf0) =	vmax.scan.msk.u32 $0xffff, v8;
	_ =	sdelay $0x3  }
0x2d2: {  	v8 =	vmax.f32 v9, $0.0e+00  }
0x2d3: {  	v8 =	vmul.f32 $2.048000000e+03, v8  }
0x2d4: {  	v10, _, _ =	vpop (xrf0)  }
0x2d5: {  	v11 =	vtrunc.f32 v8;
	(v2sf) =	vpush v10, $0xF  }
0x2d6: {  	v10 =	vcvt.f32.s32 v11;
	_ =	sdelay $0x1  }
0x2d7: {  	vm0 =	vlt.s32 v10, $0x7FF  }
0x2d8: {  	v10 =	vnsel vm0, $0x7FF, v10  }
0x2d9: {  	v11 =	vcvt.s32.f32 v10;
	_ =	sdelay $0x1  }
0x2da: {  	v8 =	vsub.f32 v8, v11;
	_ =	sdelay $0x1  }
0x2db: {  	v8 =	vmul.f32 $2.048000000e+03, v8;
	_ =	sdelay $0x1  }
0x2dc: {  	v8 =	vtrunc.f32 v8  }
0x2dd: {  	v8 =	vcvt.f32.s32 v8;
	_ =	sdelay $0x1  }
0x2de: {  	vm0 =	vgt.s32 v8, $0x0  }
0x2df: {  	v8 =	vnsel vm0, $0x0, v8;
	s0 =	spop (v2sf)  }
0x2e0: {  	s0 =	sadd.s32 s0, s21;
	v8 =	vmin.u32 v8, $0x7FF  }
0x2e1: {  	vm0 =	veq.s32 v10, v6;
	s21 =	sadd.s32 $0x80000000, s0;
	vm1 =	vge.s32 v8, v7  }
0x2e2: {  	vm2 =	vgt.s32 v10, v6;
	vm0 =	vmand vm0, vm1;
	p1 =	slt.s32 s21, $0x80  }
0x2e3: {  	vm1 =	vgt.f32 v9, $0.0e+00;
	s0 =	smov.u32 s21;
	vm0 =	vmor vm2, vm0  }
0x2e4: {  	s0 =	simm.s32 @!p1 $0x80;
	vm0 =	vmand vm1, vm0  }
0x2e5: {  	v8 =	vor.u32 s20, v0;
	[tilespmem:s0+$0x12880] =	vst.msk vm0, v9;
	v9 =	vmpcnt.ones.xlane vm0  }
0x2e6: {  	[tilespmem:s0+$0x12980] =	vst.msk vm0, v8  }
0x2e7: {  	v8 =	vxor.u32 $0x80000000, v9;
	v9 =	vld [tilespmem:s16+$0x10]  }
0x2e8: {  	(xrf0) =	vmax.scan.msk.u32 $0xffff, v8;
	_ =	sdelay $0x3  }
0x2e9: {  	v8 =	vmax.f32 v9, $0.0e+00  }
0x2ea: {  	v8 =	vmul.f32 $2.048000000e+03, v8  }
0x2eb: {  	v10, _, _ =	vpop (xrf0)  }
0x2ec: {  	v11 =	vtrunc.f32 v8;
	(v2sf) =	vpush v10, $0xF  }
0x2ed: {  	v10 =	vcvt.f32.s32 v11;
	_ =	sdelay $0x1  }
0x2ee: {  	vm0 =	vlt.s32 v10, $0x7FF  }
0x2ef: {  	v10 =	vnsel vm0, $0x7FF, v10  }
0x2f0: {  	v11 =	vcvt.s32.f32 v10;
	_ =	sdelay $0x1  }
0x2f1: {  	v8 =	vsub.f32 v8, v11;
	_ =	sdelay $0x1  }
0x2f2: {  	v8 =	vmul.f32 $2.048000000e+03, v8;
	_ =	sdelay $0x1  }
0x2f3: {  	v8 =	vtrunc.f32 v8  }
0x2f4: {  	v8 =	vcvt.f32.s32 v8;
	_ =	sdelay $0x1  }
0x2f5: {  	vm0 =	vgt.s32 v8, $0x0  }
0x2f6: {  	v8 =	vnsel vm0, $0x0, v8;
	s0 =	spop (v2sf)  }
0x2f7: {  	s0 =	sadd.s32 s0, s21;
	v8 =	vmin.u32 v8, $0x7FF  }
0x2f8: {  	vm0 =	veq.s32 v10, v6;
	vm1 =	vge.s32 v8, v7  }
0x2f9: {  	vm2 =	vgt.s32 v10, v6;
	s20 =	sadd.s32 $0x80000000, s0;
	vm0 =	vmand vm0, vm1  }
0x2fa: {  	vm1 =	vgt.f32 v9, $0.0e+00;
	p1 =	slt.s32 s20, $0x80;
	s0 =	smov.u32 s20;
	vm0 =	vmor vm2, vm0  }
0x2fb: {  	s0 =	simm.s32 @!p1 $0x80;
	vm0 =	vmand vm1, vm0  }
0x2fc: {  	v8 =	vor.u32 s19, v0;
	[tilespmem:s0+$0x12880] =	vst.msk vm0, v9;
	v9 =	vmpcnt.ones.xlane vm0  }
0x2fd: {  	s16 =	sadd.s32 $0x40, s16;
	[tilespmem:s0+$0x12980] =	vst.msk vm0, v8  }
0x2fe: {  	v8 =	vld [tilespmem:s16+$0xFFFFFFE0];
	v9 =	vxor.u32 $0x80000000, v9  }
0x2ff: {  	(xrf0) =	vmax.scan.msk.u32 $0xffff, v9;
	_ =	sdelay $0x3  }
0x300: {  	v11 =	vmax.f32 v8, $0.0e+00  }
0x301: {  	v10 =	vmul.f32 $2.048000000e+03, v11  }
0x302: {  	v9, _, _ =	vpop (xrf0)  }
0x303: {  	v11 =	vtrunc.f32 v10;
	(v2sf) =	vpush v9, $0xF  }
0x304: {  	v9 =	vcvt.f32.s32 v11;
	_ =	sdelay $0x1  }
0x305: {  	vm0 =	vlt.s32 v9, $0x7FF  }
0x306: {  	v9 =	vnsel vm0, $0x7FF, v9  }
0x307: {  	vm0 =	veq.s32 v9, v6;
	v11 =	vcvt.s32.f32 v9;
	_ =	sdelay $0x1  }
0x308: {  	v10 =	vsub.f32 v10, v11;
	_ =	sdelay $0x1  }
0x309: {  	v10 =	vmul.f32 $2.048000000e+03, v10;
	_ =	sdelay $0x1  }
0x30a: {  	v10 =	vtrunc.f32 v10  }
.Ltmp8:
0x30b: {  	v10 =	vcvt.f32.s32 v10;
	(pc) =	sbr.rel @p0 .LBB2_18-.Ltmp8, $4  }
0x30c: {  	_ = 	snop  }
0x30d: {  	vm1 =	vgt.s32 v10, $0x0  }
0x30e: {  	v10 =	vnsel vm1, $0x0, v10;
	s0 =	spop (v2sf)  }
0x30f: {  	v10 =	vmin.u32 v10, $0x7FF;
	s19 =	sadd.s32 s0, s20  }
0x310: {  	vm1 =	vge.s32 v10, v7  }
0x311: {  	s0 =	sadd.s32 $0x80000000, s19;
	vm2 =	vgt.s32 v9, v6;
	vm0 =	vmand vm0, vm1  }
0x312: {  	vm9 =	vgt.f32 v8, $0.0e+00;
	p0 =	slt.s32 s0, $0x80;
	s1 =	smov.u32 s0;
	vm0 =	vmor vm2, vm0  }
0x313: {  	s17 =	sadd.s32 s17, s10;
	s1 =	simm.s32 @!p0 $0x80;
	vm0 =	vmand vm9, vm0  }
0x314: {  	v46 =	vor.u32 s17, v0;
	[tilespmem:s1+$0x12880] =	vst.msk vm0, v8  }
0x315: {  	v47 =	vmpcnt.ones.xlane vm0;
	[tilespmem:s1+$0x12980] =	vst.msk vm0, v46  }
0x316: {  	v8 =	vld [tilespmem:s16+$0xFFFFFFF0]  }
0x317: {  	v9 =	vxor.u32 $0x80000000, v47  }
0x318: {  	(xrf0) =	vmax.scan.msk.u32 $0xffff, v9;
	_ =	sdelay $0x2  }
0x319: {  	v48 =	vmax.f32 v8, $0.0e+00  }
0x31a: {  	v9 =	vmul.f32 $2.048000000e+03, v48;
	_ =	sdelay $0x1  }
0x31b: {  	v49, _, _ =	vpop (xrf0);
	v11 =	vtrunc.f32 v9  }
0x31c: {  	(v2sf) =	vpush v49, $0xF;
	v50 =	vcvt.f32.s32 v11;
	_ =	sdelay $0x1  }
0x31d: {  	vm10 =	vlt.s32 v50, $0x7FF  }
0x31e: {  	v10 =	vnsel vm10, $0x7FF, v50  }
0x31f: {  	v51 =	vcvt.s32.f32 v10;
	_ =	sdelay $0x1  }
0x320: {  	v9 =	vsub.f32 v9, v51;
	_ =	sdelay $0x1  }
0x321: {  	v9 =	vmul.f32 $2.048000000e+03, v9;
	_ =	sdelay $0x1  }
0x322: {  	v9 =	vtrunc.f32 v9  }
0x323: {  	v9 =	vcvt.f32.s32 v9;
	_ =	sdelay $0x1  }
0x324: {  	vm11 =	vgt.s32 v9, $0x0  }
0x325: {  	v9 =	vnsel vm11, $0x0, v9  }
0x326: {  	s25 =	spop (v2sf);
	v9 =	vmin.u32 v9, $0x7FF  }
0x327: {  	vm12 =	veq.s32 v10, v6;
	s0 =	sadd.s32 s25, s0;
	vm13 =	vge.s32 v9, v7  }
0x328: {  	vm14 =	vgt.s32 v10, v6;
	s0 =	sadd.s32 $0x80000000, s0;
	vm0 =	vmand vm12, vm13  }
0x329: {  	vm15 =	vgt.f32 v8, $0.0e+00;
	p0 =	slt.s32 s0, $0x80;
	s1 =	smov.u32 s0;
	vm0 =	vmor vm14, vm0  }
0x32a: {  	s18 =	sadd.s32 $0x10, s17;
	s1 =	simm.s32 @!p0 $0x80;
	vm0 =	vmand vm15, vm0  }
0x32b: {  	v52 =	vor.u32 s18, v0;
	[tilespmem:s1+$0x12880] =	vst.msk vm0, v8  }
0x32c: {  	v53 =	vmpcnt.ones.xlane vm0;
	[tilespmem:s1+$0x12980] =	vst.msk vm0, v52  }
0x32d: {  	v8 =	vld [tilespmem:s16+$0x0]  }
0x32e: {  	v9 =	vxor.u32 $0x80000000, v53  }
0x32f: {  	(xrf0) =	vmax.scan.msk.u32 $0xffff, v9;
	_ =	sdelay $0x2  }
0x330: {  	v54 =	vmax.f32 v8, $0.0e+00  }
0x331: {  	v9 =	vmul.f32 $2.048000000e+03, v54;
	_ =	sdelay $0x1  }
0x332: {  	v55, _, _ =	vpop (xrf0);
	v56 =	vtrunc.f32 v9  }
0x333: {  	(v2sf) =	vpush v55, $0xF;
	v57 =	vcvt.f32.s32 v56;
	_ =	sdelay $0x1  }
0x334: {  	vm4 =	vlt.s32 v57, $0x7FF  }
0x335: {  	v10 =	vnsel vm4, $0x7FF, v57  }
0x336: {  	v58 =	vcvt.s32.f32 v10;
	_ =	sdelay $0x1  }
0x337: {  	v9 =	vsub.f32 v9, v58;
	_ =	sdelay $0x1  }
0x338: {  	v9 =	vmul.f32 $2.048000000e+03, v9;
	_ =	sdelay $0x1  }
0x339: {  	v9 =	vtrunc.f32 v9  }
0x33a: {  	v9 =	vcvt.f32.s32 v9;
	_ =	sdelay $0x1  }
0x33b: {  	vm5 =	vgt.s32 v9, $0x0  }
0x33c: {  	v9 =	vnsel vm5, $0x0, v9  }
0x33d: {  	s26 =	spop (v2sf);
	v9 =	vmin.u32 v9, $0x7FF  }
0x33e: {  	vm6 =	veq.s32 v10, v6;
	s0 =	sadd.s32 s26, s0;
	vm7 =	vge.s32 v9, v7  }
0x33f: {  	vm8 =	vgt.s32 v10, v6;
	s0 =	sadd.s32 $0x80000000, s0;
	vm0 =	vmand vm6, vm7  }
0x340: {  	vm9 =	vgt.f32 v8, $0.0e+00;
	p0 =	slt.s32 s0, $0x80;
	s1 =	smov.u32 s0;
	vm0 =	vmor vm8, vm0  }
0x341: {  	s28 =	sadd.s32 $0x20, s17;
	s1 =	simm.s32 @!p0 $0x80;
	vm0 =	vmand vm9, vm0  }
0x342: {  	v59 =	vor.u32 s28, v0;
	[tilespmem:s1+$0x12880] =	vst.msk vm0, v8  }
0x343: {  	[tilespmem:s1+$0x12980] =	vst.msk vm0, v59  }
0x344: {  	v8 =	vld [tilespmem:s16+$0x10];
	_ =	sdelay $0x4  }
0x345: {  	v60 =	vmax.f32 v8, $0.0e+00  }
0x346: {  	v9 =	vmul.f32 $2.048000000e+03, v60;
	_ =	sdelay $0x1  }
0x347: {  	v61 =	vtrunc.f32 v9  }
0x348: {  	v10 =	vcvt.f32.s32 v61;
	_ =	sdelay $0x1  }
0x349: {  	vm10 =	vlt.s32 v10, $0x7FF  }
0x34a: {  	v10 =	vnsel vm10, $0x7FF, v10  }
0x34b: {  	v62 =	vcvt.s32.f32 v10;
	_ =	sdelay $0x1  }
0x34c: {  	v9 =	vsub.f32 v9, v62;
	_ =	sdelay $0x1  }
0x34d: {  	v9 =	vmul.f32 $2.048000000e+03, v9;
	_ =	sdelay $0x1  }
0x34e: {  	v9 =	vtrunc.f32 v9  }
0x34f: {  	v9 =	vcvt.f32.s32 v9  }
0x350: {  	v63 =	vmpcnt.ones.xlane vm0  }
0x351: {  	vm11 =	vgt.s32 v9, $0x0  }
0x352: {  	v11 =	vxor.u32 $0x80000000, v63;
	v9 =	vnsel vm11, $0x0, v9  }
0x353: {  	(xrf0) =	vmax.scan.msk.u32 $0xffff, v11;
	v9 =	vmin.u32 v9, $0x7FF  }
0x354: {  	vm13 =	veq.s32 v10, v6;
	vm12 =	vge.s32 v9, v7  }
0x355: {  	vm14 =	vgt.s32 v10, v6;
	vm0 =	vmand vm13, vm12  }
0x356: {  	vm15 =	vgt.f32 v8, $0.0e+00;
	vm0 =	vmor vm14, vm0  }
0x357: {  	vm0 =	vmand vm15, vm0  }
0x358: {  	v6 =	vmpcnt.ones.xlane vm0  }
0x359: {  	v7, _, _ =	vpop (xrf0)  }
0x35a: {  	(v2sf) =	vpush v7, $0xF;
	v6 =	vxor.u32 $0x80000000, v6  }
0x35b: {  	(xrf0) =	vmax.scan.msk.u32 $0xffff, v6;
	_ =	sdelay $0x5  }
0x35c: {  	v6, _, _ =	vpop (xrf0)  }
0x35d: {  	(v2sf) =	vpush v6, $0xF;
	_ =	sdelay $0x6  }
0x35e: {  	s29 =	spop (v2sf)  }
0x35f: {  	s0 =	sadd.s32 s29, s0  }
0x360: {  	s0 =	sadd.s32 $0x80000000, s0  }
0x361: {  	p0 =	slt.s32 s0, $0x80  }
0x362: {  	s30 =	sadd.s32 $0x30, s17;
	s0 =	simm.s32 @!p0 $0x80  }
0x363: {  	v6 =	vor.u32 s30, v0;
	[tilespmem:s0+$0x12880] =	vst.msk vm0, v8  }
0x364: {  	[tilespmem:s0+$0x12980] =	vst.msk vm0, v6  }
0x365: {  	[hbm4b:s7+s3] =	stream.linear.scatter [tilespmem:s13], [sflag:$0x1], $0x80, $0x38;
	[tilespmem:$0x13280] =	vst v63  }
0x366: {  	s31 =	spop (v2sf)  }
0x367: {  	s15 =	sadd.s32 $0x1, s15;
	_ =	swait.ge [sflag:s11], $0x80  }
0x368: {  	p0 =	sne.s32 s15, s9;
	[sflag:s11] =	ssyncset.done $0x0  }
.Ltmp9:
0x369: {  	[sflag:s11] =	ssyncadd.s32 $0xFFFFFF80;
	(pc) =	sbr.rel @p0 .LBB2_1-.Ltmp9, $4  }
0x36a: {  	[hbm4b:s8+s3] =	stream.linear.scatter [tilespmem:s14], [sflag:$0x1], $0x80, $0x38;
	[tilespmem:$0x13280] =	vst v63  }
0x36b: {  	_ =	swait.ge [sflag:s11], $0x80  }
0x36c: {  	[sflag:s11] =	ssyncset.done $0x0  }
0x36d: {  	[sflag:s11] =	ssyncadd.s32 $0xFFFFFF80  }
0x36e: {  	_ =	sfence.sel $0x180000  }
0x36f: {  	[bflag:$0x0] =	sbarrier.arrive $0xFFFF  }
0x370: {  	_ =	strace $0x90000047  }
0x371: {  	s0 =	stileid.u32;
	[bflag:$0x2] =	sbarrier.arrive $0xFFFF  }
0x372: {  	p0 =	sne.s32 s0, $0x0;
	s0 =	rddreg [dreg:$0x2]  }
0x373: {  	s0 =	sadd.s32 @!p0 $0x100000, s0  }
0x374: {  	[sflag:s0] =	ssyncadd.tile.s32 @!p0 $0x1;
	_ =	shalt  }
.Lfunc_end2:
_tile_overlayer_lowered:
.L_overlay_start_2:
0x375: {  	(tag) =	ssettag $0x2  }
0x376: {  	s0 =	rddreg [dreg:$0x0];
	s2 =	stileid.u32  }
0x377: {  	s1 =	rddreg [dreg:$0x1];
	p0 =	sne.s32 s2, $0x0  }
0x378: {  	s3 =	rddreg [dreg:$0x2];
	[bflag:$0x3] =	sbarrier.arrive $0xFFFF;
	s2 =	simm.s32 @!p0 $0x1C01  }
0x379: {  	[timem:s3], [sflag:s2] =	dma.local @!p0 [hbm:s0], s1  }
0x37a: {  	s0 =	simm.s32 @!p0 $0x1  }
0x37b: {  	_ =	swait.ge @!p0 [sflag:s0], s1  }
0x37c: {  	s1 =	ssub.s32 @!p0 $0x0, s1;
	[sflag:s0] =	ssyncset.done @!p0 $0x0  }
0x37d: {  	[sflag:s0] =	ssyncadd.s32 @!p0 s1  }
0x37e: {  	[bflag:$0x3] =	sbarrier.arrive $0xFFFF  }
0x37f: {  	_ =	shalt  }

</sc_bundles>
